<compile_context>
chip_gen: v7x
topology: tpu7x:2x2x1
jax: 0.10.2.dev20260603
libtpu: 0.0.44.dev20260713+nightly
codegen_flags: <defaults>
</compile_context>

<pallas_src>
import jax
import jax.numpy as jnp
from jax import lax
from jax.experimental import pallas as pl
from jax.experimental.pallas import tpu as pltpu
from jax.experimental.pallas import tpu_sc as plsc

N_BINS = 256
K_CELLS = 2048
PAD_E = 384
N_SEARCH = 512


def _sc_body(t_hbm, lt_hbm, lu_hbm, out_hbm,
             t_v, out_v, lt_v, lu_v, et_v, eu_v, cs_v, tbl_v, sem):
    nc = 2
    wid = lax.axis_index("s") * nc + lax.axis_index("c")
    ncols = t_hbm.shape[1]
    nrows = t_hbm.shape[0] // (nc * 16)
    base = wid * nrows

    c1 = pltpu.async_copy(lt_hbm, lt_v, sem)
    c2 = pltpu.async_copy(lu_hbm, lu_v, sem)
    c4 = pltpu.async_copy(t_hbm.at[pl.ds(base, nrows), :], t_v, sem)
    c1.wait()
    c2.wait()

    nv = N_BINS // 16

    lt = [lt_v[pl.ds(i * 16, 16)] for i in range(nv)]
    mv = lt[0]
    for i in range(1, nv):
        mv = jnp.maximum(mv, lt[i])
    m_s = jnp.max(mv)
    ex_t = [jnp.exp(v - m_s) for v in lt]
    sv = ex_t[0]
    for i in range(1, nv):
        sv = sv + ex_t[i]
    s_s = jnp.sum(sv)
    a_t = [v + 0.001 * s_s for v in ex_t]

    lu = [lu_v[pl.ds(i * 16, 16)] for i in range(nv)]
    ex_u = [jnp.exp(v) for v in lu]
    a_u = [v + 0.001 for v in ex_u]

    def emit_edges(a, e_ref, cs_ref):
        tot = a[0]
        for i in range(1, nv):
            tot = tot + a[i]
        inv = jnp.full((16,), 1.0, jnp.float32) / jnp.sum(tot)
        if cs_ref is not None:
            big = jnp.full((16,), 9.0, jnp.float32)
            for i in range(N_SEARCH // 16):
                cs_ref[pl.ds(i * 16, 16)] = big
            cs_ref[pl.ds(0, 16)] = jnp.full((16,), -1.0, jnp.float32)
        carry = jnp.float32(0.0)
        for i in range(nv):
            incl = plsc.cumsum(a[i]) + carry
            e_ref[pl.ds(i * 16, 16)] = (incl - a[i]) * inv
            if cs_ref is not None:
                cs_ref[pl.ds(1 + i * 16, 16)] = incl * inv
            carry = carry + jnp.sum(a[i])
        e_ref[pl.ds(N_BINS, 16)] = jnp.full((16,), 1.0, jnp.float32) * (carry * inv)

    emit_edges(a_t, et_v, cs_v)
    emit_edges(a_u, eu_v, None)

    lane = lax.iota(jnp.int32, 16)
    zero16 = jnp.zeros((16,), jnp.int32)

    def cell_step(kk):
        cv = (kk * 16 + lane).astype(jnp.float32) * (1.0 / K_CELLS)
        lo = zero16
        for s in (256, 128, 64, 32, 16, 8, 4, 2, 1):
            val = plsc.load_gather(cs_v, [lo + s])
            lo = jnp.where(val <= cv, lo + s, lo)
        tbl_v[pl.ds(kk * 16, 16)] = jnp.minimum(lo, N_BINS - 1)

    plsc.parallel_loop(0, K_CELLS // 16, 1, unroll=4)(cell_step)

    c4.wait()

    def row_step(r):
        for k in (0, 16, 32, 34):
            tv = t_v[r, pl.ds(k, 16)]
            cell = jnp.clip((tv * float(K_CELLS)).astype(jnp.int32), 0,
                            K_CELLS - 1)
            g = plsc.load_gather(tbl_v, [cell])
            q = plsc.load_gather(et_v, [g + 1])
            idx = jnp.minimum(jnp.where(q <= tv, g + 1, g), N_BINS - 1)
            lo_t = plsc.load_gather(et_v, [idx])
            hi_t = plsc.load_gather(et_v, [idx + 1])
            lo_u = plsc.load_gather(eu_v, [idx])
            hi_u = plsc.load_gather(eu_v, [idx + 1])
            out_v[r, pl.ds(k, 16)] = (lo_u + (hi_u - lo_u) * (tv - lo_t)
                                      / (hi_t - lo_t))

    plsc.parallel_loop(0, nrows, 1, unroll=2)(row_step)

    pltpu.sync_copy(out_v, out_hbm.at[pl.ds(base, nrows), :])


def _make_sc(shape):
    nrows = shape[0] // 32
    mesh = plsc.VectorSubcoreMesh(core_axis_name="c", subcore_axis_name="s")
    return pl.kernel(
        _sc_body,
        out_type=jax.ShapeDtypeStruct(shape, jnp.float32),
        mesh=mesh,
        scratch_types=[
            pltpu.VMEM((nrows, shape[1]), jnp.float32),
            pltpu.VMEM((nrows, shape[1]), jnp.float32),
            pltpu.VMEM((N_BINS,), jnp.float32),
            pltpu.VMEM((N_BINS,), jnp.float32),
            pltpu.VMEM((PAD_E,), jnp.float32),
            pltpu.VMEM((PAD_E,), jnp.float32),
            pltpu.VMEM((N_SEARCH,), jnp.float32),
            pltpu.VMEM((K_CELLS,), jnp.int32),
            pltpu.SemaphoreType.DMA,
        ],
        compiler_params=pltpu.CompilerParams(
            needs_layout_passes=False,
            use_tc_tiling_on_sc=False,
        ),
    )


def kernel(t, l_t, l_u):
    return _make_sc(t.shape)(t, l_t, l_u)

# --- scband reference (transcript-rebuilt; emitter-appended) ---
"""Pipeline reference for scband-loss-cdf-51350628991247 (READ-ONLY COPY).

The authoritative reference and input builder live on the scoring server;
editing this copy changes nothing except your own understanding.
"""

import jax, jax.numpy as jnp
import numpy as np

N_BINS = 256

def setup_inputs(seed: int = 0) -> dict:
    key = jax.random.key(seed)
    k_t, = jax.random.split(key, 1)
    t = jax.random.uniform(k_t, (4096, 50), dtype=jnp.float32)
    l_t = jnp.zeros([N_BINS], dtype=jnp.float32) - float(np.log(N_BINS))
    l_u = jnp.zeros([N_BINS], dtype=jnp.float32) - float(np.log(N_BINS))
    return {"t": t, "l_t": l_t, "l_u": l_u}

def reference(t, l_t, l_u):
    t_min, t_max = 0.0, 1.0
    # weights for t-bins (softmax + floor + renorm)
    w_t = jax.nn.softmax(l_t, axis=0)
    w_t = w_t + 0.001
    w_t = w_t / jnp.sum(w_t)
    # weights for u-bins (exp + floor + renorm, normalized=True)
    w_u = jnp.exp(l_u)
    w_u = w_u + 0.001
    w_u = w_u / jnp.sum(w_u)
    e_t = jnp.concatenate([jnp.zeros([1], dtype=w_t.dtype), jnp.cumsum(w_t, axis=0)])
    e_u = jnp.concatenate([jnp.zeros([1], dtype=w_u.dtype), jnp.cumsum(w_u, axis=0)])
    original_shape = t.shape
    t_flat = t.reshape(-1)
    t_prime = (t_flat - t_min) / (t_max - t_min)
    # bucketization: count of edges <= value, minus 1
    t_idx = jnp.sum((e_t[None, :] <= t_prime[:, None]).astype(jnp.int32), axis=1) - 1
    t_idx = jnp.clip(t_idx, 0, N_BINS - 1)
    lo_u = jnp.take(e_u, t_idx)
    hi_u = jnp.take(e_u, t_idx + 1)
    lo_t = jnp.take(e_t, t_idx)
    hi_t = jnp.take(e_t, t_idx + 1)
    u = lo_u + (hi_u - lo_u) * ((t_prime - lo_t) / (hi_t - lo_t))
    return u.reshape(original_shape)

if __name__ == "__main__":
    import jax
    _d = setup_inputs()
    print(jax.jit(kernel)(*tuple(_d.values())))

</pallas_src>

<mosaic_0001>
#map = affine_map<(d0, d1) -> (0, 0)>
#map1 = affine_map<(d0, d1) -> (0)>
module attributes {stable_mosaic.version = 14 : i64} {
  func.func @_sc_body(%arg0: i32, %arg1: i32, %arg2: memref<4096x50xf32, #tpu.memory_space<hbm>>, %arg3: memref<256xf32, #tpu.memory_space<hbm>>, %arg4: memref<256xf32, #tpu.memory_space<hbm>>, %arg5: memref<4096x50xf32, #tpu.memory_space<hbm>>, %arg6: memref<128x50xf32, #tpu.memory_space<vmem>>, %arg7: memref<128x50xf32, #tpu.memory_space<vmem>>, %arg8: memref<256xf32, #tpu.memory_space<vmem>>, %arg9: memref<256xf32, #tpu.memory_space<vmem>>, %arg10: memref<384xf32, #tpu.memory_space<vmem>>, %arg11: memref<384xf32, #tpu.memory_space<vmem>>, %arg12: memref<512xf32, #tpu.memory_space<vmem>>, %arg13: memref<2048xi32, #tpu.memory_space<vmem>>, %arg14: memref<!tpu.dma_semaphore, #tpu.memory_space<semaphore_mem>>) attributes {dimension_semantics = [#tpu.dimension_semantics<core_parallel>, #tpu.dimension_semantics<subcore_parallel>], iteration_bounds = array<i64: 2, 16>, scalar_prefetch = 0 : i64, scratch_operands = 9 : i64, tpu.core_type = #tpu.core_type<sc_vector_subcore>, window_params = [{transform_indices = #map}, {transform_indices = #map1}, {transform_indices = #map1}, {transform_indices = #map}]} {
    %mul3A = arith.constant 2 : i32
    %mul3A_0 = arith.muli %arg1, %mul3A : i32
    %add3A = arith.addi %mul3A_0, %arg0 : i32
    %mul3A_1 = arith.constant 128 : i32
    %mul3A_2 = arith.muli %add3A, %mul3A_1 : i32
    tpu.enqueue_dma source(%arg3 : memref<256xf32, #tpu.memory_space<hbm>>) target(%arg8 : memref<256xf32, #tpu.memory_space<vmem>>) target_semaphore(%arg14 : memref<!tpu.dma_semaphore, #tpu.memory_space<semaphore_mem>>)
    tpu.enqueue_dma source(%arg4 : memref<256xf32, #tpu.memory_space<hbm>>) target(%arg9 : memref<256xf32, #tpu.memory_space<vmem>>) target_semaphore(%arg14 : memref<!tpu.dma_semaphore, #tpu.memory_space<semaphore_mem>>)
    %dma_start3A = arith.constant 0 : i32
    %dma_start3A_3 = tpu.memref_slice %arg2[%mul3A_2, %dma_start3A] : memref<4096x50xf32, #tpu.memory_space<hbm>> -> memref<128x50xf32, #tpu.memory_space<hbm>>
    %dma_start3A_4 = arith.constant 0 : i32
    %dma_start3A_5 = tpu.memref_slice %arg2[%mul3A_2, %dma_start3A_4] : memref<4096x50xf32, #tpu.memory_space<hbm>> -> memref<128x50xf32, #tpu.memory_space<hbm>>
    tpu.enqueue_dma source(%dma_start3A_5 : memref<128x50xf32, #tpu.memory_space<hbm>>) target(%arg6 : memref<128x50xf32, #tpu.memory_space<vmem>>) target_semaphore(%arg14 : memref<!tpu.dma_semaphore, #tpu.memory_space<semaphore_mem>>)
    tpu.wait_dma2 semaphore(%arg14 : memref<!tpu.dma_semaphore, #tpu.memory_space<semaphore_mem>>) src(%arg3 : memref<256xf32, #tpu.memory_space<hbm>>) dst(%arg8 : memref<256xf32, #tpu.memory_space<vmem>>)
    tpu.wait_dma2 semaphore(%arg14 : memref<!tpu.dma_semaphore, #tpu.memory_space<semaphore_mem>>) src(%arg4 : memref<256xf32, #tpu.memory_space<hbm>>) dst(%arg9 : memref<256xf32, #tpu.memory_space<vmem>>)
    %get3A = arith.constant 0 : index
    %get3A_6 = tpu.vector_load %arg8[%get3A] {strides = array<i32>} : memref<256xf32, #tpu.memory_space<vmem>>, vector<16xf32>,
    %get3A_7 = arith.constant 16 : index
    %get3A_8 = tpu.vector_load %arg8[%get3A_7] {strides = array<i32>} : memref<256xf32, #tpu.memory_space<vmem>>, vector<16xf32>,
    %get3A_9 = arith.constant 32 : index
    %get3A_10 = tpu.vector_load %arg8[%get3A_9] {strides = array<i32>} : memref<256xf32, #tpu.memory_space<vmem>>, vector<16xf32>,
    %get3A_11 = arith.constant 48 : index
    %get3A_12 = tpu.vector_load %arg8[%get3A_11] {strides = array<i32>} : memref<256xf32, #tpu.memory_space<vmem>>, vector<16xf32>,
    %get3A_13 = arith.constant 64 : index
    %get3A_14 = tpu.vector_load %arg8[%get3A_13] {strides = array<i32>} : memref<256xf32, #tpu.memory_space<vmem>>, vector<16xf32>,
    %get3A_15 = arith.constant 80 : index
    %get3A_16 = tpu.vector_load %arg8[%get3A_15] {strides = array<i32>} : memref<256xf32, #tpu.memory_space<vmem>>, vector<16xf32>,
    %get3A_17 = arith.constant 96 : index
    %get3A_18 = tpu.vector_load %arg8[%get3A_17] {strides = array<i32>} : memref<256xf32, #tpu.memory_space<vmem>>, vector<16xf32>,
    %get3A_19 = arith.constant 112 : index
    %get3A_20 = tpu.vector_load %arg8[%get3A_19] {strides = array<i32>} : memref<256xf32, #tpu.memory_space<vmem>>, vector<16xf32>,
    %get3A_21 = arith.constant 128 : index
    %get3A_22 = tpu.vector_load %arg8[%get3A_21] {strides = array<i32>} : memref<256xf32, #tpu.memory_space<vmem>>, vector<16xf32>,
    %get3A_23 = arith.constant 144 : index
    %get3A_24 = tpu.vector_load %arg8[%get3A_23] {strides = array<i32>} : memref<256xf32, #tpu.memory_space<vmem>>, vector<16xf32>,
    %get3A_25 = arith.constant 160 : index
    %get3A_26 = tpu.vector_load %arg8[%get3A_25] {strides = array<i32>} : memref<256xf32, #tpu.memory_space<vmem>>, vector<16xf32>,
    %get3A_27 = arith.constant 176 : index
    %get3A_28 = tpu.vector_load %arg8[%get3A_27] {strides = array<i32>} : memref<256xf32, #tpu.memory_space<vmem>>, vector<16xf32>,
    %get3A_29 = arith.constant 192 : index
    %get3A_30 = tpu.vector_load %arg8[%get3A_29] {strides = array<i32>} : memref<256xf32, #tpu.memory_space<vmem>>, vector<16xf32>,
    %get3A_31 = arith.constant 208 : index
    %get3A_32 = tpu.vector_load %arg8[%get3A_31] {strides = array<i32>} : memref<256xf32, #tpu.memory_space<vmem>>, vector<16xf32>,
    %get3A_33 = arith.constant 224 : index
    %get3A_34 = tpu.vector_load %arg8[%get3A_33] {strides = array<i32>} : memref<256xf32, #tpu.memory_space<vmem>>, vector<16xf32>,
    %get3A_35 = arith.constant 240 : index
    %get3A_36 = tpu.vector_load %arg8[%get3A_35] {strides = array<i32>} : memref<256xf32, #tpu.memory_space<vmem>>, vector<16xf32>,
    %max3A = arith.maximumf %get3A_6, %get3A_8 : vector<16xf32>
    %max3A_37 = arith.maximumf %max3A, %get3A_10 : vector<16xf32>
    %max3A_38 = arith.maximumf %max3A_37, %get3A_12 : vector<16xf32>
    %max3A_39 = arith.maximumf %max3A_38, %get3A_14 : vector<16xf32>
    %max3A_40 = arith.maximumf %max3A_39, %get3A_16 : vector<16xf32>
    %max3A_41 = arith.maximumf %max3A_40, %get3A_18 : vector<16xf32>
    %max3A_42 = arith.maximumf %max3A_41, %get3A_20 : vector<16xf32>
    %max3A_43 = arith.maximumf %max3A_42, %get3A_22 : vector<16xf32>
    %max3A_44 = arith.maximumf %max3A_43, %get3A_24 : vector<16xf32>
    %max3A_45 = arith.maximumf %max3A_44, %get3A_26 : vector<16xf32>
    %max3A_46 = arith.maximumf %max3A_45, %get3A_28 : vector<16xf32>
    %max3A_47 = arith.maximumf %max3A_46, %get3A_30 : vector<16xf32>
    %max3A_48 = arith.maximumf %max3A_47, %get3A_32 : vector<16xf32>
    %max3A_49 = arith.maximumf %max3A_48, %get3A_34 : vector<16xf32>
    %max3A_50 = arith.maximumf %max3A_49, %get3A_36 : vector<16xf32>
    %reduce_max3A = arith.constant true
    %reduce_max3A_51 = vector.broadcast %reduce_max3A : i1 to vector<16xi1>
    %reduce_max3A_52 = tpu.scan <max>, %max3A_50 masked %reduce_max3A_51 : vector<16xf32>, vector<16xi1> -> vector<16xf32>
    %reduce_max3A_53 = vector.extract %reduce_max3A_52[15] : f32 from vector<16xf32>
    %sub3A = vector.broadcast %reduce_max3A_53 : f32 to vector<16xf32>
    %sub3A_54 = arith.subf %get3A_6, %sub3A : vector<16xf32>
    %exp3A = math.exp %sub3A_54 : vector<16xf32>
    %sub3A_55 = vector.broadcast %reduce_max3A_53 : f32 to vector<16xf32>
    %sub3A_56 = arith.subf %get3A_8, %sub3A_55 : vector<16xf32>
    %exp3A_57 = math.exp %sub3A_56 : vector<16xf32>
    %sub3A_58 = vector.broadcast %reduce_max3A_53 : f32 to vector<16xf32>
    %sub3A_59 = arith.subf %get3A_10, %sub3A_58 : vector<16xf32>
    %exp3A_60 = math.exp %sub3A_59 : vector<16xf32>
    %sub3A_61 = vector.broadcast %reduce_max3A_53 : f32 to vector<16xf32>
    %sub3A_62 = arith.subf %get3A_12, %sub3A_61 : vector<16xf32>
    %exp3A_63 = math.exp %sub3A_62 : vector<16xf32>
    %sub3A_64 = vector.broadcast %reduce_max3A_53 : f32 to vector<16xf32>
    %sub3A_65 = arith.subf %get3A_14, %sub3A_64 : vector<16xf32>
    %exp3A_66 = math.exp %sub3A_65 : vector<16xf32>
    %sub3A_67 = vector.broadcast %reduce_max3A_53 : f32 to vector<16xf32>
    %sub3A_68 = arith.subf %get3A_16, %sub3A_67 : vector<16xf32>
    %exp3A_69 = math.exp %sub3A_68 : vector<16xf32>
    %sub3A_70 = vector.broadcast %reduce_max3A_53 : f32 to vector<16xf32>
    %sub3A_71 = arith.subf %get3A_18, %sub3A_70 : vector<16xf32>
    %exp3A_72 = math.exp %sub3A_71 : vector<16xf32>
    %sub3A_73 = vector.broadcast %reduce_max3A_53 : f32 to vector<16xf32>
    %sub3A_74 = arith.subf %get3A_20, %sub3A_73 : vector<16xf32>
    %exp3A_75 = math.exp %sub3A_74 : vector<16xf32>
    %sub3A_76 = vector.broadcast %reduce_max3A_53 : f32 to vector<16xf32>
    %sub3A_77 = arith.subf %get3A_22, %sub3A_76 : vector<16xf32>
    %exp3A_78 = math.exp %sub3A_77 : vector<16xf32>
    %sub3A_79 = vector.broadcast %reduce_max3A_53 : f32 to vector<16xf32>
    %sub3A_80 = arith.subf %get3A_24, %sub3A_79 : vector<16xf32>
    %exp3A_81 = math.exp %sub3A_80 : vector<16xf32>
    %sub3A_82 = vector.broadcast %reduce_max3A_53 : f32 to vector<16xf32>
    %sub3A_83 = arith.subf %get3A_26, %sub3A_82 : vector<16xf32>
    %exp3A_84 = math.exp %sub3A_83 : vector<16xf32>
    %sub3A_85 = vector.broadcast %reduce_max3A_53 : f32 to vector<16xf32>
    %sub3A_86 = arith.subf %get3A_28, %sub3A_85 : vector<16xf32>
    %exp3A_87 = math.exp %sub3A_86 : vector<16xf32>
    %sub3A_88 = vector.broadcast %reduce_max3A_53 : f32 to vector<16xf32>
    %sub3A_89 = arith.subf %get3A_30, %sub3A_88 : vector<16xf32>
    %exp3A_90 = math.exp %sub3A_89 : vector<16xf32>
    %sub3A_91 = vector.broadcast %reduce_max3A_53 : f32 to vector<16xf32>
    %sub3A_92 = arith.subf %get3A_32, %sub3A_91 : vector<16xf32>
    %exp3A_93 = math.exp %sub3A_92 : vector<16xf32>
    %sub3A_94 = vector.broadcast %reduce_max3A_53 : f32 to vector<16xf32>
    %sub3A_95 = arith.subf %get3A_34, %sub3A_94 : vector<16xf32>
    %exp3A_96 = math.exp %sub3A_95 : vector<16xf32>
    %sub3A_97 = vector.broadcast %reduce_max3A_53 : f32 to vector<16xf32>
    %sub3A_98 = arith.subf %get3A_36, %sub3A_97 : vector<16xf32>
    %exp3A_99 = math.exp %sub3A_98 : vector<16xf32>
    %add3A_100 = arith.addf %exp3A, %exp3A_57 : vector<16xf32>
    %add3A_101 = arith.addf %add3A_100, %exp3A_60 : vector<16xf32>
    %add3A_102 = arith.addf %add3A_101, %exp3A_63 : vector<16xf32>
    %add3A_103 = arith.addf %add3A_102, %exp3A_66 : vector<16xf32>
    %add3A_104 = arith.addf %add3A_103, %exp3A_69 : vector<16xf32>
    %add3A_105 = arith.addf %add3A_104, %exp3A_72 : vector<16xf32>
    %add3A_106 = arith.addf %add3A_105, %exp3A_75 : vector<16xf32>
    %add3A_107 = arith.addf %add3A_106, %exp3A_78 : vector<16xf32>
    %add3A_108 = arith.addf %add3A_107, %exp3A_81 : vector<16xf32>
    %add3A_109 = arith.addf %add3A_108, %exp3A_84 : vector<16xf32>
    %add3A_110 = arith.addf %add3A_109, %exp3A_87 : vector<16xf32>
    %add3A_111 = arith.addf %add3A_110, %exp3A_90 : vector<16xf32>
    %add3A_112 = arith.addf %add3A_111, %exp3A_93 : vector<16xf32>
    %add3A_113 = arith.addf %add3A_112, %exp3A_96 : vector<16xf32>
    %add3A_114 = arith.addf %add3A_113, %exp3A_99 : vector<16xf32>
    %reduce_sum3A = arith.constant true
    %reduce_sum3A_115 = vector.broadcast %reduce_sum3A : i1 to vector<16xi1>
    %reduce_sum3A_116 = tpu.scan <sum>, %add3A_114 masked %reduce_sum3A_115 : vector<16xf32>, vector<16xi1> -> vector<16xf32>
    %reduce_sum3A_117 = vector.extract %reduce_sum3A_116[15] : f32 from vector<16xf32>
    %mul3A_118 = arith.constant 1.000000e-03 : f32
    %mul3A_119 = arith.mulf %mul3A_118, %reduce_sum3A_117 : f32
    %add3A_120 = vector.broadcast %mul3A_119 : f32 to vector<16xf32>
    %add3A_121 = arith.addf %exp3A, %add3A_120 : vector<16xf32>
    %mul3A_122 = arith.constant 1.000000e-03 : f32
    %mul3A_123 = arith.mulf %mul3A_122, %reduce_sum3A_117 : f32
    %add3A_124 = vector.broadcast %mul3A_123 : f32 to vector<16xf32>
    %add3A_125 = arith.addf %exp3A_57, %add3A_124 : vector<16xf32>
    %mul3A_126 = arith.constant 1.000000e-03 : f32
    %mul3A_127 = arith.mulf %mul3A_126, %reduce_sum3A_117 : f32
    %add3A_128 = vector.broadcast %mul3A_127 : f32 to vector<16xf32>
    %add3A_129 = arith.addf %exp3A_60, %add3A_128 : vector<16xf32>
    %mul3A_130 = arith.constant 1.000000e-03 : f32
    %mul3A_131 = arith.mulf %mul3A_130, %reduce_sum3A_117 : f32
    %add3A_132 = vector.broadcast %mul3A_131 : f32 to vector<16xf32>
    %add3A_133 = arith.addf %exp3A_63, %add3A_132 : vector<16xf32>
    %mul3A_134 = arith.constant 1.000000e-03 : f32
    %mul3A_135 = arith.mulf %mul3A_134, %reduce_sum3A_117 : f32
    %add3A_136 = vector.broadcast %mul3A_135 : f32 to vector<16xf32>
    %add3A_137 = arith.addf %exp3A_66, %add3A_136 : vector<16xf32>
    %mul3A_138 = arith.constant 1.000000e-03 : f32
    %mul3A_139 = arith.mulf %mul3A_138, %reduce_sum3A_117 : f32
    %add3A_140 = vector.broadcast %mul3A_139 : f32 to vector<16xf32>
    %add3A_141 = arith.addf %exp3A_69, %add3A_140 : vector<16xf32>
    %mul3A_142 = arith.constant 1.000000e-03 : f32
    %mul3A_143 = arith.mulf %mul3A_142, %reduce_sum3A_117 : f32
    %add3A_144 = vector.broadcast %mul3A_143 : f32 to vector<16xf32>
    %add3A_145 = arith.addf %exp3A_72, %add3A_144 : vector<16xf32>
    %mul3A_146 = arith.constant 1.000000e-03 : f32
    %mul3A_147 = arith.mulf %mul3A_146, %reduce_sum3A_117 : f32
    %add3A_148 = vector.broadcast %mul3A_147 : f32 to vector<16xf32>
    %add3A_149 = arith.addf %exp3A_75, %add3A_148 : vector<16xf32>
    %mul3A_150 = arith.constant 1.000000e-03 : f32
    %mul3A_151 = arith.mulf %mul3A_150, %reduce_sum3A_117 : f32
    %add3A_152 = vector.broadcast %mul3A_151 : f32 to vector<16xf32>
    %add3A_153 = arith.addf %exp3A_78, %add3A_152 : vector<16xf32>
    %mul3A_154 = arith.constant 1.000000e-03 : f32
    %mul3A_155 = arith.mulf %mul3A_154, %reduce_sum3A_117 : f32
    %add3A_156 = vector.broadcast %mul3A_155 : f32 to vector<16xf32>
    %add3A_157 = arith.addf %exp3A_81, %add3A_156 : vector<16xf32>
    %mul3A_158 = arith.constant 1.000000e-03 : f32
    %mul3A_159 = arith.mulf %mul3A_158, %reduce_sum3A_117 : f32
    %add3A_160 = vector.broadcast %mul3A_159 : f32 to vector<16xf32>
    %add3A_161 = arith.addf %exp3A_84, %add3A_160 : vector<16xf32>
    %mul3A_162 = arith.constant 1.000000e-03 : f32
    %mul3A_163 = arith.mulf %mul3A_162, %reduce_sum3A_117 : f32
    %add3A_164 = vector.broadcast %mul3A_163 : f32 to vector<16xf32>
    %add3A_165 = arith.addf %exp3A_87, %add3A_164 : vector<16xf32>
    %mul3A_166 = arith.constant 1.000000e-03 : f32
    %mul3A_167 = arith.mulf %mul3A_166, %reduce_sum3A_117 : f32
    %add3A_168 = vector.broadcast %mul3A_167 : f32 to vector<16xf32>
    %add3A_169 = arith.addf %exp3A_90, %add3A_168 : vector<16xf32>
    %mul3A_170 = arith.constant 1.000000e-03 : f32
    %mul3A_171 = arith.mulf %mul3A_170, %reduce_sum3A_117 : f32
    %add3A_172 = vector.broadcast %mul3A_171 : f32 to vector<16xf32>
    %add3A_173 = arith.addf %exp3A_93, %add3A_172 : vector<16xf32>
    %mul3A_174 = arith.constant 1.000000e-03 : f32
    %mul3A_175 = arith.mulf %mul3A_174, %reduce_sum3A_117 : f32
    %add3A_176 = vector.broadcast %mul3A_175 : f32 to vector<16xf32>
    %add3A_177 = arith.addf %exp3A_96, %add3A_176 : vector<16xf32>
    %mul3A_178 = arith.constant 1.000000e-03 : f32
    %mul3A_179 = arith.mulf %mul3A_178, %reduce_sum3A_117 : f32
    %add3A_180 = vector.broadcast %mul3A_179 : f32 to vector<16xf32>
    %add3A_181 = arith.addf %exp3A_99, %add3A_180 : vector<16xf32>
    %get3A_182 = arith.constant 0 : index
    %get3A_183 = tpu.vector_load %arg9[%get3A_182] {strides = array<i32>} : memref<256xf32, #tpu.memory_space<vmem>>, vector<16xf32>,
    %get3A_184 = arith.constant 16 : index
    %get3A_185 = tpu.vector_load %arg9[%get3A_184] {strides = array<i32>} : memref<256xf32, #tpu.memory_space<vmem>>, vector<16xf32>,
    %get3A_186 = arith.constant 32 : index
    %get3A_187 = tpu.vector_load %arg9[%get3A_186] {strides = array<i32>} : memref<256xf32, #tpu.memory_space<vmem>>, vector<16xf32>,
    %get3A_188 = arith.constant 48 : index
    %get3A_189 = tpu.vector_load %arg9[%get3A_188] {strides = array<i32>} : memref<256xf32, #tpu.memory_space<vmem>>, vector<16xf32>,
    %get3A_190 = arith.constant 64 : index
    %get3A_191 = tpu.vector_load %arg9[%get3A_190] {strides = array<i32>} : memref<256xf32, #tpu.memory_space<vmem>>, vector<16xf32>,
    %get3A_192 = arith.constant 80 : index
    %get3A_193 = tpu.vector_load %arg9[%get3A_192] {strides = array<i32>} : memref<256xf32, #tpu.memory_space<vmem>>, vector<16xf32>,
    %get3A_194 = arith.constant 96 : index
    %get3A_195 = tpu.vector_load %arg9[%get3A_194] {strides = array<i32>} : memref<256xf32, #tpu.memory_space<vmem>>, vector<16xf32>,
    %get3A_196 = arith.constant 112 : index
    %get3A_197 = tpu.vector_load %arg9[%get3A_196] {strides = array<i32>} : memref<256xf32, #tpu.memory_space<vmem>>, vector<16xf32>,
    %get3A_198 = arith.constant 128 : index
    %get3A_199 = tpu.vector_load %arg9[%get3A_198] {strides = array<i32>} : memref<256xf32, #tpu.memory_space<vmem>>, vector<16xf32>,
    %get3A_200 = arith.constant 144 : index
    %get3A_201 = tpu.vector_load %arg9[%get3A_200] {strides = array<i32>} : memref<256xf32, #tpu.memory_space<vmem>>, vector<16xf32>,
    %get3A_202 = arith.constant 160 : index
    %get3A_203 = tpu.vector_load %arg9[%get3A_202] {strides = array<i32>} : memref<256xf32, #tpu.memory_space<vmem>>, vector<16xf32>,
    %get3A_204 = arith.constant 176 : index
    %get3A_205 = tpu.vector_load %arg9[%get3A_204] {strides = array<i32>} : memref<256xf32, #tpu.memory_space<vmem>>, vector<16xf32>,
    %get3A_206 = arith.constant 192 : index
    %get3A_207 = tpu.vector_load %arg9[%get3A_206] {strides = array<i32>} : memref<256xf32, #tpu.memory_space<vmem>>, vector<16xf32>,
    %get3A_208 = arith.constant 208 : index
    %get3A_209 = tpu.vector_load %arg9[%get3A_208] {strides = array<i32>} : memref<256xf32, #tpu.memory_space<vmem>>, vector<16xf32>,
    %get3A_210 = arith.constant 224 : index
    %get3A_211 = tpu.vector_load %arg9[%get3A_210] {strides = array<i32>} : memref<256xf32, #tpu.memory_space<vmem>>, vector<16xf32>,
    %get3A_212 = arith.constant 240 : index
    %get3A_213 = tpu.vector_load %arg9[%get3A_212] {strides = array<i32>} : memref<256xf32, #tpu.memory_space<vmem>>, vector<16xf32>,
    %exp3A_214 = math.exp %get3A_183 : vector<16xf32>
    %exp3A_215 = math.exp %get3A_185 : vector<16xf32>
    %exp3A_216 = math.exp %get3A_187 : vector<16xf32>
    %exp3A_217 = math.exp %get3A_189 : vector<16xf32>
    %exp3A_218 = math.exp %get3A_191 : vector<16xf32>
    %exp3A_219 = math.exp %get3A_193 : vector<16xf32>
    %exp3A_220 = math.exp %get3A_195 : vector<16xf32>
    %exp3A_221 = math.exp %get3A_197 : vector<16xf32>
    %exp3A_222 = math.exp %get3A_199 : vector<16xf32>
    %exp3A_223 = math.exp %get3A_201 : vector<16xf32>
    %exp3A_224 = math.exp %get3A_203 : vector<16xf32>
    %exp3A_225 = math.exp %get3A_205 : vector<16xf32>
    %exp3A_226 = math.exp %get3A_207 : vector<16xf32>
    %exp3A_227 = math.exp %get3A_209 : vector<16xf32>
    %exp3A_228 = math.exp %get3A_211 : vector<16xf32>
    %exp3A_229 = math.exp %get3A_213 : vector<16xf32>
    %add3A_230 = arith.constant 1.000000e-03 : f32
    %add3A_231 = vector.broadcast %add3A_230 : f32 to vector<16xf32>
    %add3A_232 = arith.addf %exp3A_214, %add3A_231 : vector<16xf32>
    %add3A_233 = arith.constant 1.000000e-03 : f32
    %add3A_234 = vector.broadcast %add3A_233 : f32 to vector<16xf32>
    %add3A_235 = arith.addf %exp3A_215, %add3A_234 : vector<16xf32>
    %add3A_236 = arith.constant 1.000000e-03 : f32
    %add3A_237 = vector.broadcast %add3A_236 : f32 to vector<16xf32>
    %add3A_238 = arith.addf %exp3A_216, %add3A_237 : vector<16xf32>
    %add3A_239 = arith.constant 1.000000e-03 : f32
    %add3A_240 = vector.broadcast %add3A_239 : f32 to vector<16xf32>
    %add3A_241 = arith.addf %exp3A_217, %add3A_240 : vector<16xf32>
    %add3A_242 = arith.constant 1.000000e-03 : f32
    %add3A_243 = vector.broadcast %add3A_242 : f32 to vector<16xf32>
    %add3A_244 = arith.addf %exp3A_218, %add3A_243 : vector<16xf32>
    %add3A_245 = arith.constant 1.000000e-03 : f32
    %add3A_246 = vector.broadcast %add3A_245 : f32 to vector<16xf32>
    %add3A_247 = arith.addf %exp3A_219, %add3A_246 : vector<16xf32>
    %add3A_248 = arith.constant 1.000000e-03 : f32
    %add3A_249 = vector.broadcast %add3A_248 : f32 to vector<16xf32>
    %add3A_250 = arith.addf %exp3A_220, %add3A_249 : vector<16xf32>
    %add3A_251 = arith.constant 1.000000e-03 : f32
    %add3A_252 = vector.broadcast %add3A_251 : f32 to vector<16xf32>
    %add3A_253 = arith.addf %exp3A_221, %add3A_252 : vector<16xf32>
    %add3A_254 = arith.constant 1.000000e-03 : f32
    %add3A_255 = vector.broadcast %add3A_254 : f32 to vector<16xf32>
    %add3A_256 = arith.addf %exp3A_222, %add3A_255 : vector<16xf32>
    %add3A_257 = arith.constant 1.000000e-03 : f32
    %add3A_258 = vector.broadcast %add3A_257 : f32 to vector<16xf32>
    %add3A_259 = arith.addf %exp3A_223, %add3A_258 : vector<16xf32>
    %add3A_260 = arith.constant 1.000000e-03 : f32
    %add3A_261 = vector.broadcast %add3A_260 : f32 to vector<16xf32>
    %add3A_262 = arith.addf %exp3A_224, %add3A_261 : vector<16xf32>
    %add3A_263 = arith.constant 1.000000e-03 : f32
    %add3A_264 = vector.broadcast %add3A_263 : f32 to vector<16xf32>
    %add3A_265 = arith.addf %exp3A_225, %add3A_264 : vector<16xf32>
    %add3A_266 = arith.constant 1.000000e-03 : f32
    %add3A_267 = vector.broadcast %add3A_266 : f32 to vector<16xf32>
    %add3A_268 = arith.addf %exp3A_226, %add3A_267 : vector<16xf32>
    %add3A_269 = arith.constant 1.000000e-03 : f32
    %add3A_270 = vector.broadcast %add3A_269 : f32 to vector<16xf32>
    %add3A_271 = arith.addf %exp3A_227, %add3A_270 : vector<16xf32>
    %add3A_272 = arith.constant 1.000000e-03 : f32
    %add3A_273 = vector.broadcast %add3A_272 : f32 to vector<16xf32>
    %add3A_274 = arith.addf %exp3A_228, %add3A_273 : vector<16xf32>
    %add3A_275 = arith.constant 1.000000e-03 : f32
    %add3A_276 = vector.broadcast %add3A_275 : f32 to vector<16xf32>
    %add3A_277 = arith.addf %exp3A_229, %add3A_276 : vector<16xf32>
    %add3A_278 = arith.addf %add3A_121, %add3A_125 : vector<16xf32>
    %add3A_279 = arith.addf %add3A_278, %add3A_129 : vector<16xf32>
    %add3A_280 = arith.addf %add3A_279, %add3A_133 : vector<16xf32>
    %add3A_281 = arith.addf %add3A_280, %add3A_137 : vector<16xf32>
    %add3A_282 = arith.addf %add3A_281, %add3A_141 : vector<16xf32>
    %add3A_283 = arith.addf %add3A_282, %add3A_145 : vector<16xf32>
    %add3A_284 = arith.addf %add3A_283, %add3A_149 : vector<16xf32>
    %add3A_285 = arith.addf %add3A_284, %add3A_153 : vector<16xf32>
    %add3A_286 = arith.addf %add3A_285, %add3A_157 : vector<16xf32>
    %add3A_287 = arith.addf %add3A_286, %add3A_161 : vector<16xf32>
    %add3A_288 = arith.addf %add3A_287, %add3A_165 : vector<16xf32>
    %add3A_289 = arith.addf %add3A_288, %add3A_169 : vector<16xf32>
    %add3A_290 = arith.addf %add3A_289, %add3A_173 : vector<16xf32>
    %add3A_291 = arith.addf %add3A_290, %add3A_177 : vector<16xf32>
    %add3A_292 = arith.addf %add3A_291, %add3A_181 : vector<16xf32>
    %broadcast_in_dim3A = arith.constant 1.000000e+00 : f32
    %broadcast_in_dim3A_293 = vector.broadcast %broadcast_in_dim3A : f32 to vector<16xf32>
    %reduce_sum3A_294 = arith.constant true
    %reduce_sum3A_295 = vector.broadcast %reduce_sum3A_294 : i1 to vector<16xi1>
    %reduce_sum3A_296 = tpu.scan <sum>, %add3A_292 masked %reduce_sum3A_295 : vector<16xf32>, vector<16xi1> -> vector<16xf32>
    %reduce_sum3A_297 = vector.extract %reduce_sum3A_296[15] : f32 from vector<16xf32>
    %div3A = vector.broadcast %reduce_sum3A_297 : f32 to vector<16xf32>
    %div3A_298 = arith.divf %broadcast_in_dim3A_293, %div3A : vector<16xf32>
    %broadcast_in_dim3A_299 = arith.constant 9.000000e+00 : f32
    %broadcast_in_dim3A_300 = vector.broadcast %broadcast_in_dim3A_299 : f32 to vector<16xf32>
    %swap3A = arith.constant 0 : index
    %swap3A_301 = tpu.vector_load %arg12[%swap3A] {strides = array<i32>} : memref<512xf32, #tpu.memory_space<vmem>>, vector<16xf32>,
    tpu.vector_store %arg12[%swap3A], %broadcast_in_dim3A_300 {strides = array<i32>} : memref<512xf32, #tpu.memory_space<vmem>>, vector<16xf32>,
    %swap3A_302 = arith.constant 16 : index
    %swap3A_303 = tpu.vector_load %arg12[%swap3A_302] {strides = array<i32>} : memref<512xf32, #tpu.memory_space<vmem>>, vector<16xf32>,
    tpu.vector_store %arg12[%swap3A_302], %broadcast_in_dim3A_300 {strides = array<i32>} : memref<512xf32, #tpu.memory_space<vmem>>, vector<16xf32>,
    %swap3A_304 = arith.constant 32 : index
    %swap3A_305 = tpu.vector_load %arg12[%swap3A_304] {strides = array<i32>} : memref<512xf32, #tpu.memory_space<vmem>>, vector<16xf32>,
    tpu.vector_store %arg12[%swap3A_304], %broadcast_in_dim3A_300 {strides = array<i32>} : memref<512xf32, #tpu.memory_space<vmem>>, vector<16xf32>,
    %swap3A_306 = arith.constant 48 : index
    %swap3A_307 = tpu.vector_load %arg12[%swap3A_306] {strides = array<i32>} : memref<512xf32, #tpu.memory_space<vmem>>, vector<16xf32>,
    tpu.vector_store %arg12[%swap3A_306], %broadcast_in_dim3A_300 {strides = array<i32>} : memref<512xf32, #tpu.memory_space<vmem>>, vector<16xf32>,
    %swap3A_308 = arith.constant 64 : index
    %swap3A_309 = tpu.vector_load %arg12[%swap3A_308] {strides = array<i32>} : memref<512xf32, #tpu.memory_space<vmem>>, vector<16xf32>,
    tpu.vector_store %arg12[%swap3A_308], %broadcast_in_dim3A_300 {strides = array<i32>} : memref<512xf32, #tpu.memory_space<vmem>>, vector<16xf32>,
    %swap3A_310 = arith.constant 80 : index
    %swap3A_311 = tpu.vector_load %arg12[%swap3A_310] {strides = array<i32>} : memref<512xf32, #tpu.memory_space<vmem>>, vector<16xf32>,
    tpu.vector_store %arg12[%swap3A_310], %broadcast_in_dim3A_300 {strides = array<i32>} : memref<512xf32, #tpu.memory_space<vmem>>, vector<16xf32>,
    %swap3A_312 = arith.constant 96 : index
    %swap3A_313 = tpu.vector_load %arg12[%swap3A_312] {strides = array<i32>} : memref<512xf32, #tpu.memory_space<vmem>>, vector<16xf32>,
    tpu.vector_store %arg12[%swap3A_312], %broadcast_in_dim3A_300 {strides = array<i32>} : memref<512xf32, #tpu.memory_space<vmem>>, vector<16xf32>,
    %swap3A_314 = arith.constant 112 : index
    %swap3A_315 = tpu.vector_load %arg12[%swap3A_314] {strides = array<i32>} : memref<512xf32, #tpu.memory_space<vmem>>, vector<16xf32>,
    tpu.vector_store %arg12[%swap3A_314], %broadcast_in_dim3A_300 {strides = array<i32>} : memref<512xf32, #tpu.memory_space<vmem>>, vector<16xf32>,
    %swap3A_316 = arith.constant 128 : index
    %swap3A_317 = tpu.vector_load %arg12[%swap3A_316] {strides = array<i32>} : memref<512xf32, #tpu.memory_space<vmem>>, vector<16xf32>,
    tpu.vector_store %arg12[%swap3A_316], %broadcast_in_dim3A_300 {strides = array<i32>} : memref<512xf32, #tpu.memory_space<vmem>>, vector<16xf32>,
    %swap3A_318 = arith.constant 144 : index
    %swap3A_319 = tpu.vector_load %arg12[%swap3A_318] {strides = array<i32>} : memref<512xf32, #tpu.memory_space<vmem>>, vector<16xf32>,
    tpu.vector_store %arg12[%swap3A_318], %broadcast_in_dim3A_300 {strides = array<i32>} : memref<512xf32, #tpu.memory_space<vmem>>, vector<16xf32>,
    %swap3A_320 = arith.constant 160 : index
    %swap3A_321 = tpu.vector_load %arg12[%swap3A_320] {strides = array<i32>} : memref<512xf32, #tpu.memory_space<vmem>>, vector<16xf32>,
    tpu.vector_store %arg12[%swap3A_320], %broadcast_in_dim3A_300 {strides = array<i32>} : memref<512xf32, #tpu.memory_space<vmem>>, vector<16xf32>,
    %swap3A_322 = arith.constant 176 : index
    %swap3A_323 = tpu.vector_load %arg12[%swap3A_322] {strides = array<i32>} : memref<512xf32, #tpu.memory_space<vmem>>, vector<16xf32>,
    tpu.vector_store %arg12[%swap3A_322], %broadcast_in_dim3A_300 {strides = array<i32>} : memref<512xf32, #tpu.memory_space<vmem>>, vector<16xf32>,
    %swap3A_324 = arith.constant 192 : index
    %swap3A_325 = tpu.vector_load %arg12[%swap3A_324] {strides = array<i32>} : memref<512xf32, #tpu.memory_space<vmem>>, vector<16xf32>,
    tpu.vector_store %arg12[%swap3A_324], %broadcast_in_dim3A_300 {strides = array<i32>} : memref<512xf32, #tpu.memory_space<vmem>>, vector<16xf32>,
    %swap3A_326 = arith.constant 208 : index
    %swap3A_327 = tpu.vector_load %arg12[%swap3A_326] {strides = array<i32>} : memref<512xf32, #tpu.memory_space<vmem>>, vector<16xf32>,
    tpu.vector_store %arg12[%swap3A_326], %broadcast_in_dim3A_300 {strides = array<i32>} : memref<512xf32, #tpu.memory_space<vmem>>, vector<16xf32>,
    %swap3A_328 = arith.constant 224 : index
    %swap3A_329 = tpu.vector_load %arg12[%swap3A_328] {strides = array<i32>} : memref<512xf32, #tpu.memory_space<vmem>>, vector<16xf32>,
    tpu.vector_store %arg12[%swap3A_328], %broadcast_in_dim3A_300 {strides = array<i32>} : memref<512xf32, #tpu.memory_space<vmem>>, vector<16xf32>,
    %swap3A_330 = arith.constant 240 : index
    %swap3A_331 = tpu.vector_load %arg12[%swap3A_330] {strides = array<i32>} : memref<512xf32, #tpu.memory_space<vmem>>, vector<16xf32>,
    tpu.vector_store %arg12[%swap3A_330], %broadcast_in_dim3A_300 {strides = array<i32>} : memref<512xf32, #tpu.memory_space<vmem>>, vector<16xf32>,
    %swap3A_332 = arith.constant 256 : index
    %swap3A_333 = tpu.vector_load %arg12[%swap3A_332] {strides = array<i32>} : memref<512xf32, #tpu.memory_space<vmem>>, vector<16xf32>,
    tpu.vector_store %arg12[%swap3A_332], %broadcast_in_dim3A_300 {strides = array<i32>} : memref<512xf32, #tpu.memory_space<vmem>>, vector<16xf32>,
    %swap3A_334 = arith.constant 272 : index
    %swap3A_335 = tpu.vector_load %arg12[%swap3A_334] {strides = array<i32>} : memref<512xf32, #tpu.memory_space<vmem>>, vector<16xf32>,
    tpu.vector_store %arg12[%swap3A_334], %broadcast_in_dim3A_300 {strides = array<i32>} : memref<512xf32, #tpu.memory_space<vmem>>, vector<16xf32>,
    %swap3A_336 = arith.constant 288 : index
    %swap3A_337 = tpu.vector_load %arg12[%swap3A_336] {strides = array<i32>} : memref<512xf32, #tpu.memory_space<vmem>>, vector<16xf32>,
    tpu.vector_store %arg12[%swap3A_336], %broadcast_in_dim3A_300 {strides = array<i32>} : memref<512xf32, #tpu.memory_space<vmem>>, vector<16xf32>,
    %swap3A_338 = arith.constant 304 : index
    %swap3A_339 = tpu.vector_load %arg12[%swap3A_338] {strides = array<i32>} : memref<512xf32, #tpu.memory_space<vmem>>, vector<16xf32>,
    tpu.vector_store %arg12[%swap3A_338], %broadcast_in_dim3A_300 {strides = array<i32>} : memref<512xf32, #tpu.memory_space<vmem>>, vector<16xf32>,
    %swap3A_340 = arith.constant 320 : index
    %swap3A_341 = tpu.vector_load %arg12[%swap3A_340] {strides = array<i32>} : memref<512xf32, #tpu.memory_space<vmem>>, vector<16xf32>,
    tpu.vector_store %arg12[%swap3A_340], %broadcast_in_dim3A_300 {strides = array<i32>} : memref<512xf32, #tpu.memory_space<vmem>>, vector<16xf32>,
    %swap3A_342 = arith.constant 336 : index
    %swap3A_343 = tpu.vector_load %arg12[%swap3A_342] {strides = array<i32>} : memref<512xf32, #tpu.memory_space<vmem>>, vector<16xf32>,
    tpu.vector_store %arg12[%swap3A_342], %broadcast_in_dim3A_300 {strides = array<i32>} : memref<512xf32, #tpu.memory_space<vmem>>, vector<16xf32>,
    %swap3A_344 = arith.constant 352 : index
    %swap3A_345 = tpu.vector_load %arg12[%swap3A_344] {strides = array<i32>} : memref<512xf32, #tpu.memory_space<vmem>>, vector<16xf32>,
    tpu.vector_store %arg12[%swap3A_344], %broadcast_in_dim3A_300 {strides = array<i32>} : memref<512xf32, #tpu.memory_space<vmem>>, vector<16xf32>,
    %swap3A_346 = arith.constant 368 : index
    %swap3A_347 = tpu.vector_load %arg12[%swap3A_346] {strides = array<i32>} : memref<512xf32, #tpu.memory_space<vmem>>, vector<16xf32>,
    tpu.vector_store %arg12[%swap3A_346], %broadcast_in_dim3A_300 {strides = array<i32>} : memref<512xf32, #tpu.memory_space<vmem>>, vector<16xf32>,
    %swap3A_348 = arith.constant 384 : index
    %swap3A_349 = tpu.vector_load %arg12[%swap3A_348] {strides = array<i32>} : memref<512xf32, #tpu.memory_space<vmem>>, vector<16xf32>,
    tpu.vector_store %arg12[%swap3A_348], %broadcast_in_dim3A_300 {strides = array<i32>} : memref<512xf32, #tpu.memory_space<vmem>>, vector<16xf32>,
    %swap3A_350 = arith.constant 400 : index
    %swap3A_351 = tpu.vector_load %arg12[%swap3A_350] {strides = array<i32>} : memref<512xf32, #tpu.memory_space<vmem>>, vector<16xf32>,
    tpu.vector_store %arg12[%swap3A_350], %broadcast_in_dim3A_300 {strides = array<i32>} : memref<512xf32, #tpu.memory_space<vmem>>, vector<16xf32>,
    %swap3A_352 = arith.constant 416 : index
    %swap3A_353 = tpu.vector_load %arg12[%swap3A_352] {strides = array<i32>} : memref<512xf32, #tpu.memory_space<vmem>>, vector<16xf32>,
    tpu.vector_store %arg12[%swap3A_352], %broadcast_in_dim3A_300 {strides = array<i32>} : memref<512xf32, #tpu.memory_space<vmem>>, vector<16xf32>,
    %swap3A_354 = arith.constant 432 : index
    %swap3A_355 = tpu.vector_load %arg12[%swap3A_354] {strides = array<i32>} : memref<512xf32, #tpu.memory_space<vmem>>, vector<16xf32>,
    tpu.vector_store %arg12[%swap3A_354], %broadcast_in_dim3A_300 {strides = array<i32>} : memref<512xf32, #tpu.memory_space<vmem>>, vector<16xf32>,
    %swap3A_356 = arith.constant 448 : index
    %swap3A_357 = tpu.vector_load %arg12[%swap3A_356] {strides = array<i32>} : memref<512xf32, #tpu.memory_space<vmem>>, vector<16xf32>,
    tpu.vector_store %arg12[%swap3A_356], %broadcast_in_dim3A_300 {strides = array<i32>} : memref<512xf32, #tpu.memory_space<vmem>>, vector<16xf32>,
    %swap3A_358 = arith.constant 464 : index
    %swap3A_359 = tpu.vector_load %arg12[%swap3A_358] {strides = array<i32>} : memref<512xf32, #tpu.memory_space<vmem>>, vector<16xf32>,
    tpu.vector_store %arg12[%swap3A_358], %broadcast_in_dim3A_300 {strides = array<i32>} : memref<512xf32, #tpu.memory_space<vmem>>, vector<16xf32>,
    %swap3A_360 = arith.constant 480 : index
    %swap3A_361 = tpu.vector_load %arg12[%swap3A_360] {strides = array<i32>} : memref<512xf32, #tpu.memory_space<vmem>>, vector<16xf32>,
    tpu.vector_store %arg12[%swap3A_360], %broadcast_in_dim3A_300 {strides = array<i32>} : memref<512xf32, #tpu.memory_space<vmem>>, vector<16xf32>,
    %swap3A_362 = arith.constant 496 : index
    %swap3A_363 = tpu.vector_load %arg12[%swap3A_362] {strides = array<i32>} : memref<512xf32, #tpu.memory_space<vmem>>, vector<16xf32>,
    tpu.vector_store %arg12[%swap3A_362], %broadcast_in_dim3A_300 {strides = array<i32>} : memref<512xf32, #tpu.memory_space<vmem>>, vector<16xf32>,
    %broadcast_in_dim3A_364 = arith.constant -1.000000e+00 : f32
    %broadcast_in_dim3A_365 = vector.broadcast %broadcast_in_dim3A_364 : f32 to vector<16xf32>
    %swap3A_366 = arith.constant 0 : index
    %swap3A_367 = tpu.vector_load %arg12[%swap3A_366] {strides = array<i32>} : memref<512xf32, #tpu.memory_space<vmem>>, vector<16xf32>,
    tpu.vector_store %arg12[%swap3A_366], %broadcast_in_dim3A_365 {strides = array<i32>} : memref<512xf32, #tpu.memory_space<vmem>>, vector<16xf32>,
    %broadcast_in_dim3A_368 = arith.constant true
    %broadcast_in_dim3A_369 = vector.broadcast %broadcast_in_dim3A_368 : i1 to vector<16xi1>
    %masked_cumsum3A = tpu.scan <sum>, %add3A_121 masked %broadcast_in_dim3A_369 : vector<16xf32>, vector<16xi1> -> vector<16xf32>
    %add3A_370 = arith.constant 0.000000e+00 : f32
    %add3A_371 = vector.broadcast %add3A_370 : f32 to vector<16xf32>
    %add3A_372 = arith.addf %masked_cumsum3A, %add3A_371 : vector<16xf32>
    %sub3A_373 = arith.subf %add3A_372, %add3A_121 : vector<16xf32>
    %mul3A_374 = arith.mulf %sub3A_373, %div3A_298 : vector<16xf32>
    %swap3A_375 = arith.constant 0 : index
    %swap3A_376 = tpu.vector_load %arg10[%swap3A_375] {strides = array<i32>} : memref<384xf32, #tpu.memory_space<vmem>>, vector<16xf32>,
    tpu.vector_store %arg10[%swap3A_375], %mul3A_374 {strides = array<i32>} : memref<384xf32, #tpu.memory_space<vmem>>, vector<16xf32>,
    %mul3A_377 = arith.mulf %add3A_372, %div3A_298 : vector<16xf32>
    %swap3A_378 = arith.constant 1 : index
    %swap3A_379 = tpu.vector_load %arg12[%swap3A_378] {strides = array<i32>} : memref<512xf32, #tpu.memory_space<vmem>>, vector<16xf32>,
    tpu.vector_store %arg12[%swap3A_378], %mul3A_377 {strides = array<i32>} : memref<512xf32, #tpu.memory_space<vmem>>, vector<16xf32>,
    %reduce_sum3A_380 = arith.constant true
    %reduce_sum3A_381 = vector.broadcast %reduce_sum3A_380 : i1 to vector<16xi1>
    %reduce_sum3A_382 = tpu.scan <sum>, %add3A_121 masked %reduce_sum3A_381 : vector<16xf32>, vector<16xi1> -> vector<16xf32>
    %reduce_sum3A_383 = vector.extract %reduce_sum3A_382[15] : f32 from vector<16xf32>
    %add3A_384 = arith.constant 0.000000e+00 : f32
    %add3A_385 = arith.addf %add3A_384, %reduce_sum3A_383 : f32
    %broadcast_in_dim3A_386 = arith.constant true
    %broadcast_in_dim3A_387 = vector.broadcast %broadcast_in_dim3A_386 : i1 to vector<16xi1>
    %masked_cumsum3A_388 = tpu.scan <sum>, %add3A_125 masked %broadcast_in_dim3A_387 : vector<16xf32>, vector<16xi1> -> vector<16xf32>
    %add3A_389 = vector.broadcast %add3A_385 : f32 to vector<16xf32>
    %add3A_390 = arith.addf %masked_cumsum3A_388, %add3A_389 : vector<16xf32>
    %sub3A_391 = arith.subf %add3A_390, %add3A_125 : vector<16xf32>
    %mul3A_392 = arith.mulf %sub3A_391, %div3A_298 : vector<16xf32>
    %swap3A_393 = arith.constant 16 : index
    %swap3A_394 = tpu.vector_load %arg10[%swap3A_393] {strides = array<i32>} : memref<384xf32, #tpu.memory_space<vmem>>, vector<16xf32>,
    tpu.vector_store %arg10[%swap3A_393], %mul3A_392 {strides = array<i32>} : memref<384xf32, #tpu.memory_space<vmem>>, vector<16xf32>,
    %mul3A_395 = arith.mulf %add3A_390, %div3A_298 : vector<16xf32>
    %swap3A_396 = arith.constant 17 : index
    %swap3A_397 = tpu.vector_load %arg12[%swap3A_396] {strides = array<i32>} : memref<512xf32, #tpu.memory_space<vmem>>, vector<16xf32>,
    tpu.vector_store %arg12[%swap3A_396], %mul3A_395 {strides = array<i32>} : memref<512xf32, #tpu.memory_space<vmem>>, vector<16xf32>,
    %reduce_sum3A_398 = arith.constant true
    %reduce_sum3A_399 = vector.broadcast %reduce_sum3A_398 : i1 to vector<16xi1>
    %reduce_sum3A_400 = tpu.scan <sum>, %add3A_125 masked %reduce_sum3A_399 : vector<16xf32>, vector<16xi1> -> vector<16xf32>
    %reduce_sum3A_401 = vector.extract %reduce_sum3A_400[15] : f32 from vector<16xf32>
    %add3A_402 = arith.addf %add3A_385, %reduce_sum3A_401 : f32
    %broadcast_in_dim3A_403 = arith.constant true
    %broadcast_in_dim3A_404 = vector.broadcast %broadcast_in_dim3A_403 : i1 to vector<16xi1>
    %masked_cumsum3A_405 = tpu.scan <sum>, %add3A_129 masked %broadcast_in_dim3A_404 : vector<16xf32>, vector<16xi1> -> vector<16xf32>
    %add3A_406 = vector.broadcast %add3A_402 : f32 to vector<16xf32>
    %add3A_407 = arith.addf %masked_cumsum3A_405, %add3A_406 : vector<16xf32>
    %sub3A_408 = arith.subf %add3A_407, %add3A_129 : vector<16xf32>
    %mul3A_409 = arith.mulf %sub3A_408, %div3A_298 : vector<16xf32>
    %swap3A_410 = arith.constant 32 : index
    %swap3A_411 = tpu.vector_load %arg10[%swap3A_410] {strides = array<i32>} : memref<384xf32, #tpu.memory_space<vmem>>, vector<16xf32>,
    tpu.vector_store %arg10[%swap3A_410], %mul3A_409 {strides = array<i32>} : memref<384xf32, #tpu.memory_space<vmem>>, vector<16xf32>,
    %mul3A_412 = arith.mulf %add3A_407, %div3A_298 : vector<16xf32>
    %swap3A_413 = arith.constant 33 : index
    %swap3A_414 = tpu.vector_load %arg12[%swap3A_413] {strides = array<i32>} : memref<512xf32, #tpu.memory_space<vmem>>, vector<16xf32>,
    tpu.vector_store %arg12[%swap3A_413], %mul3A_412 {strides = array<i32>} : memref<512xf32, #tpu.memory_space<vmem>>, vector<16xf32>,
    %reduce_sum3A_415 = arith.constant true
    %reduce_sum3A_416 = vector.broadcast %reduce_sum3A_415 : i1 to vector<16xi1>
    %reduce_sum3A_417 = tpu.scan <sum>, %add3A_129 masked %reduce_sum3A_416 : vector<16xf32>, vector<16xi1> -> vector<16xf32>
    %reduce_sum3A_418 = vector.extract %reduce_sum3A_417[15] : f32 from vector<16xf32>
    %add3A_419 = arith.addf %add3A_402, %reduce_sum3A_418 : f32
    %broadcast_in_dim3A_420 = arith.constant true
    %broadcast_in_dim3A_421 = vector.broadcast %broadcast_in_dim3A_420 : i1 to vector<16xi1>
    %masked_cumsum3A_422 = tpu.scan <sum>, %add3A_133 masked %broadcast_in_dim3A_421 : vector<16xf32>, vector<16xi1> -> vector<16xf32>
    %add3A_423 = vector.broadcast %add3A_419 : f32 to vector<16xf32>
    %add3A_424 = arith.addf %masked_cumsum3A_422, %add3A_423 : vector<16xf32>
    %sub3A_425 = arith.subf %add3A_424, %add3A_133 : vector<16xf32>
    %mul3A_426 = arith.mulf %sub3A_425, %div3A_298 : vector<16xf32>
    %swap3A_427 = arith.constant 48 : index
    %swap3A_428 = tpu.vector_load %arg10[%swap3A_427] {strides = array<i32>} : memref<384xf32, #tpu.memory_space<vmem>>, vector<16xf32>,
    tpu.vector_store %arg10[%swap3A_427], %mul3A_426 {strides = array<i32>} : memref<384xf32, #tpu.memory_space<vmem>>, vector<16xf32>,
    %mul3A_429 = arith.mulf %add3A_424, %div3A_298 : vector<16xf32>
    %swap3A_430 = arith.constant 49 : index
    %swap3A_431 = tpu.vector_load %arg12[%swap3A_430] {strides = array<i32>} : memref<512xf32, #tpu.memory_space<vmem>>, vector<16xf32>,
    tpu.vector_store %arg12[%swap3A_430], %mul3A_429 {strides = array<i32>} : memref<512xf32, #tpu.memory_space<vmem>>, vector<16xf32>,
    %reduce_sum3A_432 = arith.constant true
    %reduce_sum3A_433 = vector.broadcast %reduce_sum3A_432 : i1 to vector<16xi1>
    %reduce_sum3A_434 = tpu.scan <sum>, %add3A_133 masked %reduce_sum3A_433 : vector<16xf32>, vector<16xi1> -> vector<16xf32>
    %reduce_sum3A_435 = vector.extract %reduce_sum3A_434[15] : f32 from vector<16xf32>
    %add3A_436 = arith.addf %add3A_419, %reduce_sum3A_435 : f32
    %broadcast_in_dim3A_437 = arith.constant true
    %broadcast_in_dim3A_438 = vector.broadcast %broadcast_in_dim3A_437 : i1 to vector<16xi1>
    %masked_cumsum3A_439 = tpu.scan <sum>, %add3A_137 masked %broadcast_in_dim3A_438 : vector<16xf32>, vector<16xi1> -> vector<16xf32>
    %add3A_440 = vector.broadcast %add3A_436 : f32 to vector<16xf32>
    %add3A_441 = arith.addf %masked_cumsum3A_439, %add3A_440 : vector<16xf32>
    %sub3A_442 = arith.subf %add3A_441, %add3A_137 : vector<16xf32>
    %mul3A_443 = arith.mulf %sub3A_442, %div3A_298 : vector<16xf32>
    %swap3A_444 = arith.constant 64 : index
    %swap3A_445 = tpu.vector_load %arg10[%swap3A_444] {strides = array<i32>} : memref<384xf32, #tpu.memory_space<vmem>>, vector<16xf32>,
    tpu.vector_store %arg10[%swap3A_444], %mul3A_443 {strides = array<i32>} : memref<384xf32, #tpu.memory_space<vmem>>, vector<16xf32>,
    %mul3A_446 = arith.mulf %add3A_441, %div3A_298 : vector<16xf32>
    %swap3A_447 = arith.constant 65 : index
    %swap3A_448 = tpu.vector_load %arg12[%swap3A_447] {strides = array<i32>} : memref<512xf32, #tpu.memory_space<vmem>>, vector<16xf32>,
    tpu.vector_store %arg12[%swap3A_447], %mul3A_446 {strides = array<i32>} : memref<512xf32, #tpu.memory_space<vmem>>, vector<16xf32>,
    %reduce_sum3A_449 = arith.constant true
    %reduce_sum3A_450 = vector.broadcast %reduce_sum3A_449 : i1 to vector<16xi1>
    %reduce_sum3A_451 = tpu.scan <sum>, %add3A_137 masked %reduce_sum3A_450 : vector<16xf32>, vector<16xi1> -> vector<16xf32>
    %reduce_sum3A_452 = vector.extract %reduce_sum3A_451[15] : f32 from vector<16xf32>
    %add3A_453 = arith.addf %add3A_436, %reduce_sum3A_452 : f32
    %broadcast_in_dim3A_454 = arith.constant true
    %broadcast_in_dim3A_455 = vector.broadcast %broadcast_in_dim3A_454 : i1 to vector<16xi1>
    %masked_cumsum3A_456 = tpu.scan <sum>, %add3A_141 masked %broadcast_in_dim3A_455 : vector<16xf32>, vector<16xi1> -> vector<16xf32>
    %add3A_457 = vector.broadcast %add3A_453 : f32 to vector<16xf32>
    %add3A_458 = arith.addf %masked_cumsum3A_456, %add3A_457 : vector<16xf32>
    %sub3A_459 = arith.subf %add3A_458, %add3A_141 : vector<16xf32>
    %mul3A_460 = arith.mulf %sub3A_459, %div3A_298 : vector<16xf32>
    %swap3A_461 = arith.constant 80 : index
    %swap3A_462 = tpu.vector_load %arg10[%swap3A_461] {strides = array<i32>} : memref<384xf32, #tpu.memory_space<vmem>>, vector<16xf32>,
    tpu.vector_store %arg10[%swap3A_461], %mul3A_460 {strides = array<i32>} : memref<384xf32, #tpu.memory_space<vmem>>, vector<16xf32>,
    %mul3A_463 = arith.mulf %add3A_458, %div3A_298 : vector<16xf32>
    %swap3A_464 = arith.constant 81 : index
    %swap3A_465 = tpu.vector_load %arg12[%swap3A_464] {strides = array<i32>} : memref<512xf32, #tpu.memory_space<vmem>>, vector<16xf32>,
    tpu.vector_store %arg12[%swap3A_464], %mul3A_463 {strides = array<i32>} : memref<512xf32, #tpu.memory_space<vmem>>, vector<16xf32>,
    %reduce_sum3A_466 = arith.constant true
    %reduce_sum3A_467 = vector.broadcast %reduce_sum3A_466 : i1 to vector<16xi1>
    %reduce_sum3A_468 = tpu.scan <sum>, %add3A_141 masked %reduce_sum3A_467 : vector<16xf32>, vector<16xi1> -> vector<16xf32>
    %reduce_sum3A_469 = vector.extract %reduce_sum3A_468[15] : f32 from vector<16xf32>
    %add3A_470 = arith.addf %add3A_453, %reduce_sum3A_469 : f32
    %broadcast_in_dim3A_471 = arith.constant true
    %broadcast_in_dim3A_472 = vector.broadcast %broadcast_in_dim3A_471 : i1 to vector<16xi1>
    %masked_cumsum3A_473 = tpu.scan <sum>, %add3A_145 masked %broadcast_in_dim3A_472 : vector<16xf32>, vector<16xi1> -> vector<16xf32>
    %add3A_474 = vector.broadcast %add3A_470 : f32 to vector<16xf32>
    %add3A_475 = arith.addf %masked_cumsum3A_473, %add3A_474 : vector<16xf32>
    %sub3A_476 = arith.subf %add3A_475, %add3A_145 : vector<16xf32>
    %mul3A_477 = arith.mulf %sub3A_476, %div3A_298 : vector<16xf32>
    %swap3A_478 = arith.constant 96 : index
    %swap3A_479 = tpu.vector_load %arg10[%swap3A_478] {strides = array<i32>} : memref<384xf32, #tpu.memory_space<vmem>>, vector<16xf32>,
    tpu.vector_store %arg10[%swap3A_478], %mul3A_477 {strides = array<i32>} : memref<384xf32, #tpu.memory_space<vmem>>, vector<16xf32>,
    %mul3A_480 = arith.mulf %add3A_475, %div3A_298 : vector<16xf32>
    %swap3A_481 = arith.constant 97 : index
    %swap3A_482 = tpu.vector_load %arg12[%swap3A_481] {strides = array<i32>} : memref<512xf32, #tpu.memory_space<vmem>>, vector<16xf32>,
    tpu.vector_store %arg12[%swap3A_481], %mul3A_480 {strides = array<i32>} : memref<512xf32, #tpu.memory_space<vmem>>, vector<16xf32>,
    %reduce_sum3A_483 = arith.constant true
    %reduce_sum3A_484 = vector.broadcast %reduce_sum3A_483 : i1 to vector<16xi1>
    %reduce_sum3A_485 = tpu.scan <sum>, %add3A_145 masked %reduce_sum3A_484 : vector<16xf32>, vector<16xi1> -> vector<16xf32>
    %reduce_sum3A_486 = vector.extract %reduce_sum3A_485[15] : f32 from vector<16xf32>
    %add3A_487 = arith.addf %add3A_470, %reduce_sum3A_486 : f32
    %broadcast_in_dim3A_488 = arith.constant true
    %broadcast_in_dim3A_489 = vector.broadcast %broadcast_in_dim3A_488 : i1 to vector<16xi1>
    %masked_cumsum3A_490 = tpu.scan <sum>, %add3A_149 masked %broadcast_in_dim3A_489 : vector<16xf32>, vector<16xi1> -> vector<16xf32>
    %add3A_491 = vector.broadcast %add3A_487 : f32 to vector<16xf32>
    %add3A_492 = arith.addf %masked_cumsum3A_490, %add3A_491 : vector<16xf32>
    %sub3A_493 = arith.subf %add3A_492, %add3A_149 : vector<16xf32>
    %mul3A_494 = arith.mulf %sub3A_493, %div3A_298 : vector<16xf32>
    %swap3A_495 = arith.constant 112 : index
    %swap3A_496 = tpu.vector_load %arg10[%swap3A_495] {strides = array<i32>} : memref<384xf32, #tpu.memory_space<vmem>>, vector<16xf32>,
    tpu.vector_store %arg10[%swap3A_495], %mul3A_494 {strides = array<i32>} : memref<384xf32, #tpu.memory_space<vmem>>, vector<16xf32>,
    %mul3A_497 = arith.mulf %add3A_492, %div3A_298 : vector<16xf32>
    %swap3A_498 = arith.constant 113 : index
    %swap3A_499 = tpu.vector_load %arg12[%swap3A_498] {strides = array<i32>} : memref<512xf32, #tpu.memory_space<vmem>>, vector<16xf32>,
    tpu.vector_store %arg12[%swap3A_498], %mul3A_497 {strides = array<i32>} : memref<512xf32, #tpu.memory_space<vmem>>, vector<16xf32>,
    %reduce_sum3A_500 = arith.constant true
    %reduce_sum3A_501 = vector.broadcast %reduce_sum3A_500 : i1 to vector<16xi1>
    %reduce_sum3A_502 = tpu.scan <sum>, %add3A_149 masked %reduce_sum3A_501 : vector<16xf32>, vector<16xi1> -> vector<16xf32>
    %reduce_sum3A_503 = vector.extract %reduce_sum3A_502[15] : f32 from vector<16xf32>
    %add3A_504 = arith.addf %add3A_487, %reduce_sum3A_503 : f32
    %broadcast_in_dim3A_505 = arith.constant true
    %broadcast_in_dim3A_506 = vector.broadcast %broadcast_in_dim3A_505 : i1 to vector<16xi1>
    %masked_cumsum3A_507 = tpu.scan <sum>, %add3A_153 masked %broadcast_in_dim3A_506 : vector<16xf32>, vector<16xi1> -> vector<16xf32>
    %add3A_508 = vector.broadcast %add3A_504 : f32 to vector<16xf32>
    %add3A_509 = arith.addf %masked_cumsum3A_507, %add3A_508 : vector<16xf32>
    %sub3A_510 = arith.subf %add3A_509, %add3A_153 : vector<16xf32>
    %mul3A_511 = arith.mulf %sub3A_510, %div3A_298 : vector<16xf32>
    %swap3A_512 = arith.constant 128 : index
    %swap3A_513 = tpu.vector_load %arg10[%swap3A_512] {strides = array<i32>} : memref<384xf32, #tpu.memory_space<vmem>>, vector<16xf32>,
    tpu.vector_store %arg10[%swap3A_512], %mul3A_511 {strides = array<i32>} : memref<384xf32, #tpu.memory_space<vmem>>, vector<16xf32>,
    %mul3A_514 = arith.mulf %add3A_509, %div3A_298 : vector<16xf32>
    %swap3A_515 = arith.constant 129 : index
    %swap3A_516 = tpu.vector_load %arg12[%swap3A_515] {strides = array<i32>} : memref<512xf32, #tpu.memory_space<vmem>>, vector<16xf32>,
    tpu.vector_store %arg12[%swap3A_515], %mul3A_514 {strides = array<i32>} : memref<512xf32, #tpu.memory_space<vmem>>, vector<16xf32>,
    %reduce_sum3A_517 = arith.constant true
    %reduce_sum3A_518 = vector.broadcast %reduce_sum3A_517 : i1 to vector<16xi1>
    %reduce_sum3A_519 = tpu.scan <sum>, %add3A_153 masked %reduce_sum3A_518 : vector<16xf32>, vector<16xi1> -> vector<16xf32>
    %reduce_sum3A_520 = vector.extract %reduce_sum3A_519[15] : f32 from vector<16xf32>
    %add3A_521 = arith.addf %add3A_504, %reduce_sum3A_520 : f32
    %broadcast_in_dim3A_522 = arith.constant true
    %broadcast_in_dim3A_523 = vector.broadcast %broadcast_in_dim3A_522 : i1 to vector<16xi1>
    %masked_cumsum3A_524 = tpu.scan <sum>, %add3A_157 masked %broadcast_in_dim3A_523 : vector<16xf32>, vector<16xi1> -> vector<16xf32>
    %add3A_525 = vector.broadcast %add3A_521 : f32 to vector<16xf32>
    %add3A_526 = arith.addf %masked_cumsum3A_524, %add3A_525 : vector<16xf32>
    %sub3A_527 = arith.subf %add3A_526, %add3A_157 : vector<16xf32>
    %mul3A_528 = arith.mulf %sub3A_527, %div3A_298 : vector<16xf32>
    %swap3A_529 = arith.constant 144 : index
    %swap3A_530 = tpu.vector_load %arg10[%swap3A_529] {strides = array<i32>} : memref<384xf32, #tpu.memory_space<vmem>>, vector<16xf32>,
    tpu.vector_store %arg10[%swap3A_529], %mul3A_528 {strides = array<i32>} : memref<384xf32, #tpu.memory_space<vmem>>, vector<16xf32>,
    %mul3A_531 = arith.mulf %add3A_526, %div3A_298 : vector<16xf32>
    %swap3A_532 = arith.constant 145 : index
    %swap3A_533 = tpu.vector_load %arg12[%swap3A_532] {strides = array<i32>} : memref<512xf32, #tpu.memory_space<vmem>>, vector<16xf32>,
    tpu.vector_store %arg12[%swap3A_532], %mul3A_531 {strides = array<i32>} : memref<512xf32, #tpu.memory_space<vmem>>, vector<16xf32>,
    %reduce_sum3A_534 = arith.constant true
    %reduce_sum3A_535 = vector.broadcast %reduce_sum3A_534 : i1 to vector<16xi1>
    %reduce_sum3A_536 = tpu.scan <sum>, %add3A_157 masked %reduce_sum3A_535 : vector<16xf32>, vector<16xi1> -> vector<16xf32>
    %reduce_sum3A_537 = vector.extract %reduce_sum3A_536[15] : f32 from vector<16xf32>
    %add3A_538 = arith.addf %add3A_521, %reduce_sum3A_537 : f32
    %broadcast_in_dim3A_539 = arith.constant true
    %broadcast_in_dim3A_540 = vector.broadcast %broadcast_in_dim3A_539 : i1 to vector<16xi1>
    %masked_cumsum3A_541 = tpu.scan <sum>, %add3A_161 masked %broadcast_in_dim3A_540 : vector<16xf32>, vector<16xi1> -> vector<16xf32>
    %add3A_542 = vector.broadcast %add3A_538 : f32 to vector<16xf32>
    %add3A_543 = arith.addf %masked_cumsum3A_541, %add3A_542 : vector<16xf32>
    %sub3A_544 = arith.subf %add3A_543, %add3A_161 : vector<16xf32>
    %mul3A_545 = arith.mulf %sub3A_544, %div3A_298 : vector<16xf32>
    %swap3A_546 = arith.constant 160 : index
    %swap3A_547 = tpu.vector_load %arg10[%swap3A_546] {strides = array<i32>} : memref<384xf32, #tpu.memory_space<vmem>>, vector<16xf32>,
    tpu.vector_store %arg10[%swap3A_546], %mul3A_545 {strides = array<i32>} : memref<384xf32, #tpu.memory_space<vmem>>, vector<16xf32>,
    %mul3A_548 = arith.mulf %add3A_543, %div3A_298 : vector<16xf32>
    %swap3A_549 = arith.constant 161 : index
    %swap3A_550 = tpu.vector_load %arg12[%swap3A_549] {strides = array<i32>} : memref<512xf32, #tpu.memory_space<vmem>>, vector<16xf32>,
    tpu.vector_store %arg12[%swap3A_549], %mul3A_548 {strides = array<i32>} : memref<512xf32, #tpu.memory_space<vmem>>, vector<16xf32>,
    %reduce_sum3A_551 = arith.constant true
    %reduce_sum3A_552 = vector.broadcast %reduce_sum3A_551 : i1 to vector<16xi1>
    %reduce_sum3A_553 = tpu.scan <sum>, %add3A_161 masked %reduce_sum3A_552 : vector<16xf32>, vector<16xi1> -> vector<16xf32>
    %reduce_sum3A_554 = vector.extract %reduce_sum3A_553[15] : f32 from vector<16xf32>
    %add3A_555 = arith.addf %add3A_538, %reduce_sum3A_554 : f32
    %broadcast_in_dim3A_556 = arith.constant true
    %broadcast_in_dim3A_557 = vector.broadcast %broadcast_in_dim3A_556 : i1 to vector<16xi1>
    %masked_cumsum3A_558 = tpu.scan <sum>, %add3A_165 masked %broadcast_in_dim3A_557 : vector<16xf32>, vector<16xi1> -> vector<16xf32>
    %add3A_559 = vector.broadcast %add3A_555 : f32 to vector<16xf32>
    %add3A_560 = arith.addf %masked_cumsum3A_558, %add3A_559 : vector<16xf32>
    %sub3A_561 = arith.subf %add3A_560, %add3A_165 : vector<16xf32>
    %mul3A_562 = arith.mulf %sub3A_561, %div3A_298 : vector<16xf32>
    %swap3A_563 = arith.constant 176 : index
    %swap3A_564 = tpu.vector_load %arg10[%swap3A_563] {strides = array<i32>} : memref<384xf32, #tpu.memory_space<vmem>>, vector<16xf32>,
    tpu.vector_store %arg10[%swap3A_563], %mul3A_562 {strides = array<i32>} : memref<384xf32, #tpu.memory_space<vmem>>, vector<16xf32>,
    %mul3A_565 = arith.mulf %add3A_560, %div3A_298 : vector<16xf32>
    %swap3A_566 = arith.constant 177 : index
    %swap3A_567 = tpu.vector_load %arg12[%swap3A_566] {strides = array<i32>} : memref<512xf32, #tpu.memory_space<vmem>>, vector<16xf32>,
    tpu.vector_store %arg12[%swap3A_566], %mul3A_565 {strides = array<i32>} : memref<512xf32, #tpu.memory_space<vmem>>, vector<16xf32>,
    %reduce_sum3A_568 = arith.constant true
    %reduce_sum3A_569 = vector.broadcast %reduce_sum3A_568 : i1 to vector<16xi1>
    %reduce_sum3A_570 = tpu.scan <sum>, %add3A_165 masked %reduce_sum3A_569 : vector<16xf32>, vector<16xi1> -> vector<16xf32>
    %reduce_sum3A_571 = vector.extract %reduce_sum3A_570[15] : f32 from vector<16xf32>
    %add3A_572 = arith.addf %add3A_555, %reduce_sum3A_571 : f32
    %broadcast_in_dim3A_573 = arith.constant true
    %broadcast_in_dim3A_574 = vector.broadcast %broadcast_in_dim3A_573 : i1 to vector<16xi1>
    %masked_cumsum3A_575 = tpu.scan <sum>, %add3A_169 masked %broadcast_in_dim3A_574 : vector<16xf32>, vector<16xi1> -> vector<16xf32>
    %add3A_576 = vector.broadcast %add3A_572 : f32 to vector<16xf32>
    %add3A_577 = arith.addf %masked_cumsum3A_575, %add3A_576 : vector<16xf32>
    %sub3A_578 = arith.subf %add3A_577, %add3A_169 : vector<16xf32>
    %mul3A_579 = arith.mulf %sub3A_578, %div3A_298 : vector<16xf32>
    %swap3A_580 = arith.constant 192 : index
    %swap3A_581 = tpu.vector_load %arg10[%swap3A_580] {strides = array<i32>} : memref<384xf32, #tpu.memory_space<vmem>>, vector<16xf32>,
    tpu.vector_store %arg10[%swap3A_580], %mul3A_579 {strides = array<i32>} : memref<384xf32, #tpu.memory_space<vmem>>, vector<16xf32>,
    %mul3A_582 = arith.mulf %add3A_577, %div3A_298 : vector<16xf32>
    %swap3A_583 = arith.constant 193 : index
    %swap3A_584 = tpu.vector_load %arg12[%swap3A_583] {strides = array<i32>} : memref<512xf32, #tpu.memory_space<vmem>>, vector<16xf32>,
    tpu.vector_store %arg12[%swap3A_583], %mul3A_582 {strides = array<i32>} : memref<512xf32, #tpu.memory_space<vmem>>, vector<16xf32>,
    %reduce_sum3A_585 = arith.constant true
    %reduce_sum3A_586 = vector.broadcast %reduce_sum3A_585 : i1 to vector<16xi1>
    %reduce_sum3A_587 = tpu.scan <sum>, %add3A_169 masked %reduce_sum3A_586 : vector<16xf32>, vector<16xi1> -> vector<16xf32>
    %reduce_sum3A_588 = vector.extract %reduce_sum3A_587[15] : f32 from vector<16xf32>
    %add3A_589 = arith.addf %add3A_572, %reduce_sum3A_588 : f32
    %broadcast_in_dim3A_590 = arith.constant true
    %broadcast_in_dim3A_591 = vector.broadcast %broadcast_in_dim3A_590 : i1 to vector<16xi1>
    %masked_cumsum3A_592 = tpu.scan <sum>, %add3A_173 masked %broadcast_in_dim3A_591 : vector<16xf32>, vector<16xi1> -> vector<16xf32>
    %add3A_593 = vector.broadcast %add3A_589 : f32 to vector<16xf32>
    %add3A_594 = arith.addf %masked_cumsum3A_592, %add3A_593 : vector<16xf32>
    %sub3A_595 = arith.subf %add3A_594, %add3A_173 : vector<16xf32>
    %mul3A_596 = arith.mulf %sub3A_595, %div3A_298 : vector<16xf32>
    %swap3A_597 = arith.constant 208 : index
    %swap3A_598 = tpu.vector_load %arg10[%swap3A_597] {strides = array<i32>} : memref<384xf32, #tpu.memory_space<vmem>>, vector<16xf32>,
    tpu.vector_store %arg10[%swap3A_597], %mul3A_596 {strides = array<i32>} : memref<384xf32, #tpu.memory_space<vmem>>, vector<16xf32>,
    %mul3A_599 = arith.mulf %add3A_594, %div3A_298 : vector<16xf32>
    %swap3A_600 = arith.constant 209 : index
    %swap3A_601 = tpu.vector_load %arg12[%swap3A_600] {strides = array<i32>} : memref<512xf32, #tpu.memory_space<vmem>>, vector<16xf32>,
    tpu.vector_store %arg12[%swap3A_600], %mul3A_599 {strides = array<i32>} : memref<512xf32, #tpu.memory_space<vmem>>, vector<16xf32>,
    %reduce_sum3A_602 = arith.constant true
    %reduce_sum3A_603 = vector.broadcast %reduce_sum3A_602 : i1 to vector<16xi1>
    %reduce_sum3A_604 = tpu.scan <sum>, %add3A_173 masked %reduce_sum3A_603 : vector<16xf32>, vector<16xi1> -> vector<16xf32>
    %reduce_sum3A_605 = vector.extract %reduce_sum3A_604[15] : f32 from vector<16xf32>
    %add3A_606 = arith.addf %add3A_589, %reduce_sum3A_605 : f32
    %broadcast_in_dim3A_607 = arith.constant true
    %broadcast_in_dim3A_608 = vector.broadcast %broadcast_in_dim3A_607 : i1 to vector<16xi1>
    %masked_cumsum3A_609 = tpu.scan <sum>, %add3A_177 masked %broadcast_in_dim3A_608 : vector<16xf32>, vector<16xi1> -> vector<16xf32>
    %add3A_610 = vector.broadcast %add3A_606 : f32 to vector<16xf32>
    %add3A_611 = arith.addf %masked_cumsum3A_609, %add3A_610 : vector<16xf32>
    %sub3A_612 = arith.subf %add3A_611, %add3A_177 : vector<16xf32>
    %mul3A_613 = arith.mulf %sub3A_612, %div3A_298 : vector<16xf32>
    %swap3A_614 = arith.constant 224 : index
    %swap3A_615 = tpu.vector_load %arg10[%swap3A_614] {strides = array<i32>} : memref<384xf32, #tpu.memory_space<vmem>>, vector<16xf32>,
    tpu.vector_store %arg10[%swap3A_614], %mul3A_613 {strides = array<i32>} : memref<384xf32, #tpu.memory_space<vmem>>, vector<16xf32>,
    %mul3A_616 = arith.mulf %add3A_611, %div3A_298 : vector<16xf32>
    %swap3A_617 = arith.constant 225 : index
    %swap3A_618 = tpu.vector_load %arg12[%swap3A_617] {strides = array<i32>} : memref<512xf32, #tpu.memory_space<vmem>>, vector<16xf32>,
    tpu.vector_store %arg12[%swap3A_617], %mul3A_616 {strides = array<i32>} : memref<512xf32, #tpu.memory_space<vmem>>, vector<16xf32>,
    %reduce_sum3A_619 = arith.constant true
    %reduce_sum3A_620 = vector.broadcast %reduce_sum3A_619 : i1 to vector<16xi1>
    %reduce_sum3A_621 = tpu.scan <sum>, %add3A_177 masked %reduce_sum3A_620 : vector<16xf32>, vector<16xi1> -> vector<16xf32>
    %reduce_sum3A_622 = vector.extract %reduce_sum3A_621[15] : f32 from vector<16xf32>
    %add3A_623 = arith.addf %add3A_606, %reduce_sum3A_622 : f32
    %broadcast_in_dim3A_624 = arith.constant true
    %broadcast_in_dim3A_625 = vector.broadcast %broadcast_in_dim3A_624 : i1 to vector<16xi1>
    %masked_cumsum3A_626 = tpu.scan <sum>, %add3A_181 masked %broadcast_in_dim3A_625 : vector<16xf32>, vector<16xi1> -> vector<16xf32>
    %add3A_627 = vector.broadcast %add3A_623 : f32 to vector<16xf32>
    %add3A_628 = arith.addf %masked_cumsum3A_626, %add3A_627 : vector<16xf32>
    %sub3A_629 = arith.subf %add3A_628, %add3A_181 : vector<16xf32>
    %mul3A_630 = arith.mulf %sub3A_629, %div3A_298 : vector<16xf32>
    %swap3A_631 = arith.constant 240 : index
    %swap3A_632 = tpu.vector_load %arg10[%swap3A_631] {strides = array<i32>} : memref<384xf32, #tpu.memory_space<vmem>>, vector<16xf32>,
    tpu.vector_store %arg10[%swap3A_631], %mul3A_630 {strides = array<i32>} : memref<384xf32, #tpu.memory_space<vmem>>, vector<16xf32>,
    %mul3A_633 = arith.mulf %add3A_628, %div3A_298 : vector<16xf32>
    %swap3A_634 = arith.constant 241 : index
    %swap3A_635 = tpu.vector_load %arg12[%swap3A_634] {strides = array<i32>} : memref<512xf32, #tpu.memory_space<vmem>>, vector<16xf32>,
    tpu.vector_store %arg12[%swap3A_634], %mul3A_633 {strides = array<i32>} : memref<512xf32, #tpu.memory_space<vmem>>, vector<16xf32>,
    %reduce_sum3A_636 = arith.constant true
    %reduce_sum3A_637 = vector.broadcast %reduce_sum3A_636 : i1 to vector<16xi1>
    %reduce_sum3A_638 = tpu.scan <sum>, %add3A_181 masked %reduce_sum3A_637 : vector<16xf32>, vector<16xi1> -> vector<16xf32>
    %reduce_sum3A_639 = vector.extract %reduce_sum3A_638[15] : f32 from vector<16xf32>
    %add3A_640 = arith.addf %add3A_623, %reduce_sum3A_639 : f32
    %broadcast_in_dim3A_641 = arith.constant 1.000000e+00 : f32
    %broadcast_in_dim3A_642 = vector.broadcast %broadcast_in_dim3A_641 : f32 to vector<16xf32>
    %mul3A_643 = vector.broadcast %add3A_640 : f32 to vector<16xf32>
    %mul3A_644 = arith.mulf %mul3A_643, %div3A_298 : vector<16xf32>
    %mul3A_645 = arith.mulf %broadcast_in_dim3A_642, %mul3A_644 : vector<16xf32>
    %swap3A_646 = arith.constant 256 : index
    %swap3A_647 = tpu.vector_load %arg10[%swap3A_646] {strides = array<i32>} : memref<384xf32, #tpu.memory_space<vmem>>, vector<16xf32>,
    tpu.vector_store %arg10[%swap3A_646], %mul3A_645 {strides = array<i32>} : memref<384xf32, #tpu.memory_space<vmem>>, vector<16xf32>,
    %add3A_648 = arith.addf %add3A_232, %add3A_235 : vector<16xf32>
    %add3A_649 = arith.addf %add3A_648, %add3A_238 : vector<16xf32>
    %add3A_650 = arith.addf %add3A_649, %add3A_241 : vector<16xf32>
    %add3A_651 = arith.addf %add3A_650, %add3A_244 : vector<16xf32>
    %add3A_652 = arith.addf %add3A_651, %add3A_247 : vector<16xf32>
    %add3A_653 = arith.addf %add3A_652, %add3A_250 : vector<16xf32>
    %add3A_654 = arith.addf %add3A_653, %add3A_253 : vector<16xf32>
    %add3A_655 = arith.addf %add3A_654, %add3A_256 : vector<16xf32>
    %add3A_656 = arith.addf %add3A_655, %add3A_259 : vector<16xf32>
    %add3A_657 = arith.addf %add3A_656, %add3A_262 : vector<16xf32>
    %add3A_658 = arith.addf %add3A_657, %add3A_265 : vector<16xf32>
    %add3A_659 = arith.addf %add3A_658, %add3A_268 : vector<16xf32>
    %add3A_660 = arith.addf %add3A_659, %add3A_271 : vector<16xf32>
    %add3A_661 = arith.addf %add3A_660, %add3A_274 : vector<16xf32>
    %add3A_662 = arith.addf %add3A_661, %add3A_277 : vector<16xf32>
    %broadcast_in_dim3A_663 = arith.constant 1.000000e+00 : f32
    %broadcast_in_dim3A_664 = vector.broadcast %broadcast_in_dim3A_663 : f32 to vector<16xf32>
    %reduce_sum3A_665 = arith.constant true
    %reduce_sum3A_666 = vector.broadcast %reduce_sum3A_665 : i1 to vector<16xi1>
    %reduce_sum3A_667 = tpu.scan <sum>, %add3A_662 masked %reduce_sum3A_666 : vector<16xf32>, vector<16xi1> -> vector<16xf32>
    %reduce_sum3A_668 = vector.extract %reduce_sum3A_667[15] : f32 from vector<16xf32>
    %div3A_669 = vector.broadcast %reduce_sum3A_668 : f32 to vector<16xf32>
    %div3A_670 = arith.divf %broadcast_in_dim3A_664, %div3A_669 : vector<16xf32>
    %broadcast_in_dim3A_671 = arith.constant true
    %broadcast_in_dim3A_672 = vector.broadcast %broadcast_in_dim3A_671 : i1 to vector<16xi1>
    %masked_cumsum3A_673 = tpu.scan <sum>, %add3A_232 masked %broadcast_in_dim3A_672 : vector<16xf32>, vector<16xi1> -> vector<16xf32>
    %add3A_674 = arith.constant 0.000000e+00 : f32
    %add3A_675 = vector.broadcast %add3A_674 : f32 to vector<16xf32>
    %add3A_676 = arith.addf %masked_cumsum3A_673, %add3A_675 : vector<16xf32>
    %sub3A_677 = arith.subf %add3A_676, %add3A_232 : vector<16xf32>
    %mul3A_678 = arith.mulf %sub3A_677, %div3A_670 : vector<16xf32>
    %swap3A_679 = arith.constant 0 : index
    %swap3A_680 = tpu.vector_load %arg11[%swap3A_679] {strides = array<i32>} : memref<384xf32, #tpu.memory_space<vmem>>, vector<16xf32>,
    tpu.vector_store %arg11[%swap3A_679], %mul3A_678 {strides = array<i32>} : memref<384xf32, #tpu.memory_space<vmem>>, vector<16xf32>,
    %reduce_sum3A_681 = arith.constant true
    %reduce_sum3A_682 = vector.broadcast %reduce_sum3A_681 : i1 to vector<16xi1>
    %reduce_sum3A_683 = tpu.scan <sum>, %add3A_232 masked %reduce_sum3A_682 : vector<16xf32>, vector<16xi1> -> vector<16xf32>
    %reduce_sum3A_684 = vector.extract %reduce_sum3A_683[15] : f32 from vector<16xf32>
    %add3A_685 = arith.constant 0.000000e+00 : f32
    %add3A_686 = arith.addf %add3A_685, %reduce_sum3A_684 : f32
    %broadcast_in_dim3A_687 = arith.constant true
    %broadcast_in_dim3A_688 = vector.broadcast %broadcast_in_dim3A_687 : i1 to vector<16xi1>
    %masked_cumsum3A_689 = tpu.scan <sum>, %add3A_235 masked %broadcast_in_dim3A_688 : vector<16xf32>, vector<16xi1> -> vector<16xf32>
    %add3A_690 = vector.broadcast %add3A_686 : f32 to vector<16xf32>
    %add3A_691 = arith.addf %masked_cumsum3A_689, %add3A_690 : vector<16xf32>
    %sub3A_692 = arith.subf %add3A_691, %add3A_235 : vector<16xf32>
    %mul3A_693 = arith.mulf %sub3A_692, %div3A_670 : vector<16xf32>
    %swap3A_694 = arith.constant 16 : index
    %swap3A_695 = tpu.vector_load %arg11[%swap3A_694] {strides = array<i32>} : memref<384xf32, #tpu.memory_space<vmem>>, vector<16xf32>,
    tpu.vector_store %arg11[%swap3A_694], %mul3A_693 {strides = array<i32>} : memref<384xf32, #tpu.memory_space<vmem>>, vector<16xf32>,
    %reduce_sum3A_696 = arith.constant true
    %reduce_sum3A_697 = vector.broadcast %reduce_sum3A_696 : i1 to vector<16xi1>
    %reduce_sum3A_698 = tpu.scan <sum>, %add3A_235 masked %reduce_sum3A_697 : vector<16xf32>, vector<16xi1> -> vector<16xf32>
    %reduce_sum3A_699 = vector.extract %reduce_sum3A_698[15] : f32 from vector<16xf32>
    %add3A_700 = arith.addf %add3A_686, %reduce_sum3A_699 : f32
    %broadcast_in_dim3A_701 = arith.constant true
    %broadcast_in_dim3A_702 = vector.broadcast %broadcast_in_dim3A_701 : i1 to vector<16xi1>
    %masked_cumsum3A_703 = tpu.scan <sum>, %add3A_238 masked %broadcast_in_dim3A_702 : vector<16xf32>, vector<16xi1> -> vector<16xf32>
    %add3A_704 = vector.broadcast %add3A_700 : f32 to vector<16xf32>
    %add3A_705 = arith.addf %masked_cumsum3A_703, %add3A_704 : vector<16xf32>
    %sub3A_706 = arith.subf %add3A_705, %add3A_238 : vector<16xf32>
    %mul3A_707 = arith.mulf %sub3A_706, %div3A_670 : vector<16xf32>
    %swap3A_708 = arith.constant 32 : index
    %swap3A_709 = tpu.vector_load %arg11[%swap3A_708] {strides = array<i32>} : memref<384xf32, #tpu.memory_space<vmem>>, vector<16xf32>,
    tpu.vector_store %arg11[%swap3A_708], %mul3A_707 {strides = array<i32>} : memref<384xf32, #tpu.memory_space<vmem>>, vector<16xf32>,
    %reduce_sum3A_710 = arith.constant true
    %reduce_sum3A_711 = vector.broadcast %reduce_sum3A_710 : i1 to vector<16xi1>
    %reduce_sum3A_712 = tpu.scan <sum>, %add3A_238 masked %reduce_sum3A_711 : vector<16xf32>, vector<16xi1> -> vector<16xf32>
    %reduce_sum3A_713 = vector.extract %reduce_sum3A_712[15] : f32 from vector<16xf32>
    %add3A_714 = arith.addf %add3A_700, %reduce_sum3A_713 : f32
    %broadcast_in_dim3A_715 = arith.constant true
    %broadcast_in_dim3A_716 = vector.broadcast %broadcast_in_dim3A_715 : i1 to vector<16xi1>
    %masked_cumsum3A_717 = tpu.scan <sum>, %add3A_241 masked %broadcast_in_dim3A_716 : vector<16xf32>, vector<16xi1> -> vector<16xf32>
    %add3A_718 = vector.broadcast %add3A_714 : f32 to vector<16xf32>
    %add3A_719 = arith.addf %masked_cumsum3A_717, %add3A_718 : vector<16xf32>
    %sub3A_720 = arith.subf %add3A_719, %add3A_241 : vector<16xf32>
    %mul3A_721 = arith.mulf %sub3A_720, %div3A_670 : vector<16xf32>
    %swap3A_722 = arith.constant 48 : index
    %swap3A_723 = tpu.vector_load %arg11[%swap3A_722] {strides = array<i32>} : memref<384xf32, #tpu.memory_space<vmem>>, vector<16xf32>,
    tpu.vector_store %arg11[%swap3A_722], %mul3A_721 {strides = array<i32>} : memref<384xf32, #tpu.memory_space<vmem>>, vector<16xf32>,
    %reduce_sum3A_724 = arith.constant true
    %reduce_sum3A_725 = vector.broadcast %reduce_sum3A_724 : i1 to vector<16xi1>
    %reduce_sum3A_726 = tpu.scan <sum>, %add3A_241 masked %reduce_sum3A_725 : vector<16xf32>, vector<16xi1> -> vector<16xf32>
    %reduce_sum3A_727 = vector.extract %reduce_sum3A_726[15] : f32 from vector<16xf32>
    %add3A_728 = arith.addf %add3A_714, %reduce_sum3A_727 : f32
    %broadcast_in_dim3A_729 = arith.constant true
    %broadcast_in_dim3A_730 = vector.broadcast %broadcast_in_dim3A_729 : i1 to vector<16xi1>
    %masked_cumsum3A_731 = tpu.scan <sum>, %add3A_244 masked %broadcast_in_dim3A_730 : vector<16xf32>, vector<16xi1> -> vector<16xf32>
    %add3A_732 = vector.broadcast %add3A_728 : f32 to vector<16xf32>
    %add3A_733 = arith.addf %masked_cumsum3A_731, %add3A_732 : vector<16xf32>
    %sub3A_734 = arith.subf %add3A_733, %add3A_244 : vector<16xf32>
    %mul3A_735 = arith.mulf %sub3A_734, %div3A_670 : vector<16xf32>
    %swap3A_736 = arith.constant 64 : index
    %swap3A_737 = tpu.vector_load %arg11[%swap3A_736] {strides = array<i32>} : memref<384xf32, #tpu.memory_space<vmem>>, vector<16xf32>,
    tpu.vector_store %arg11[%swap3A_736], %mul3A_735 {strides = array<i32>} : memref<384xf32, #tpu.memory_space<vmem>>, vector<16xf32>,
    %reduce_sum3A_738 = arith.constant true
    %reduce_sum3A_739 = vector.broadcast %reduce_sum3A_738 : i1 to vector<16xi1>
    %reduce_sum3A_740 = tpu.scan <sum>, %add3A_244 masked %reduce_sum3A_739 : vector<16xf32>, vector<16xi1> -> vector<16xf32>
    %reduce_sum3A_741 = vector.extract %reduce_sum3A_740[15] : f32 from vector<16xf32>
    %add3A_742 = arith.addf %add3A_728, %reduce_sum3A_741 : f32
    %broadcast_in_dim3A_743 = arith.constant true
    %broadcast_in_dim3A_744 = vector.broadcast %broadcast_in_dim3A_743 : i1 to vector<16xi1>
    %masked_cumsum3A_745 = tpu.scan <sum>, %add3A_247 masked %broadcast_in_dim3A_744 : vector<16xf32>, vector<16xi1> -> vector<16xf32>
    %add3A_746 = vector.broadcast %add3A_742 : f32 to vector<16xf32>
    %add3A_747 = arith.addf %masked_cumsum3A_745, %add3A_746 : vector<16xf32>
    %sub3A_748 = arith.subf %add3A_747, %add3A_247 : vector<16xf32>
    %mul3A_749 = arith.mulf %sub3A_748, %div3A_670 : vector<16xf32>
    %swap3A_750 = arith.constant 80 : index
    %swap3A_751 = tpu.vector_load %arg11[%swap3A_750] {strides = array<i32>} : memref<384xf32, #tpu.memory_space<vmem>>, vector<16xf32>,
    tpu.vector_store %arg11[%swap3A_750], %mul3A_749 {strides = array<i32>} : memref<384xf32, #tpu.memory_space<vmem>>, vector<16xf32>,
    %reduce_sum3A_752 = arith.constant true
    %reduce_sum3A_753 = vector.broadcast %reduce_sum3A_752 : i1 to vector<16xi1>
    %reduce_sum3A_754 = tpu.scan <sum>, %add3A_247 masked %reduce_sum3A_753 : vector<16xf32>, vector<16xi1> -> vector<16xf32>
    %reduce_sum3A_755 = vector.extract %reduce_sum3A_754[15] : f32 from vector<16xf32>
    %add3A_756 = arith.addf %add3A_742, %reduce_sum3A_755 : f32
    %broadcast_in_dim3A_757 = arith.constant true
    %broadcast_in_dim3A_758 = vector.broadcast %broadcast_in_dim3A_757 : i1 to vector<16xi1>
    %masked_cumsum3A_759 = tpu.scan <sum>, %add3A_250 masked %broadcast_in_dim3A_758 : vector<16xf32>, vector<16xi1> -> vector<16xf32>
    %add3A_760 = vector.broadcast %add3A_756 : f32 to vector<16xf32>
    %add3A_761 = arith.addf %masked_cumsum3A_759, %add3A_760 : vector<16xf32>
    %sub3A_762 = arith.subf %add3A_761, %add3A_250 : vector<16xf32>
    %mul3A_763 = arith.mulf %sub3A_762, %div3A_670 : vector<16xf32>
    %swap3A_764 = arith.constant 96 : index
    %swap3A_765 = tpu.vector_load %arg11[%swap3A_764] {strides = array<i32>} : memref<384xf32, #tpu.memory_space<vmem>>, vector<16xf32>,
    tpu.vector_store %arg11[%swap3A_764], %mul3A_763 {strides = array<i32>} : memref<384xf32, #tpu.memory_space<vmem>>, vector<16xf32>,
    %reduce_sum3A_766 = arith.constant true
    %reduce_sum3A_767 = vector.broadcast %reduce_sum3A_766 : i1 to vector<16xi1>
    %reduce_sum3A_768 = tpu.scan <sum>, %add3A_250 masked %reduce_sum3A_767 : vector<16xf32>, vector<16xi1> -> vector<16xf32>
    %reduce_sum3A_769 = vector.extract %reduce_sum3A_768[15] : f32 from vector<16xf32>
    %add3A_770 = arith.addf %add3A_756, %reduce_sum3A_769 : f32
    %broadcast_in_dim3A_771 = arith.constant true
    %broadcast_in_dim3A_772 = vector.broadcast %broadcast_in_dim3A_771 : i1 to vector<16xi1>
    %masked_cumsum3A_773 = tpu.scan <sum>, %add3A_253 masked %broadcast_in_dim3A_772 : vector<16xf32>, vector<16xi1> -> vector<16xf32>
    %add3A_774 = vector.broadcast %add3A_770 : f32 to vector<16xf32>
    %add3A_775 = arith.addf %masked_cumsum3A_773, %add3A_774 : vector<16xf32>
    %sub3A_776 = arith.subf %add3A_775, %add3A_253 : vector<16xf32>
    %mul3A_777 = arith.mulf %sub3A_776, %div3A_670 : vector<16xf32>
    %swap3A_778 = arith.constant 112 : index
    %swap3A_779 = tpu.vector_load %arg11[%swap3A_778] {strides = array<i32>} : memref<384xf32, #tpu.memory_space<vmem>>, vector<16xf32>,
    tpu.vector_store %arg11[%swap3A_778], %mul3A_777 {strides = array<i32>} : memref<384xf32, #tpu.memory_space<vmem>>, vector<16xf32>,
    %reduce_sum3A_780 = arith.constant true
    %reduce_sum3A_781 = vector.broadcast %reduce_sum3A_780 : i1 to vector<16xi1>
    %reduce_sum3A_782 = tpu.scan <sum>, %add3A_253 masked %reduce_sum3A_781 : vector<16xf32>, vector<16xi1> -> vector<16xf32>
    %reduce_sum3A_783 = vector.extract %reduce_sum3A_782[15] : f32 from vector<16xf32>
    %add3A_784 = arith.addf %add3A_770, %reduce_sum3A_783 : f32
    %broadcast_in_dim3A_785 = arith.constant true
    %broadcast_in_dim3A_786 = vector.broadcast %broadcast_in_dim3A_785 : i1 to vector<16xi1>
    %masked_cumsum3A_787 = tpu.scan <sum>, %add3A_256 masked %broadcast_in_dim3A_786 : vector<16xf32>, vector<16xi1> -> vector<16xf32>
    %add3A_788 = vector.broadcast %add3A_784 : f32 to vector<16xf32>
    %add3A_789 = arith.addf %masked_cumsum3A_787, %add3A_788 : vector<16xf32>
    %sub3A_790 = arith.subf %add3A_789, %add3A_256 : vector<16xf32>
    %mul3A_791 = arith.mulf %sub3A_790, %div3A_670 : vector<16xf32>
    %swap3A_792 = arith.constant 128 : index
    %swap3A_793 = tpu.vector_load %arg11[%swap3A_792] {strides = array<i32>} : memref<384xf32, #tpu.memory_space<vmem>>, vector<16xf32>,
    tpu.vector_store %arg11[%swap3A_792], %mul3A_791 {strides = array<i32>} : memref<384xf32, #tpu.memory_space<vmem>>, vector<16xf32>,
    %reduce_sum3A_794 = arith.constant true
    %reduce_sum3A_795 = vector.broadcast %reduce_sum3A_794 : i1 to vector<16xi1>
    %reduce_sum3A_796 = tpu.scan <sum>, %add3A_256 masked %reduce_sum3A_795 : vector<16xf32>, vector<16xi1> -> vector<16xf32>
    %reduce_sum3A_797 = vector.extract %reduce_sum3A_796[15] : f32 from vector<16xf32>
    %add3A_798 = arith.addf %add3A_784, %reduce_sum3A_797 : f32
    %broadcast_in_dim3A_799 = arith.constant true
    %broadcast_in_dim3A_800 = vector.broadcast %broadcast_in_dim3A_799 : i1 to vector<16xi1>
    %masked_cumsum3A_801 = tpu.scan <sum>, %add3A_259 masked %broadcast_in_dim3A_800 : vector<16xf32>, vector<16xi1> -> vector<16xf32>
    %add3A_802 = vector.broadcast %add3A_798 : f32 to vector<16xf32>
    %add3A_803 = arith.addf %masked_cumsum3A_801, %add3A_802 : vector<16xf32>
    %sub3A_804 = arith.subf %add3A_803, %add3A_259 : vector<16xf32>
    %mul3A_805 = arith.mulf %sub3A_804, %div3A_670 : vector<16xf32>
    %swap3A_806 = arith.constant 144 : index
    %swap3A_807 = tpu.vector_load %arg11[%swap3A_806] {strides = array<i32>} : memref<384xf32, #tpu.memory_space<vmem>>, vector<16xf32>,
    tpu.vector_store %arg11[%swap3A_806], %mul3A_805 {strides = array<i32>} : memref<384xf32, #tpu.memory_space<vmem>>, vector<16xf32>,
    %reduce_sum3A_808 = arith.constant true
    %reduce_sum3A_809 = vector.broadcast %reduce_sum3A_808 : i1 to vector<16xi1>
    %reduce_sum3A_810 = tpu.scan <sum>, %add3A_259 masked %reduce_sum3A_809 : vector<16xf32>, vector<16xi1> -> vector<16xf32>
    %reduce_sum3A_811 = vector.extract %reduce_sum3A_810[15] : f32 from vector<16xf32>
    %add3A_812 = arith.addf %add3A_798, %reduce_sum3A_811 : f32
    %broadcast_in_dim3A_813 = arith.constant true
    %broadcast_in_dim3A_814 = vector.broadcast %broadcast_in_dim3A_813 : i1 to vector<16xi1>
    %masked_cumsum3A_815 = tpu.scan <sum>, %add3A_262 masked %broadcast_in_dim3A_814 : vector<16xf32>, vector<16xi1> -> vector<16xf32>
    %add3A_816 = vector.broadcast %add3A_812 : f32 to vector<16xf32>
    %add3A_817 = arith.addf %masked_cumsum3A_815, %add3A_816 : vector<16xf32>
    %sub3A_818 = arith.subf %add3A_817, %add3A_262 : vector<16xf32>
    %mul3A_819 = arith.mulf %sub3A_818, %div3A_670 : vector<16xf32>
    %swap3A_820 = arith.constant 160 : index
    %swap3A_821 = tpu.vector_load %arg11[%swap3A_820] {strides = array<i32>} : memref<384xf32, #tpu.memory_space<vmem>>, vector<16xf32>,
    tpu.vector_store %arg11[%swap3A_820], %mul3A_819 {strides = array<i32>} : memref<384xf32, #tpu.memory_space<vmem>>, vector<16xf32>,
    %reduce_sum3A_822 = arith.constant true
    %reduce_sum3A_823 = vector.broadcast %reduce_sum3A_822 : i1 to vector<16xi1>
    %reduce_sum3A_824 = tpu.scan <sum>, %add3A_262 masked %reduce_sum3A_823 : vector<16xf32>, vector<16xi1> -> vector<16xf32>
    %reduce_sum3A_825 = vector.extract %reduce_sum3A_824[15] : f32 from vector<16xf32>
    %add3A_826 = arith.addf %add3A_812, %reduce_sum3A_825 : f32
    %broadcast_in_dim3A_827 = arith.constant true
    %broadcast_in_dim3A_828 = vector.broadcast %broadcast_in_dim3A_827 : i1 to vector<16xi1>
    %masked_cumsum3A_829 = tpu.scan <sum>, %add3A_265 masked %broadcast_in_dim3A_828 : vector<16xf32>, vector<16xi1> -> vector<16xf32>
    %add3A_830 = vector.broadcast %add3A_826 : f32 to vector<16xf32>
    %add3A_831 = arith.addf %masked_cumsum3A_829, %add3A_830 : vector<16xf32>
    %sub3A_832 = arith.subf %add3A_831, %add3A_265 : vector<16xf32>
    %mul3A_833 = arith.mulf %sub3A_832, %div3A_670 : vector<16xf32>
    %swap3A_834 = arith.constant 176 : index
    %swap3A_835 = tpu.vector_load %arg11[%swap3A_834] {strides = array<i32>} : memref<384xf32, #tpu.memory_space<vmem>>, vector<16xf32>,
    tpu.vector_store %arg11[%swap3A_834], %mul3A_833 {strides = array<i32>} : memref<384xf32, #tpu.memory_space<vmem>>, vector<16xf32>,
    %reduce_sum3A_836 = arith.constant true
    %reduce_sum3A_837 = vector.broadcast %reduce_sum3A_836 : i1 to vector<16xi1>
    %reduce_sum3A_838 = tpu.scan <sum>, %add3A_265 masked %reduce_sum3A_837 : vector<16xf32>, vector<16xi1> -> vector<16xf32>
    %reduce_sum3A_839 = vector.extract %reduce_sum3A_838[15] : f32 from vector<16xf32>
    %add3A_840 = arith.addf %add3A_826, %reduce_sum3A_839 : f32
    %broadcast_in_dim3A_841 = arith.constant true
    %broadcast_in_dim3A_842 = vector.broadcast %broadcast_in_dim3A_841 : i1 to vector<16xi1>
    %masked_cumsum3A_843 = tpu.scan <sum>, %add3A_268 masked %broadcast_in_dim3A_842 : vector<16xf32>, vector<16xi1> -> vector<16xf32>
    %add3A_844 = vector.broadcast %add3A_840 : f32 to vector<16xf32>
    %add3A_845 = arith.addf %masked_cumsum3A_843, %add3A_844 : vector<16xf32>
    %sub3A_846 = arith.subf %add3A_845, %add3A_268 : vector<16xf32>
    %mul3A_847 = arith.mulf %sub3A_846, %div3A_670 : vector<16xf32>
    %swap3A_848 = arith.constant 192 : index
    %swap3A_849 = tpu.vector_load %arg11[%swap3A_848] {strides = array<i32>} : memref<384xf32, #tpu.memory_space<vmem>>, vector<16xf32>,
    tpu.vector_store %arg11[%swap3A_848], %mul3A_847 {strides = array<i32>} : memref<384xf32, #tpu.memory_space<vmem>>, vector<16xf32>,
    %reduce_sum3A_850 = arith.constant true
    %reduce_sum3A_851 = vector.broadcast %reduce_sum3A_850 : i1 to vector<16xi1>
    %reduce_sum3A_852 = tpu.scan <sum>, %add3A_268 masked %reduce_sum3A_851 : vector<16xf32>, vector<16xi1> -> vector<16xf32>
    %reduce_sum3A_853 = vector.extract %reduce_sum3A_852[15] : f32 from vector<16xf32>
    %add3A_854 = arith.addf %add3A_840, %reduce_sum3A_853 : f32
    %broadcast_in_dim3A_855 = arith.constant true
    %broadcast_in_dim3A_856 = vector.broadcast %broadcast_in_dim3A_855 : i1 to vector<16xi1>
    %masked_cumsum3A_857 = tpu.scan <sum>, %add3A_271 masked %broadcast_in_dim3A_856 : vector<16xf32>, vector<16xi1> -> vector<16xf32>
    %add3A_858 = vector.broadcast %add3A_854 : f32 to vector<16xf32>
    %add3A_859 = arith.addf %masked_cumsum3A_857, %add3A_858 : vector<16xf32>
    %sub3A_860 = arith.subf %add3A_859, %add3A_271 : vector<16xf32>
    %mul3A_861 = arith.mulf %sub3A_860, %div3A_670 : vector<16xf32>
    %swap3A_862 = arith.constant 208 : index
    %swap3A_863 = tpu.vector_load %arg11[%swap3A_862] {strides = array<i32>} : memref<384xf32, #tpu.memory_space<vmem>>, vector<16xf32>,
    tpu.vector_store %arg11[%swap3A_862], %mul3A_861 {strides = array<i32>} : memref<384xf32, #tpu.memory_space<vmem>>, vector<16xf32>,
    %reduce_sum3A_864 = arith.constant true
    %reduce_sum3A_865 = vector.broadcast %reduce_sum3A_864 : i1 to vector<16xi1>
    %reduce_sum3A_866 = tpu.scan <sum>, %add3A_271 masked %reduce_sum3A_865 : vector<16xf32>, vector<16xi1> -> vector<16xf32>
    %reduce_sum3A_867 = vector.extract %reduce_sum3A_866[15] : f32 from vector<16xf32>
    %add3A_868 = arith.addf %add3A_854, %reduce_sum3A_867 : f32
    %broadcast_in_dim3A_869 = arith.constant true
    %broadcast_in_dim3A_870 = vector.broadcast %broadcast_in_dim3A_869 : i1 to vector<16xi1>
    %masked_cumsum3A_871 = tpu.scan <sum>, %add3A_274 masked %broadcast_in_dim3A_870 : vector<16xf32>, vector<16xi1> -> vector<16xf32>
    %add3A_872 = vector.broadcast %add3A_868 : f32 to vector<16xf32>
    %add3A_873 = arith.addf %masked_cumsum3A_871, %add3A_872 : vector<16xf32>
    %sub3A_874 = arith.subf %add3A_873, %add3A_274 : vector<16xf32>
    %mul3A_875 = arith.mulf %sub3A_874, %div3A_670 : vector<16xf32>
    %swap3A_876 = arith.constant 224 : index
    %swap3A_877 = tpu.vector_load %arg11[%swap3A_876] {strides = array<i32>} : memref<384xf32, #tpu.memory_space<vmem>>, vector<16xf32>,
    tpu.vector_store %arg11[%swap3A_876], %mul3A_875 {strides = array<i32>} : memref<384xf32, #tpu.memory_space<vmem>>, vector<16xf32>,
    %reduce_sum3A_878 = arith.constant true
    %reduce_sum3A_879 = vector.broadcast %reduce_sum3A_878 : i1 to vector<16xi1>
    %reduce_sum3A_880 = tpu.scan <sum>, %add3A_274 masked %reduce_sum3A_879 : vector<16xf32>, vector<16xi1> -> vector<16xf32>
    %reduce_sum3A_881 = vector.extract %reduce_sum3A_880[15] : f32 from vector<16xf32>
    %add3A_882 = arith.addf %add3A_868, %reduce_sum3A_881 : f32
    %broadcast_in_dim3A_883 = arith.constant true
    %broadcast_in_dim3A_884 = vector.broadcast %broadcast_in_dim3A_883 : i1 to vector<16xi1>
    %masked_cumsum3A_885 = tpu.scan <sum>, %add3A_277 masked %broadcast_in_dim3A_884 : vector<16xf32>, vector<16xi1> -> vector<16xf32>
    %add3A_886 = vector.broadcast %add3A_882 : f32 to vector<16xf32>
    %add3A_887 = arith.addf %masked_cumsum3A_885, %add3A_886 : vector<16xf32>
    %sub3A_888 = arith.subf %add3A_887, %add3A_277 : vector<16xf32>
    %mul3A_889 = arith.mulf %sub3A_888, %div3A_670 : vector<16xf32>
    %swap3A_890 = arith.constant 240 : index
    %swap3A_891 = tpu.vector_load %arg11[%swap3A_890] {strides = array<i32>} : memref<384xf32, #tpu.memory_space<vmem>>, vector<16xf32>,
    tpu.vector_store %arg11[%swap3A_890], %mul3A_889 {strides = array<i32>} : memref<384xf32, #tpu.memory_space<vmem>>, vector<16xf32>,
    %reduce_sum3A_892 = arith.constant true
    %reduce_sum3A_893 = vector.broadcast %reduce_sum3A_892 : i1 to vector<16xi1>
    %reduce_sum3A_894 = tpu.scan <sum>, %add3A_277 masked %reduce_sum3A_893 : vector<16xf32>, vector<16xi1> -> vector<16xf32>
    %reduce_sum3A_895 = vector.extract %reduce_sum3A_894[15] : f32 from vector<16xf32>
    %add3A_896 = arith.addf %add3A_882, %reduce_sum3A_895 : f32
    %broadcast_in_dim3A_897 = arith.constant 1.000000e+00 : f32
    %broadcast_in_dim3A_898 = vector.broadcast %broadcast_in_dim3A_897 : f32 to vector<16xf32>
    %mul3A_899 = vector.broadcast %add3A_896 : f32 to vector<16xf32>
    %mul3A_900 = arith.mulf %mul3A_899, %div3A_670 : vector<16xf32>
    %mul3A_901 = arith.mulf %broadcast_in_dim3A_898, %mul3A_900 : vector<16xf32>
    %swap3A_902 = arith.constant 256 : index
    %swap3A_903 = tpu.vector_load %arg11[%swap3A_902] {strides = array<i32>} : memref<384xf32, #tpu.memory_space<vmem>>, vector<16xf32>,
    tpu.vector_store %arg11[%swap3A_902], %mul3A_901 {strides = array<i32>} : memref<384xf32, #tpu.memory_space<vmem>>, vector<16xf32>,
    %iota3A = tpu.iota {dimensions = array<i32: 0>} : vector<16xi32>
    %broadcast_in_dim3A_904 = arith.constant 0 : i32
    %broadcast_in_dim3A_905 = vector.broadcast %broadcast_in_dim3A_904 : i32 to vector<16xi32>
    %parallel_loop3A = arith.constant 0 : i32
    %parallel_loop3A_906 = arith.constant 128 : i32
    %parallel_loop3A_907 = arith.constant 1 : i32
    scf.for %parallel_loop3A_914 = %parallel_loop3A to %parallel_loop3A_906 step %parallel_loop3A_907  : i32 {
      %parallel_loop3A_915 = arith.constant 16 : i32
      %parallel_loop3A_916 = arith.muli %parallel_loop3A_914, %parallel_loop3A_915 : i32
      %parallel_loop3A_917 = vector.broadcast %parallel_loop3A_916 : i32 to vector<16xi32>
      %parallel_loop3A_918 = arith.addi %parallel_loop3A_917, %iota3A : vector<16xi32>
      %parallel_loop3A_919 = arith.sitofp %parallel_loop3A_918 : vector<16xi32> to vector<16xf32>
      %parallel_loop3A_920 = arith.constant 4.8828125E-4 : f32
      %parallel_loop3A_921 = vector.broadcast %parallel_loop3A_920 : f32 to vector<16xf32>
      %parallel_loop3A_922 = arith.mulf %parallel_loop3A_919, %parallel_loop3A_921 : vector<16xf32>
      %parallel_loop3A_923 = arith.constant 256 : i32
      %parallel_loop3A_924 = vector.broadcast %parallel_loop3A_923 : i32 to vector<16xi32>
      %parallel_loop3A_925 = arith.addi %broadcast_in_dim3A_905, %parallel_loop3A_924 : vector<16xi32>
      %parallel_loop3A_926 = tpu.vector_load_idx %arg12[%parallel_loop3A_925] : memref<512xf32, #tpu.memory_space<vmem>>[vector<16xi32>], vector<16xf32>,
      %parallel_loop3A_927 = arith.cmpf ole, %parallel_loop3A_926, %parallel_loop3A_922 : vector<16xf32>
      %parallel_loop3A_928 = arith.constant 256 : i32
      %parallel_loop3A_929 = vector.broadcast %parallel_loop3A_928 : i32 to vector<16xi32>
      %parallel_loop3A_930 = arith.addi %broadcast_in_dim3A_905, %parallel_loop3A_929 : vector<16xi32>
      %parallel_loop3A_931 = arith.select %parallel_loop3A_927, %parallel_loop3A_930, %broadcast_in_dim3A_905 : vector<16xi1>, vector<16xi32>
      %parallel_loop3A_932 = arith.constant 128 : i32
      %parallel_loop3A_933 = vector.broadcast %parallel_loop3A_932 : i32 to vector<16xi32>
      %parallel_loop3A_934 = arith.addi %parallel_loop3A_931, %parallel_loop3A_933 : vector<16xi32>
      %parallel_loop3A_935 = tpu.vector_load_idx %arg12[%parallel_loop3A_934] : memref<512xf32, #tpu.memory_space<vmem>>[vector<16xi32>], vector<16xf32>,
      %parallel_loop3A_936 = arith.cmpf ole, %parallel_loop3A_935, %parallel_loop3A_922 : vector<16xf32>
      %parallel_loop3A_937 = arith.constant 128 : i32
      %parallel_loop3A_938 = vector.broadcast %parallel_loop3A_937 : i32 to vector<16xi32>
      %parallel_loop3A_939 = arith.addi %parallel_loop3A_931, %parallel_loop3A_938 : vector<16xi32>
      %parallel_loop3A_940 = arith.select %parallel_loop3A_936, %parallel_loop3A_939, %parallel_loop3A_931 : vector<16xi1>, vector<16xi32>
      %parallel_loop3A_941 = arith.constant 64 : i32
      %parallel_loop3A_942 = vector.broadcast %parallel_loop3A_941 : i32 to vector<16xi32>
      %parallel_loop3A_943 = arith.addi %parallel_loop3A_940, %parallel_loop3A_942 : vector<16xi32>
      %parallel_loop3A_944 = tpu.vector_load_idx %arg12[%parallel_loop3A_943] : memref<512xf32, #tpu.memory_space<vmem>>[vector<16xi32>], vector<16xf32>,
      %parallel_loop3A_945 = arith.cmpf ole, %parallel_loop3A_944, %parallel_loop3A_922 : vector<16xf32>
      %parallel_loop3A_946 = arith.constant 64 : i32
      %parallel_loop3A_947 = vector.broadcast %parallel_loop3A_946 : i32 to vector<16xi32>
      %parallel_loop3A_948 = arith.addi %parallel_loop3A_940, %parallel_loop3A_947 : vector<16xi32>
      %parallel_loop3A_949 = arith.select %parallel_loop3A_945, %parallel_loop3A_948, %parallel_loop3A_940 : vector<16xi1>, vector<16xi32>
      %parallel_loop3A_950 = arith.constant 32 : i32
      %parallel_loop3A_951 = vector.broadcast %parallel_loop3A_950 : i32 to vector<16xi32>
      %parallel_loop3A_952 = arith.addi %parallel_loop3A_949, %parallel_loop3A_951 : vector<16xi32>
      %parallel_loop3A_953 = tpu.vector_load_idx %arg12[%parallel_loop3A_952] : memref<512xf32, #tpu.memory_space<vmem>>[vector<16xi32>], vector<16xf32>,
      %parallel_loop3A_954 = arith.cmpf ole, %parallel_loop3A_953, %parallel_loop3A_922 : vector<16xf32>
      %parallel_loop3A_955 = arith.constant 32 : i32
      %parallel_loop3A_956 = vector.broadcast %parallel_loop3A_955 : i32 to vector<16xi32>
      %parallel_loop3A_957 = arith.addi %parallel_loop3A_949, %parallel_loop3A_956 : vector<16xi32>
      %parallel_loop3A_958 = arith.select %parallel_loop3A_954, %parallel_loop3A_957, %parallel_loop3A_949 : vector<16xi1>, vector<16xi32>
      %parallel_loop3A_959 = arith.constant 16 : i32
      %parallel_loop3A_960 = vector.broadcast %parallel_loop3A_959 : i32 to vector<16xi32>
      %parallel_loop3A_961 = arith.addi %parallel_loop3A_958, %parallel_loop3A_960 : vector<16xi32>
      %parallel_loop3A_962 = tpu.vector_load_idx %arg12[%parallel_loop3A_961] : memref<512xf32, #tpu.memory_space<vmem>>[vector<16xi32>], vector<16xf32>,
      %parallel_loop3A_963 = arith.cmpf ole, %parallel_loop3A_962, %parallel_loop3A_922 : vector<16xf32>
      %parallel_loop3A_964 = arith.constant 16 : i32
      %parallel_loop3A_965 = vector.broadcast %parallel_loop3A_964 : i32 to vector<16xi32>
      %parallel_loop3A_966 = arith.addi %parallel_loop3A_958, %parallel_loop3A_965 : vector<16xi32>
      %parallel_loop3A_967 = arith.select %parallel_loop3A_963, %parallel_loop3A_966, %parallel_loop3A_958 : vector<16xi1>, vector<16xi32>
      %parallel_loop3A_968 = arith.constant 8 : i32
      %parallel_loop3A_969 = vector.broadcast %parallel_loop3A_968 : i32 to vector<16xi32>
      %parallel_loop3A_970 = arith.addi %parallel_loop3A_967, %parallel_loop3A_969 : vector<16xi32>
      %parallel_loop3A_971 = tpu.vector_load_idx %arg12[%parallel_loop3A_970] : memref<512xf32, #tpu.memory_space<vmem>>[vector<16xi32>], vector<16xf32>,
      %parallel_loop3A_972 = arith.cmpf ole, %parallel_loop3A_971, %parallel_loop3A_922 : vector<16xf32>
      %parallel_loop3A_973 = arith.constant 8 : i32
      %parallel_loop3A_974 = vector.broadcast %parallel_loop3A_973 : i32 to vector<16xi32>
      %parallel_loop3A_975 = arith.addi %parallel_loop3A_967, %parallel_loop3A_974 : vector<16xi32>
      %parallel_loop3A_976 = arith.select %parallel_loop3A_972, %parallel_loop3A_975, %parallel_loop3A_967 : vector<16xi1>, vector<16xi32>
      %parallel_loop3A_977 = arith.constant 4 : i32
      %parallel_loop3A_978 = vector.broadcast %parallel_loop3A_977 : i32 to vector<16xi32>
      %parallel_loop3A_979 = arith.addi %parallel_loop3A_976, %parallel_loop3A_978 : vector<16xi32>
      %parallel_loop3A_980 = tpu.vector_load_idx %arg12[%parallel_loop3A_979] : memref<512xf32, #tpu.memory_space<vmem>>[vector<16xi32>], vector<16xf32>,
      %parallel_loop3A_981 = arith.cmpf ole, %parallel_loop3A_980, %parallel_loop3A_922 : vector<16xf32>
      %parallel_loop3A_982 = arith.constant 4 : i32
      %parallel_loop3A_983 = vector.broadcast %parallel_loop3A_982 : i32 to vector<16xi32>
      %parallel_loop3A_984 = arith.addi %parallel_loop3A_976, %parallel_loop3A_983 : vector<16xi32>
      %parallel_loop3A_985 = arith.select %parallel_loop3A_981, %parallel_loop3A_984, %parallel_loop3A_976 : vector<16xi1>, vector<16xi32>
      %parallel_loop3A_986 = arith.constant 2 : i32
      %parallel_loop3A_987 = vector.broadcast %parallel_loop3A_986 : i32 to vector<16xi32>
      %parallel_loop3A_988 = arith.addi %parallel_loop3A_985, %parallel_loop3A_987 : vector<16xi32>
      %parallel_loop3A_989 = tpu.vector_load_idx %arg12[%parallel_loop3A_988] : memref<512xf32, #tpu.memory_space<vmem>>[vector<16xi32>], vector<16xf32>,
      %parallel_loop3A_990 = arith.cmpf ole, %parallel_loop3A_989, %parallel_loop3A_922 : vector<16xf32>
      %parallel_loop3A_991 = arith.constant 2 : i32
      %parallel_loop3A_992 = vector.broadcast %parallel_loop3A_991 : i32 to vector<16xi32>
      %parallel_loop3A_993 = arith.addi %parallel_loop3A_985, %parallel_loop3A_992 : vector<16xi32>
      %parallel_loop3A_994 = arith.select %parallel_loop3A_990, %parallel_loop3A_993, %parallel_loop3A_985 : vector<16xi1>, vector<16xi32>
      %parallel_loop3A_995 = arith.constant 1 : i32
      %parallel_loop3A_996 = vector.broadcast %parallel_loop3A_995 : i32 to vector<16xi32>
      %parallel_loop3A_997 = arith.addi %parallel_loop3A_994, %parallel_loop3A_996 : vector<16xi32>
      %parallel_loop3A_998 = tpu.vector_load_idx %arg12[%parallel_loop3A_997] : memref<512xf32, #tpu.memory_space<vmem>>[vector<16xi32>], vector<16xf32>,
      %parallel_loop3A_999 = arith.cmpf ole, %parallel_loop3A_998, %parallel_loop3A_922 : vector<16xf32>
      %parallel_loop3A_1000 = arith.constant 1 : i32
      %parallel_loop3A_1001 = vector.broadcast %parallel_loop3A_1000 : i32 to vector<16xi32>
      %parallel_loop3A_1002 = arith.addi %parallel_loop3A_994, %parallel_loop3A_1001 : vector<16xi32>
      %parallel_loop3A_1003 = arith.select %parallel_loop3A_999, %parallel_loop3A_1002, %parallel_loop3A_994 : vector<16xi1>, vector<16xi32>
      %parallel_loop3A_1004 = arith.constant 255 : i32
      %parallel_loop3A_1005 = vector.broadcast %parallel_loop3A_1004 : i32 to vector<16xi32>
      %parallel_loop3A_1006 = arith.minsi %parallel_loop3A_1003, %parallel_loop3A_1005 : vector<16xi32>
      %parallel_loop3A_1007 = arith.constant 16 : i32
      %parallel_loop3A_1008 = arith.muli %parallel_loop3A_914, %parallel_loop3A_1007 : i32
      %parallel_loop3A_1009 = arith.index_cast %parallel_loop3A_1008 : i32 to index
      %parallel_loop3A_1010 = tpu.vector_load %arg13[%parallel_loop3A_1009] {strides = array<i32>} : memref<2048xi32, #tpu.memory_space<vmem>>, vector<16xi32>,
      tpu.vector_store %arg13[%parallel_loop3A_1009], %parallel_loop3A_1006 {strides = array<i32>} : memref<2048xi32, #tpu.memory_space<vmem>>, vector<16xi32>,
    } {sc.loop_unroll_factor = 4 : i64, sc.parallel_access}
    %dma_wait3A = arith.constant 0 : i32
    %dma_wait3A_908 = tpu.memref_slice %arg2[%mul3A_2, %dma_wait3A] : memref<4096x50xf32, #tpu.memory_space<hbm>> -> memref<128x50xf32, #tpu.memory_space<hbm>>
    %dma_wait3A_909 = arith.constant 0 : i32
    %dma_wait3A_910 = tpu.memref_slice %arg2[%mul3A_2, %dma_wait3A_909] : memref<4096x50xf32, #tpu.memory_space<hbm>> -> memref<128x50xf32, #tpu.memory_space<hbm>>
    tpu.wait_dma2 semaphore(%arg14 : memref<!tpu.dma_semaphore, #tpu.memory_space<semaphore_mem>>) src(%dma_wait3A_910 : memref<128x50xf32, #tpu.memory_space<hbm>>) dst(%arg6 : memref<128x50xf32, #tpu.memory_space<vmem>>)
    %parallel_loop3A_911 = arith.constant 0 : i32
    %parallel_loop3A_912 = arith.constant 128 : i32
    %parallel_loop3A_913 = arith.constant 1 : i32
    scf.for %parallel_loop3A_914 = %parallel_loop3A_911 to %parallel_loop3A_912 step %parallel_loop3A_913  : i32 {
      %parallel_loop3A_915 = arith.index_cast %parallel_loop3A_914 : i32 to index
      %parallel_loop3A_916 = arith.constant 0 : index
      %parallel_loop3A_917 = tpu.vector_load %arg6[%parallel_loop3A_915, %parallel_loop3A_916] {strides = array<i32>} : memref<128x50xf32, #tpu.memory_space<vmem>>, vector<16xf32>,
      %parallel_loop3A_918 = arith.constant 2.048000e+03 : f32
      %parallel_loop3A_919 = vector.broadcast %parallel_loop3A_918 : f32 to vector<16xf32>
      %parallel_loop3A_920 = arith.mulf %parallel_loop3A_917, %parallel_loop3A_919 : vector<16xf32>
      %parallel_loop3A_921 = arith.fptosi %parallel_loop3A_920 : vector<16xf32> to vector<16xi32>
      %parallel_loop3A_922 = arith.constant 0 : i32
      %parallel_loop3A_923 = arith.constant 2047 : i32
      %parallel_loop3A_924 = vector.broadcast %parallel_loop3A_922 : i32 to vector<16xi32>
      %parallel_loop3A_925 = arith.maxsi %parallel_loop3A_924, %parallel_loop3A_921 : vector<16xi32>
      %parallel_loop3A_926 = vector.broadcast %parallel_loop3A_923 : i32 to vector<16xi32>
      %parallel_loop3A_927 = arith.minsi %parallel_loop3A_926, %parallel_loop3A_925 : vector<16xi32>
      %parallel_loop3A_928 = tpu.vector_load_idx %arg13[%parallel_loop3A_927] : memref<2048xi32, #tpu.memory_space<vmem>>[vector<16xi32>], vector<16xi32>,
      %parallel_loop3A_929 = arith.constant 1 : i32
      %parallel_loop3A_930 = vector.broadcast %parallel_loop3A_929 : i32 to vector<16xi32>
      %parallel_loop3A_931 = arith.addi %parallel_loop3A_928, %parallel_loop3A_930 : vector<16xi32>
      %parallel_loop3A_932 = tpu.vector_load_idx %arg10[%parallel_loop3A_931] : memref<384xf32, #tpu.memory_space<vmem>>[vector<16xi32>], vector<16xf32>,
      %parallel_loop3A_933 = arith.cmpf ole, %parallel_loop3A_932, %parallel_loop3A_917 : vector<16xf32>
      %parallel_loop3A_934 = arith.constant 1 : i32
      %parallel_loop3A_935 = vector.broadcast %parallel_loop3A_934 : i32 to vector<16xi32>
      %parallel_loop3A_936 = arith.addi %parallel_loop3A_928, %parallel_loop3A_935 : vector<16xi32>
      %parallel_loop3A_937 = arith.select %parallel_loop3A_933, %parallel_loop3A_936, %parallel_loop3A_928 : vector<16xi1>, vector<16xi32>
      %parallel_loop3A_938 = arith.constant 255 : i32
      %parallel_loop3A_939 = vector.broadcast %parallel_loop3A_938 : i32 to vector<16xi32>
      %parallel_loop3A_940 = arith.minsi %parallel_loop3A_937, %parallel_loop3A_939 : vector<16xi32>
      %parallel_loop3A_941 = tpu.vector_load_idx %arg10[%parallel_loop3A_940] : memref<384xf32, #tpu.memory_space<vmem>>[vector<16xi32>], vector<16xf32>,
      %parallel_loop3A_942 = arith.constant 1 : i32
      %parallel_loop3A_943 = vector.broadcast %parallel_loop3A_942 : i32 to vector<16xi32>
      %parallel_loop3A_944 = arith.addi %parallel_loop3A_940, %parallel_loop3A_943 : vector<16xi32>
      %parallel_loop3A_945 = tpu.vector_load_idx %arg10[%parallel_loop3A_944] : memref<384xf32, #tpu.memory_space<vmem>>[vector<16xi32>], vector<16xf32>,
      %parallel_loop3A_946 = tpu.vector_load_idx %arg11[%parallel_loop3A_940] : memref<384xf32, #tpu.memory_space<vmem>>[vector<16xi32>], vector<16xf32>,
      %parallel_loop3A_947 = arith.constant 1 : i32
      %parallel_loop3A_948 = vector.broadcast %parallel_loop3A_947 : i32 to vector<16xi32>
      %parallel_loop3A_949 = arith.addi %parallel_loop3A_940, %parallel_loop3A_948 : vector<16xi32>
      %parallel_loop3A_950 = tpu.vector_load_idx %arg11[%parallel_loop3A_949] : memref<384xf32, #tpu.memory_space<vmem>>[vector<16xi32>], vector<16xf32>,
      %parallel_loop3A_951 = arith.subf %parallel_loop3A_950, %parallel_loop3A_946 : vector<16xf32>
      %parallel_loop3A_952 = arith.subf %parallel_loop3A_917, %parallel_loop3A_941 : vector<16xf32>
      %parallel_loop3A_953 = arith.mulf %parallel_loop3A_951, %parallel_loop3A_952 : vector<16xf32>
      %parallel_loop3A_954 = arith.subf %parallel_loop3A_945, %parallel_loop3A_941 : vector<16xf32>
      %parallel_loop3A_955 = arith.divf %parallel_loop3A_953, %parallel_loop3A_954 : vector<16xf32>
      %parallel_loop3A_956 = arith.addf %parallel_loop3A_946, %parallel_loop3A_955 : vector<16xf32>
      %parallel_loop3A_957 = arith.index_cast %parallel_loop3A_914 : i32 to index
      %parallel_loop3A_958 = arith.constant 0 : index
      %parallel_loop3A_959 = tpu.vector_load %arg7[%parallel_loop3A_957, %parallel_loop3A_958] {strides = array<i32>} : memref<128x50xf32, #tpu.memory_space<vmem>>, vector<16xf32>,
      tpu.vector_store %arg7[%parallel_loop3A_957, %parallel_loop3A_958], %parallel_loop3A_956 {strides = array<i32>} : memref<128x50xf32, #tpu.memory_space<vmem>>, vector<16xf32>,
      %parallel_loop3A_960 = arith.index_cast %parallel_loop3A_914 : i32 to index
      %parallel_loop3A_961 = arith.constant 16 : index
      %parallel_loop3A_962 = tpu.vector_load %arg6[%parallel_loop3A_960, %parallel_loop3A_961] {strides = array<i32>} : memref<128x50xf32, #tpu.memory_space<vmem>>, vector<16xf32>,
      %parallel_loop3A_963 = arith.constant 2.048000e+03 : f32
      %parallel_loop3A_964 = vector.broadcast %parallel_loop3A_963 : f32 to vector<16xf32>
      %parallel_loop3A_965 = arith.mulf %parallel_loop3A_962, %parallel_loop3A_964 : vector<16xf32>
      %parallel_loop3A_966 = arith.fptosi %parallel_loop3A_965 : vector<16xf32> to vector<16xi32>
      %parallel_loop3A_967 = arith.constant 0 : i32
      %parallel_loop3A_968 = arith.constant 2047 : i32
      %parallel_loop3A_969 = vector.broadcast %parallel_loop3A_967 : i32 to vector<16xi32>
      %parallel_loop3A_970 = arith.maxsi %parallel_loop3A_969, %parallel_loop3A_966 : vector<16xi32>
      %parallel_loop3A_971 = vector.broadcast %parallel_loop3A_968 : i32 to vector<16xi32>
      %parallel_loop3A_972 = arith.minsi %parallel_loop3A_971, %parallel_loop3A_970 : vector<16xi32>
      %parallel_loop3A_973 = tpu.vector_load_idx %arg13[%parallel_loop3A_972] : memref<2048xi32, #tpu.memory_space<vmem>>[vector<16xi32>], vector<16xi32>,
      %parallel_loop3A_974 = arith.constant 1 : i32
      %parallel_loop3A_975 = vector.broadcast %parallel_loop3A_974 : i32 to vector<16xi32>
      %parallel_loop3A_976 = arith.addi %parallel_loop3A_973, %parallel_loop3A_975 : vector<16xi32>
      %parallel_loop3A_977 = tpu.vector_load_idx %arg10[%parallel_loop3A_976] : memref<384xf32, #tpu.memory_space<vmem>>[vector<16xi32>], vector<16xf32>,
      %parallel_loop3A_978 = arith.cmpf ole, %parallel_loop3A_977, %parallel_loop3A_962 : vector<16xf32>
      %parallel_loop3A_979 = arith.constant 1 : i32
      %parallel_loop3A_980 = vector.broadcast %parallel_loop3A_979 : i32 to vector<16xi32>
      %parallel_loop3A_981 = arith.addi %parallel_loop3A_973, %parallel_loop3A_980 : vector<16xi32>
      %parallel_loop3A_982 = arith.select %parallel_loop3A_978, %parallel_loop3A_981, %parallel_loop3A_973 : vector<16xi1>, vector<16xi32>
      %parallel_loop3A_983 = arith.constant 255 : i32
      %parallel_loop3A_984 = vector.broadcast %parallel_loop3A_983 : i32 to vector<16xi32>
      %parallel_loop3A_985 = arith.minsi %parallel_loop3A_982, %parallel_loop3A_984 : vector<16xi32>
      %parallel_loop3A_986 = tpu.vector_load_idx %arg10[%parallel_loop3A_985] : memref<384xf32, #tpu.memory_space<vmem>>[vector<16xi32>], vector<16xf32>,
      %parallel_loop3A_987 = arith.constant 1 : i32
      %parallel_loop3A_988 = vector.broadcast %parallel_loop3A_987 : i32 to vector<16xi32>
      %parallel_loop3A_989 = arith.addi %parallel_loop3A_985, %parallel_loop3A_988 : vector<16xi32>
      %parallel_loop3A_990 = tpu.vector_load_idx %arg10[%parallel_loop3A_989] : memref<384xf32, #tpu.memory_space<vmem>>[vector<16xi32>], vector<16xf32>,
      %parallel_loop3A_991 = tpu.vector_load_idx %arg11[%parallel_loop3A_985] : memref<384xf32, #tpu.memory_space<vmem>>[vector<16xi32>], vector<16xf32>,
      %parallel_loop3A_992 = arith.constant 1 : i32
      %parallel_loop3A_993 = vector.broadcast %parallel_loop3A_992 : i32 to vector<16xi32>
      %parallel_loop3A_994 = arith.addi %parallel_loop3A_985, %parallel_loop3A_993 : vector<16xi32>
      %parallel_loop3A_995 = tpu.vector_load_idx %arg11[%parallel_loop3A_994] : memref<384xf32, #tpu.memory_space<vmem>>[vector<16xi32>], vector<16xf32>,
      %parallel_loop3A_996 = arith.subf %parallel_loop3A_995, %parallel_loop3A_991 : vector<16xf32>
      %parallel_loop3A_997 = arith.subf %parallel_loop3A_962, %parallel_loop3A_986 : vector<16xf32>
      %parallel_loop3A_998 = arith.mulf %parallel_loop3A_996, %parallel_loop3A_997 : vector<16xf32>
      %parallel_loop3A_999 = arith.subf %parallel_loop3A_990, %parallel_loop3A_986 : vector<16xf32>
      %parallel_loop3A_1000 = arith.divf %parallel_loop3A_998, %parallel_loop3A_999 : vector<16xf32>
      %parallel_loop3A_1001 = arith.addf %parallel_loop3A_991, %parallel_loop3A_1000 : vector<16xf32>
      %parallel_loop3A_1002 = arith.index_cast %parallel_loop3A_914 : i32 to index
      %parallel_loop3A_1003 = arith.constant 16 : index
      %parallel_loop3A_1004 = tpu.vector_load %arg7[%parallel_loop3A_1002, %parallel_loop3A_1003] {strides = array<i32>} : memref<128x50xf32, #tpu.memory_space<vmem>>, vector<16xf32>,
      tpu.vector_store %arg7[%parallel_loop3A_1002, %parallel_loop3A_1003], %parallel_loop3A_1001 {strides = array<i32>} : memref<128x50xf32, #tpu.memory_space<vmem>>, vector<16xf32>,
      %parallel_loop3A_1005 = arith.index_cast %parallel_loop3A_914 : i32 to index
      %parallel_loop3A_1006 = arith.constant 32 : index
      %parallel_loop3A_1007 = tpu.vector_load %arg6[%parallel_loop3A_1005, %parallel_loop3A_1006] {strides = array<i32>} : memref<128x50xf32, #tpu.memory_space<vmem>>, vector<16xf32>,
      %parallel_loop3A_1008 = arith.constant 2.048000e+03 : f32
      %parallel_loop3A_1009 = vector.broadcast %parallel_loop3A_1008 : f32 to vector<16xf32>
      %parallel_loop3A_1010 = arith.mulf %parallel_loop3A_1007, %parallel_loop3A_1009 : vector<16xf32>
      %parallel_loop3A_1011 = arith.fptosi %parallel_loop3A_1010 : vector<16xf32> to vector<16xi32>
      %parallel_loop3A_1012 = arith.constant 0 : i32
      %parallel_loop3A_1013 = arith.constant 2047 : i32
      %parallel_loop3A_1014 = vector.broadcast %parallel_loop3A_1012 : i32 to vector<16xi32>
      %parallel_loop3A_1015 = arith.maxsi %parallel_loop3A_1014, %parallel_loop3A_1011 : vector<16xi32>
      %parallel_loop3A_1016 = vector.broadcast %parallel_loop3A_1013 : i32 to vector<16xi32>
      %parallel_loop3A_1017 = arith.minsi %parallel_loop3A_1016, %parallel_loop3A_1015 : vector<16xi32>
      %parallel_loop3A_1018 = tpu.vector_load_idx %arg13[%parallel_loop3A_1017] : memref<2048xi32, #tpu.memory_space<vmem>>[vector<16xi32>], vector<16xi32>,
      %parallel_loop3A_1019 = arith.constant 1 : i32
      %parallel_loop3A_1020 = vector.broadcast %parallel_loop3A_1019 : i32 to vector<16xi32>
      %parallel_loop3A_1021 = arith.addi %parallel_loop3A_1018, %parallel_loop3A_1020 : vector<16xi32>
      %parallel_loop3A_1022 = tpu.vector_load_idx %arg10[%parallel_loop3A_1021] : memref<384xf32, #tpu.memory_space<vmem>>[vector<16xi32>], vector<16xf32>,
      %parallel_loop3A_1023 = arith.cmpf ole, %parallel_loop3A_1022, %parallel_loop3A_1007 : vector<16xf32>
      %parallel_loop3A_1024 = arith.constant 1 : i32
      %parallel_loop3A_1025 = vector.broadcast %parallel_loop3A_1024 : i32 to vector<16xi32>
      %parallel_loop3A_1026 = arith.addi %parallel_loop3A_1018, %parallel_loop3A_1025 : vector<16xi32>
      %parallel_loop3A_1027 = arith.select %parallel_loop3A_1023, %parallel_loop3A_1026, %parallel_loop3A_1018 : vector<16xi1>, vector<16xi32>
      %parallel_loop3A_1028 = arith.constant 255 : i32
      %parallel_loop3A_1029 = vector.broadcast %parallel_loop3A_1028 : i32 to vector<16xi32>
      %parallel_loop3A_1030 = arith.minsi %parallel_loop3A_1027, %parallel_loop3A_1029 : vector<16xi32>
      %parallel_loop3A_1031 = tpu.vector_load_idx %arg10[%parallel_loop3A_1030] : memref<384xf32, #tpu.memory_space<vmem>>[vector<16xi32>], vector<16xf32>,
      %parallel_loop3A_1032 = arith.constant 1 : i32
      %parallel_loop3A_1033 = vector.broadcast %parallel_loop3A_1032 : i32 to vector<16xi32>
      %parallel_loop3A_1034 = arith.addi %parallel_loop3A_1030, %parallel_loop3A_1033 : vector<16xi32>
      %parallel_loop3A_1035 = tpu.vector_load_idx %arg10[%parallel_loop3A_1034] : memref<384xf32, #tpu.memory_space<vmem>>[vector<16xi32>], vector<16xf32>,
      %parallel_loop3A_1036 = tpu.vector_load_idx %arg11[%parallel_loop3A_1030] : memref<384xf32, #tpu.memory_space<vmem>>[vector<16xi32>], vector<16xf32>,
      %parallel_loop3A_1037 = arith.constant 1 : i32
      %parallel_loop3A_1038 = vector.broadcast %parallel_loop3A_1037 : i32 to vector<16xi32>
      %parallel_loop3A_1039 = arith.addi %parallel_loop3A_1030, %parallel_loop3A_1038 : vector<16xi32>
      %parallel_loop3A_1040 = tpu.vector_load_idx %arg11[%parallel_loop3A_1039] : memref<384xf32, #tpu.memory_space<vmem>>[vector<16xi32>], vector<16xf32>,
      %parallel_loop3A_1041 = arith.subf %parallel_loop3A_1040, %parallel_loop3A_1036 : vector<16xf32>
      %parallel_loop3A_1042 = arith.subf %parallel_loop3A_1007, %parallel_loop3A_1031 : vector<16xf32>
      %parallel_loop3A_1043 = arith.mulf %parallel_loop3A_1041, %parallel_loop3A_1042 : vector<16xf32>
      %parallel_loop3A_1044 = arith.subf %parallel_loop3A_1035, %parallel_loop3A_1031 : vector<16xf32>
      %parallel_loop3A_1045 = arith.divf %parallel_loop3A_1043, %parallel_loop3A_1044 : vector<16xf32>
      %parallel_loop3A_1046 = arith.addf %parallel_loop3A_1036, %parallel_loop3A_1045 : vector<16xf32>
      %parallel_loop3A_1047 = arith.index_cast %parallel_loop3A_914 : i32 to index
      %parallel_loop3A_1048 = arith.constant 32 : index
      %parallel_loop3A_1049 = tpu.vector_load %arg7[%parallel_loop3A_1047, %parallel_loop3A_1048] {strides = array<i32>} : memref<128x50xf32, #tpu.memory_space<vmem>>, vector<16xf32>,
      tpu.vector_store %arg7[%parallel_loop3A_1047, %parallel_loop3A_1048], %parallel_loop3A_1046 {strides = array<i32>} : memref<128x50xf32, #tpu.memory_space<vmem>>, vector<16xf32>,
      %parallel_loop3A_1050 = arith.index_cast %parallel_loop3A_914 : i32 to index
      %parallel_loop3A_1051 = arith.constant 34 : index
      %parallel_loop3A_1052 = tpu.vector_load %arg6[%parallel_loop3A_1050, %parallel_loop3A_1051] {strides = array<i32>} : memref<128x50xf32, #tpu.memory_space<vmem>>, vector<16xf32>,
      %parallel_loop3A_1053 = arith.constant 2.048000e+03 : f32
      %parallel_loop3A_1054 = vector.broadcast %parallel_loop3A_1053 : f32 to vector<16xf32>
      %parallel_loop3A_1055 = arith.mulf %parallel_loop3A_1052, %parallel_loop3A_1054 : vector<16xf32>
      %parallel_loop3A_1056 = arith.fptosi %parallel_loop3A_1055 : vector<16xf32> to vector<16xi32>
      %parallel_loop3A_1057 = arith.constant 0 : i32
      %parallel_loop3A_1058 = arith.constant 2047 : i32
      %parallel_loop3A_1059 = vector.broadcast %parallel_loop3A_1057 : i32 to vector<16xi32>
      %parallel_loop3A_1060 = arith.maxsi %parallel_loop3A_1059, %parallel_loop3A_1056 : vector<16xi32>
      %parallel_loop3A_1061 = vector.broadcast %parallel_loop3A_1058 : i32 to vector<16xi32>
      %parallel_loop3A_1062 = arith.minsi %parallel_loop3A_1061, %parallel_loop3A_1060 : vector<16xi32>
      %parallel_loop3A_1063 = tpu.vector_load_idx %arg13[%parallel_loop3A_1062] : memref<2048xi32, #tpu.memory_space<vmem>>[vector<16xi32>], vector<16xi32>,
      %parallel_loop3A_1064 = arith.constant 1 : i32
      %parallel_loop3A_1065 = vector.broadcast %parallel_loop3A_1064 : i32 to vector<16xi32>
      %parallel_loop3A_1066 = arith.addi %parallel_loop3A_1063, %parallel_loop3A_1065 : vector<16xi32>
      %parallel_loop3A_1067 = tpu.vector_load_idx %arg10[%parallel_loop3A_1066] : memref<384xf32, #tpu.memory_space<vmem>>[vector<16xi32>], vector<16xf32>,
      %parallel_loop3A_1068 = arith.cmpf ole, %parallel_loop3A_1067, %parallel_loop3A_1052 : vector<16xf32>
      %parallel_loop3A_1069 = arith.constant 1 : i32
      %parallel_loop3A_1070 = vector.broadcast %parallel_loop3A_1069 : i32 to vector<16xi32>
      %parallel_loop3A_1071 = arith.addi %parallel_loop3A_1063, %parallel_loop3A_1070 : vector<16xi32>
      %parallel_loop3A_1072 = arith.select %parallel_loop3A_1068, %parallel_loop3A_1071, %parallel_loop3A_1063 : vector<16xi1>, vector<16xi32>
      %parallel_loop3A_1073 = arith.constant 255 : i32
      %parallel_loop3A_1074 = vector.broadcast %parallel_loop3A_1073 : i32 to vector<16xi32>
      %parallel_loop3A_1075 = arith.minsi %parallel_loop3A_1072, %parallel_loop3A_1074 : vector<16xi32>
      %parallel_loop3A_1076 = tpu.vector_load_idx %arg10[%parallel_loop3A_1075] : memref<384xf32, #tpu.memory_space<vmem>>[vector<16xi32>], vector<16xf32>,
      %parallel_loop3A_1077 = arith.constant 1 : i32
      %parallel_loop3A_1078 = vector.broadcast %parallel_loop3A_1077 : i32 to vector<16xi32>
      %parallel_loop3A_1079 = arith.addi %parallel_loop3A_1075, %parallel_loop3A_1078 : vector<16xi32>
      %parallel_loop3A_1080 = tpu.vector_load_idx %arg10[%parallel_loop3A_1079] : memref<384xf32, #tpu.memory_space<vmem>>[vector<16xi32>], vector<16xf32>,
      %parallel_loop3A_1081 = tpu.vector_load_idx %arg11[%parallel_loop3A_1075] : memref<384xf32, #tpu.memory_space<vmem>>[vector<16xi32>], vector<16xf32>,
      %parallel_loop3A_1082 = arith.constant 1 : i32
      %parallel_loop3A_1083 = vector.broadcast %parallel_loop3A_1082 : i32 to vector<16xi32>
      %parallel_loop3A_1084 = arith.addi %parallel_loop3A_1075, %parallel_loop3A_1083 : vector<16xi32>
      %parallel_loop3A_1085 = tpu.vector_load_idx %arg11[%parallel_loop3A_1084] : memref<384xf32, #tpu.memory_space<vmem>>[vector<16xi32>], vector<16xf32>,
      %parallel_loop3A_1086 = arith.subf %parallel_loop3A_1085, %parallel_loop3A_1081 : vector<16xf32>
      %parallel_loop3A_1087 = arith.subf %parallel_loop3A_1052, %parallel_loop3A_1076 : vector<16xf32>
      %parallel_loop3A_1088 = arith.mulf %parallel_loop3A_1086, %parallel_loop3A_1087 : vector<16xf32>
      %parallel_loop3A_1089 = arith.subf %parallel_loop3A_1080, %parallel_loop3A_1076 : vector<16xf32>
      %parallel_loop3A_1090 = arith.divf %parallel_loop3A_1088, %parallel_loop3A_1089 : vector<16xf32>
      %parallel_loop3A_1091 = arith.addf %parallel_loop3A_1081, %parallel_loop3A_1090 : vector<16xf32>
      %parallel_loop3A_1092 = arith.index_cast %parallel_loop3A_914 : i32 to index
      %parallel_loop3A_1093 = arith.constant 34 : index
      %parallel_loop3A_1094 = tpu.vector_load %arg7[%parallel_loop3A_1092, %parallel_loop3A_1093] {strides = array<i32>} : memref<128x50xf32, #tpu.memory_space<vmem>>, vector<16xf32>,
      tpu.vector_store %arg7[%parallel_loop3A_1092, %parallel_loop3A_1093], %parallel_loop3A_1091 {strides = array<i32>} : memref<128x50xf32, #tpu.memory_space<vmem>>, vector<16xf32>,
    } {sc.loop_unroll_factor = 2 : i64, sc.parallel_access}
    "tpu.region"() ({
      %run_scoped3A = tpu.sem_alloc : memref<!tpu.dma_semaphore, #tpu.memory_space<semaphore_mem>>
      %dma_start3A_914 = arith.constant 0 : i32
      %dma_start3A_915 = tpu.memref_slice %arg5[%mul3A_2, %dma_start3A_914] : memref<4096x50xf32, #tpu.memory_space<hbm>> -> memref<128x50xf32, #tpu.memory_space<hbm>>
      %dma_start3A_916 = arith.constant 0 : i32
      %dma_start3A_917 = tpu.memref_slice %arg5[%mul3A_2, %dma_start3A_916] : memref<4096x50xf32, #tpu.memory_space<hbm>> -> memref<128x50xf32, #tpu.memory_space<hbm>>
      tpu.enqueue_dma source(%arg7 : memref<128x50xf32, #tpu.memory_space<vmem>>) target(%dma_start3A_917 : memref<128x50xf32, #tpu.memory_space<hbm>>) target_semaphore(%run_scoped3A : memref<!tpu.dma_semaphore, #tpu.memory_space<semaphore_mem>>)
      %dma_wait3A_918 = arith.constant 0 : i32
      %dma_wait3A_919 = tpu.memref_slice %arg5[%mul3A_2, %dma_wait3A_918] : memref<4096x50xf32, #tpu.memory_space<hbm>> -> memref<128x50xf32, #tpu.memory_space<hbm>>
      %dma_wait3A_920 = arith.constant 0 : i32
      %dma_wait3A_921 = tpu.memref_slice %arg5[%mul3A_2, %dma_wait3A_920] : memref<4096x50xf32, #tpu.memory_space<hbm>> -> memref<128x50xf32, #tpu.memory_space<hbm>>
      tpu.wait_dma2 semaphore(%run_scoped3A : memref<!tpu.dma_semaphore, #tpu.memory_space<semaphore_mem>>) src(%arg7 : memref<128x50xf32, #tpu.memory_space<vmem>>) dst(%dma_wait3A_921 : memref<128x50xf32, #tpu.memory_space<hbm>>)
      tpu.yield
    }) : () -> ()
    return
  }
}

</mosaic_0001>

<sc_bundles>
// kernel: kernel.3.cloned.1.call-start
scs
__scs_entry_jumppad:
0x0: {  	(pc) =	sbr.rel $0x88, $3  }
0x1: {  	(tag) =	ssettag $0x0;
	lr =	simm.s32 $0x1  }
0x2: {  	[smem:$0x3F9E] =	sst lr;
	_ =	strace $0xD0000000  }
0x3: {  	_ = 	snop  }
0x4: {  	_ = 	snop  }
0x5: {  	_ = 	snop  }
0x6: {  	_ = 	snop  }
0x7: {  	_ = 	snop  }
__scs_overlays_trampoline_lowered:
0x8: {  	[smem:$0x3FAD] =	sst s0  }
0x9: {  	[smem:$0x3FAE] =	sst s1  }
0xa: {  	[smem:$0x3FAF] =	sst s2  }
0xb: {  	[smem:$0x3FB0] =	sst s3  }
0xc: {  	[smem:$0x3FB1] =	sst s4  }
0xd: {  	[smem:$0x3FB2] =	sst s5  }
0xe: {  	[smem:$0x3FB3] =	sst s6  }
0xf: {  	[smem:$0x3FB4] =	sst s7  }
0x10: {  	[smem:$0x3FB5] =	sst s8  }
0x11: {  	[smem:$0x3FB6] =	sst s9;
	s0 =	simm.s32 @!p0 $0x0  }
0x12: {  	s1 =	sld [smem:$0x3F9C];
	s0 =	simm.s32 @p0 $0x1  }
0x13: {  	[smem:$0x3FB7] =	sst s0;
	s0 =	simm.s32 @!p1 $0x0  }
0x14: {  	s2 =	sld [smem:$0x3F9B];
	s0 =	simm.s32 @p1 $0x1  }
0x15: {  	[smem:$0x3FB8] =	sst s0;
	s0 =	simm.s32 @!p2 $0x0  }
0x16: {  	s3 =	sld [smem:$0x3FDB];
	s0 =	simm.s32 @p2 $0x1  }
0x17: {  	s4 =	simm.s32 $0x1BF5;
	[smem:$0x3FBA] =	sst s0  }
0x18: {  	s0 =	sld [smem:$0x3F9D];
	_ =	swait.ge [sflag:s4], $0x0  }
0x19: {  	s7 =	sld [smem:$0x3F9E]  }
0x1a: {  	s8 =	sadd.s32 $0xFFFFE003, lr  }
0x1b: {  	s9 =	sadd.s32 $0xFFFFFEF7, lr;
	s5 =	simm.s32 $0xFFFFFFFF;
	p2 =	slt.u32 s8, $0xFFFFF086  }
0x1c: {  	p1 =	slt.u32 s9, $0xF7A;
	s5 =	simm.s32 @!p2 $0x0  }
0x1d: {  	s5 =	simm.s32 @p1 $0x1;
	p0 =	seq.s32 s7, s2  }
0x1e: {  	s7 =	smul.u32 @!p0 $0xF7A, s2;
	p2 =	seq.s32 @!p0 s5, $0x0  }
0x1f: {  	s9 =	smul.u32 $0xF7A, s1;
	s8 =	simm.s32 @!p0 $0x1BF5;
	p2 =	por !p2, p0  }
0x20: {  	[sflag:s8] =	ssyncset.s32 @!p0 $0xFFFFF086;
	s6 =	sadd.s32 @!p0 s3, s7;
	s7 =	simm.s32 @!p0 $0x108  }
0x21: {  	s3 =	sadd.s32 s3, s9;
	s6 =	sadd.s32 @!p0 $0x88, s6;
	s7 =	simm.s32 @p2 $0x1082  }
0x22: {  	[simem:s7], [sflag:s8] =	dma.local @!p0 [hbm:s6], $0xF7A  }
0x23: {  	s9 =	sor.u32 $0xD0000000, s2;
	s6 =	simm.s32 $0x108;
	_ =	swait.ge @!p0 [sflag:s8], $0x0  }
0x24: {  	s3 =	sadd.s32 $0x88, s3;
	s6 =	simm.s32 @!p1 $0x1082;
	[sflag:s4] =	ssyncset.s32 $0xFFFFF086  }
0x25: {  	[simem:s6], [sflag:s4] =	dma.local [hbm:s3], $0xF7A  }
0x26: {  	[smem:$0x3F9E] =	sst s1;
	(tag) =	ssettag s2;
	_ =	strace s9  }
0x27: {  	s1 =	sld [smem:$0x3FAE]  }
0x28: {  	s2 =	sld [smem:$0x3FAF]  }
0x29: {  	s4 =	sld [smem:$0x3FB1]  }
0x2a: {  	p0 =	seq.s32 s5, $0x0;
	s5 =	sld [smem:$0x3FB2]  }
0x2b: {  	s6 =	sld [smem:$0x3FB3]  }
0x2c: {  	s7 =	sld [smem:$0x3FB4]  }
0x2d: {  	s3 =	simm.s32 $0x108;
	s8 =	sld [smem:$0x3FB5]  }
0x2e: {  	s3 =	simm.s32 @!p0 $0x1082;
	s9 =	sld [smem:$0x3FB6]  }
0x2f: {  	lr =	sadd.s32 s0, s3;
	s0 =	sld [smem:$0x3FAD]  }
0x30: {  	s3 =	sld [smem:$0x3FB0]  }
0x31: {  	[smem:$0x3FB9] =	sst s10  }
0x32: {  	s10 =	sld [smem:$0x3FB7];
	_ =	sdelay $0x3  }
0x33: {  	p0 =	seq.s32 s10, $0x1;
	s10 =	sld [smem:$0x3FB9];
	_ =	sdelay $0x3  }
0x34: {  	[smem:$0x3FB9] =	sst s10  }
0x35: {  	s10 =	sld [smem:$0x3FB8];
	_ =	sdelay $0x3  }
0x36: {  	p1 =	seq.s32 s10, $0x1;
	s10 =	sld [smem:$0x3FB9];
	_ =	sdelay $0x3  }
0x37: {  	[smem:$0x3FB9] =	sst s10  }
0x38: {  	s10 =	sld [smem:$0x3FBA]  }
0x39: {  	_ = 	snop;
	(pc) =	sbr.ind lr, $3  }
0x3a: {  	_ = 	snop  }
0x3b: {  	_ = 	snop  }
0x3c: {  	p2 =	seq.s32 s10, $0x1;
	s10 =	sld [smem:$0x3FB9]  }
0x3d: {  	_ =	shalt  }
0x3e: {  	_ =	shalt  }
0x3f: {  	_ =	shalt  }
0x40: {  	_ =	shalt  }
0x41: {  	_ =	shalt  }
0x42: {  	_ =	shalt  }
0x43: {  	_ =	shalt  }
0x44: {  	_ =	shalt  }
0x45: {  	_ =	shalt  }
0x46: {  	_ =	shalt  }
0x47: {  	_ =	shalt  }
0x48: {  	_ =	shalt  }
0x49: {  	_ =	shalt  }
0x4a: {  	_ =	shalt  }
0x4b: {  	_ =	shalt  }
0x4c: {  	_ =	shalt  }
0x4d: {  	_ =	shalt  }
0x4e: {  	_ =	shalt  }
0x4f: {  	_ =	shalt  }
0x50: {  	_ =	shalt  }
0x51: {  	_ =	shalt  }
0x52: {  	_ =	shalt  }
0x53: {  	_ =	shalt  }
0x54: {  	_ =	shalt  }
0x55: {  	_ =	shalt  }
0x56: {  	_ =	shalt  }
0x57: {  	_ =	shalt  }
0x58: {  	_ =	shalt  }
0x59: {  	_ =	shalt  }
0x5a: {  	_ =	shalt  }
0x5b: {  	_ =	shalt  }
0x5c: {  	_ =	shalt  }
0x5d: {  	_ =	shalt  }
0x5e: {  	_ =	shalt  }
0x5f: {  	_ =	shalt  }
0x60: {  	_ =	shalt  }
0x61: {  	_ =	shalt  }
0x62: {  	_ =	shalt  }
0x63: {  	_ =	shalt  }
0x64: {  	_ =	shalt  }
0x65: {  	_ =	shalt  }
0x66: {  	_ =	shalt  }
0x67: {  	_ =	shalt  }
0x68: {  	_ =	shalt  }
0x69: {  	_ =	shalt  }
0x6a: {  	_ =	shalt  }
0x6b: {  	_ =	shalt  }
0x6c: {  	_ =	shalt  }
0x6d: {  	_ =	shalt  }
0x6e: {  	_ =	shalt  }
0x6f: {  	_ =	shalt  }
0x70: {  	_ =	shalt  }
0x71: {  	_ =	shalt  }
0x72: {  	_ =	shalt  }
0x73: {  	_ =	shalt  }
0x74: {  	_ =	shalt  }
0x75: {  	_ =	shalt  }
0x76: {  	_ =	shalt  }
0x77: {  	_ =	shalt  }
0x78: {  	_ =	shalt  }
0x79: {  	_ =	shalt  }
0x7a: {  	_ =	shalt  }
0x7b: {  	_ =	shalt  }
0x7c: {  	_ =	shalt  }
0x7d: {  	_ =	shalt  }
0x7e: {  	_ =	shalt  }
0x7f: {  	_ =	shalt  }
0x80: {  	_ =	shalt  }
0x81: {  	_ =	shalt  }
0x82: {  	_ =	shalt  }
0x83: {  	_ =	shalt  }
0x84: {  	_ =	shalt  }
0x85: {  	_ =	shalt  }
0x86: {  	_ =	shalt  }
0x87: {  	_ =	shalt  }
.Lfunc_end0:
.L_simem_size_0:
called_computation_lowered:
.L_overlay_start_0:
0x88: {  	s2 =	sld [smem:$0x3FD9]  }
0x89: {  	s3 =	sld [smem:$0x3FFE];
	_ =	sdelay $0x1  }
0x8a: {  	s1 =	srdreg.scid  }
0x8b: {  	s0 =	sand.u32 $0x1, s1  }
0x8c: {  	s17 =	sshll.u32 s0, $0xA;
	s2 =	sadd.s32 s3, s2  }
0x8d: {  	s2 =	sadd.s32 s2, s17  }
0x8e: {  	[smem:$0x3FC5] =	sst s2  }
0x8f: {  	_ = 	snop  }
0x90: {  	s2 =	sld [smem:$0x3FC8]  }
0x91: {  	s18 =	sld [smem:$0x3FC7]  }
0x92: {  	s4 =	sld [smem:$0x3FD0];
	(tm) =	ssettm $0x1  }
0x93: {  	s5 =	sld [smem:$0x3FFB];
	_ =	sdelay $0x3  }
0x94: {  	_ =	strace s5  }
0x95: {  	s5 =	sld [smem:$0x3FFC];
	_ =	sdelay $0x3  }
0x96: {  	_ =	strace s5  }
0x97: {  	s5 =	sld [smem:$0x3FFD];
	_ =	sdelay $0x3  }
0x98: {  	_ =	strace s5  }
0x99: {  	_ =	strace $0x8FFFFFFF  }
0x9a: {  	s19 =	sld [smem:$0x3FDB];
	_ =	sdelay $0x1  }
0x9b: {  	s6 =	simm.s32 $_scs_section_size  }
0x9c: {  	s7 =	simm.s32 $_size__tile_overlayer_lowered;
	s8 =	simm.s32 $_tile_overlayer_lowered  }
0x9d: {  	s22 =	simm.s32 $0x1BFF;
	s21 =	sshll.u32 s8, $0x1;
	s5 =	sadd.s32 s6, s19  }
0x9e: {  	s9 =	simm.s32 $0x0;
	s20 =	sshll.u32 s7, $0x1;
	s7 =	sadd.s32 s21, s5  }
0x9f: {  	[timem:s9], [sflag:s22] =	dma.local [hbm:s7], s20  }
0xa0: {  	_ =	swait.ge [sflag:s22], s20  }
0xa1: {  	s6 =	ssub.s32 $0x0, s20;
	[sflag:s22] =	ssyncset.done $0x0  }
0xa2: {  	[sflag:s22] =	ssyncadd.s32 s6;
	_ =	sdelay $0x1  }
0xa3: {  	s23 =	simm.s32 $0x1B8B  }
0xa4: {  	_ =	swait.ge [sflag:s23], $0x1  }
0xa5: {  	[sflag:s23] =	ssyncset.done $0x0  }
0xa6: {  	s25 =	simm.s32 $0x1B8E;
	s24 =	sld [smem:$0x3FFE];
	[sflag:s23] =	ssyncadd.s32 $0xFFFFFFFF  }
0xa7: {  	s26 =	simm.s32 $execute0_lowered;
	[smem:$0x3FD2] =	sst s25  }
0xa8: {  	s7 =	sshll.u32 s26, $0x1;
	_ =	strace $0x80000046;
	[dreg:$0x1] =	wrdreg $0xFFFFFFFF  }
0xa9: {  	s28 =	simm.s32 $_size_execute0_lowered;
	s5 =	sadd.s32 s5, s7;
	[dreg:$0x0] =	wrdreg $0x0  }
0xaa: {  	s7 =	sshll.u32 s28, $0x1;
	[dreg:$0x2] =	wrdreg s5  }
0xab: {  	[dreg:$0x3] =	wrdreg s7  }
0xac: {  	[dreg:$0x4] =	wrdreg $0xC0  }
0xad: {  	_ =	task [dreg:s9], $0x5FFFF  }
0xae: {  	[dreg:$0x1] =	wrdreg $0xFFFFFFFF  }
0xaf: {  	[dreg:$0x0] =	wrdreg $0x60  }
0xb0: {  	[dreg:$0x2] =	wrdreg s4  }
0xb1: {  	[dreg:$0x3] =	wrdreg s2  }
0xb2: {  	[dreg:$0x4] =	wrdreg s18  }
0xb3: {  	[dreg:$0x5] =	wrdreg s24  }
0xb4: {  	[dreg:$0x6] =	wrdreg $0x9  }
0xb5: {  	_ =	task.clear_ibuf [dreg:s9], $0x7FFFF;
	_ =	strace $0x90000046  }
0xb6: {  	s29 =	simm.s32 $0x9;
	_ =	strace $0x80000048  }
0xb7: {  	_ =	swait.ge [sflag:s29], $0x1  }
0xb8: {  	[sflag:s29] =	ssyncadd.s32 $0xFFFFFFFF  }
0xb9: {  	_ =	strace $0x90000048  }
0xba: {  	_ =	sfence  }
0xbb: {  	s30 =	sld [smem:$0x0];
	_ =	sdelay $0x2  }
0xbc: {  	s31 =	sshll.u32 s1, $0xD;
	s1 =	sshrl.u32 s1, $0x2  }
0xbd: {  	s3 =	sand.u32 $0x4000, s31;
	s1 =	sadd.s32 s1, s30  }
0xbe: {  	s0 =	sor.u32 s3, s0;
	s1 =	sshll.u32 s1, $0x11  }
0xbf: {  	s0 =	sor.u32 s1, s0  }
0xc0: {  	s0 =	sadd.s32 $0x8F2B, s0  }
0xc1: {  	[sflag:s0] =	ssyncadd.remote.s32 $0x1  }
0xc2: {  	_ =	sfence.sel $0xFFFF  }
0xc3: {  	[dreg:$0x0] =	wrdreg $0xFFFFFFFF;
	(pc) =	sbr.abs _section_cstart, $3  }
0xc4: {  	[dreg:$0x1] =	wrdreg $0xFFFFFFFF  }
0xc5: {  	_ =	task.clear_ibuf [dreg:s9], $0x2FFFF;
	_ =	strace $0x9FFFFFFF  }
0xc6: {  	(tm) =	ssettm $0x7FFFFFFF  }
0xc7: {  	_ =	shalt  }
tec
execute0_lowered:
.L_overlay_start_1:
0x0: {  	(tag) =	ssettag $0x1  }
0x1: {  	s5 =	rddreg [dreg:$0x0]  }
0x2: {  	s1 =	rddreg [dreg:$0x1];
	s2 =	srdreg.scid  }
0x3: {  	s3 =	rddreg [dreg:$0x2];
	s0 =	stileid.u32  }
0x4: {  	s7 =	rddreg [dreg:$0x3];
	s4 =	simm.s32 $0x0;
	s10 =	simm.s32 $0x1  }
0x5: {  	s11 =	simm.s32 $0x3D00;
	s12 =	simm.s32 $0x3F00;
	s13 =	simm.s32 $0x3A00  }
0x6: {  	s14 =	simm.s32 $0x3B80;
	s15 =	simm.s32 $0x1C00;
	s6 =	sand.u32 $0x1, s2  }
0x7: {  	s16 =	simm.s32 $0x2;
	s8 =	sshll.u32 s0, $0x8;
	s9 =	sshll.u32 s6, $0x7  }
0x8: {  	v3 =	vimm.s32 $0x100;
	s17 =	simm.s32 $0x0;
	s6 =	ssub.s32 $0x2, s6;
	s8 =	sor.u32 s9, s8  }
0x9: {  	[smem:$0x7FF] =	sst s4;
	s31 =	sshrl.u32 s6, $0x1;
	s8 =	smul.u32 $0x7, s8  }
0xa: {  	s2 =	rddreg [dreg:$0x4];
	_ =	strace $0x80000047;
	s9 =	ssub.s32 s6, s31  }
0xb: {  	v0 =	vimm.f32 $9.000000000e+00;
	s7 =	sadd.s32 s8, s7;
	s5 =	sadd.s32 s5, s8;
	s8 =	simm.s32 $0x3800  }
0xc: {  	v1 =	vimm.f32 $-1.000000000e+00;
	v2 =	vlaneseq.u32;
	v4 =	vimm.s32 $0x0;
	s6 =	sadd.s32 $0x400, s7;
	s7 =	smax.u32 s9, $0x1;
	s9 =	simm.s32 $0x3900  }
.LBB2_1:
0xd: {  	[tilespmem:s8], [sflag:$0x1] =	stream.linear.gather [hbm4b:s1+s4], $0x100, $0x38;
	[tilespmem:$0x4700] =	vst v63  }
0xe: {  	_ = 	snop  }
0xf: {  	[tilespmem:s9], [sflag:$0x1] =	stream.linear.gather [hbm4b:s3+s4], $0x100, $0x38;
	[tilespmem:$0x4700] =	vst v63  }
0x10: {  	_ = 	snop  }
0x11: {  	[tilespmem:s4], [sflag:$0x1] =	stream.linear.gather [hbm4b:s5+s4], $0x1C00, $0x38;
	[tilespmem:$0x4700] =	vst v63  }
0x12: {  	_ =	swait.ge [sflag:s10], $0x100  }
0x13: {  	[sflag:s10] =	ssyncset.done $0x0  }
0x14: {  	[sflag:s10] =	ssyncadd.s32 $0xFFFFFF00  }
0x15: {  	_ =	swait.ge [sflag:s10], $0x100  }
0x16: {  	[sflag:s10] =	ssyncset.done $0x0  }
0x17: {  	[sflag:s10] =	ssyncadd.s32 $0xFFFFFF00  }
0x18: {  	v5 =	vld [tilespmem:$0x3800]  }
0x19: {  	v6 =	vld [tilespmem:$0x3810]  }
0x1a: {  	v7 =	vld [tilespmem:$0x3820]  }
0x1b: {  	v8 =	vld [tilespmem:$0x3830]  }
0x1c: {  	v9 =	vld [tilespmem:$0x3840]  }
0x1d: {  	v10 =	vld [tilespmem:$0x3850]  }
0x1e: {  	v11 =	vld [tilespmem:$0x3860];
	v12 =	vmax.f32 v5, v6  }
0x1f: {  	v13 =	vld [tilespmem:$0x3870];
	v12 =	vmax.f32 v12, v7  }
0x20: {  	v14 =	vld [tilespmem:$0x3880];
	v12 =	vmax.f32 v12, v8  }
0x21: {  	v15 =	vld [tilespmem:$0x3890];
	v12 =	vmax.f32 v12, v9  }
0x22: {  	v16 =	vld [tilespmem:$0x38A0];
	v12 =	vmax.f32 v12, v10  }
0x23: {  	v17 =	vld [tilespmem:$0x38B0];
	v12 =	vmax.f32 v12, v11  }
0x24: {  	v18 =	vld [tilespmem:$0x38C0];
	v12 =	vmax.f32 v12, v13  }
0x25: {  	v19 =	vld [tilespmem:$0x38D0];
	v12 =	vmax.f32 v12, v14  }
0x26: {  	v20 =	vld [tilespmem:$0x38E0];
	v12 =	vmax.f32 v12, v15  }
0x27: {  	v21 =	vld [tilespmem:$0x38F0];
	v12 =	vmax.f32 v12, v16  }
0x28: {  	v12 =	vmax.f32 v12, v17  }
0x29: {  	v12 =	vmax.f32 v12, v18  }
0x2a: {  	v12 =	vmax.f32 v12, v19  }
0x2b: {  	v12 =	vmax.f32 v12, v20  }
0x2c: {  	v12 =	vmax.f32 v12, v21  }
0x2d: {  	(xrf0) =	vmax.scan.msk.f32 $0xffff, v12;
	_ =	sdelay $0x5  }
0x2e: {  	v12, _, _ =	vpop (xrf0)  }
0x2f: {  	v12 =	vbroadcast v12, $0xF;
	_ =	sdelay $0x1  }
0x30: {  	v5 =	vsub.f32 v5, v12  }
0x31: {  	v6 =	vsub.f32 v6, v12  }
0x32: {  	v5 =	vmul.f32 $1.442695020e+00, v5  }
0x33: {  	v7 =	vsub.f32 v7, v12;
	v6 =	vmul.f32 $1.442695020e+00, v6  }
0x34: {  	(erf) = vpow2.f32 v5  }
0x35: {  	v5 =	vmul.f32 $1.442695020e+00, v7;
	(erf) = vpow2.f32 v6;
	v6 =	vsub.f32 v8, v12;
	_ =	sdelay $0x1  }
0x36: {  	(erf) = vpow2.f32 v5;
	v5 =	vmul.f32 $1.442695020e+00, v6;
	v6 =	vsub.f32 v9, v12;
	_ =	sdelay $0x1  }
0x37: {  	(erf) = vpow2.f32 v5;
	v5 =	vmul.f32 $1.442695020e+00, v6;
	v6 =	vsub.f32 v10, v12;
	_ =	sdelay $0x1  }
0x38: {  	(erf) = vpow2.f32 v5;
	v5 =	vmul.f32 $1.442695020e+00, v6;
	v6 =	vsub.f32 v11, v12;
	_ =	sdelay $0x2  }
0x39: {  	v8 =	vpop (erf)  }
0x3a: {  	v7 =	vsub.f32 v13, v12;
	(erf) = vpow2.f32 v5;
	v5 =	vmul.f32 $1.442695020e+00, v6;
	v6 =	vpop (erf)  }
0x3b: {  	v9 =	vadd.f32 v6, v8  }
0x3c: {  	v7 =	vmul.f32 $1.442695020e+00, v7;
	(erf) = vpow2.f32 v5;
	v5 =	vsub.f32 v14, v12;
	v10 =	vpop (erf)  }
0x3d: {  	v9 =	vadd.f32 v9, v10  }
0x3e: {  	(erf) = vpow2.f32 v7;
	v7 =	vsub.f32 v15, v12;
	v5 =	vmul.f32 $1.442695020e+00, v5  }
0x3f: {  	v13 =	vsub.f32 v16, v12;
	v11 =	vpop (erf)  }
0x40: {  	(erf) = vpow2.f32 v5;
	v5 =	vmul.f32 $1.442695020e+00, v7;
	v7 =	vadd.f32 v9, v11  }
0x41: {  	v13 =	vmul.f32 $1.442695020e+00, v13;
	v9 =	vpop (erf)  }
0x42: {  	(erf) = vpow2.f32 v5;
	v7 =	vadd.f32 v7, v9  }
0x43: {  	v5 =	vsub.f32 v17, v12;
	v14 =	vpop (erf);
	(erf) = vpow2.f32 v13;
	v13 =	vsub.f32 v18, v12  }
0x44: {  	v16 =	vsub.f32 v19, v12;
	v7 =	vadd.f32 v7, v14  }
0x45: {  	v5 =	vmul.f32 $1.442695020e+00, v5;
	v15 =	vpop (erf)  }
0x46: {  	v16 =	vmul.f32 $1.442695020e+00, v16;
	v7 =	vadd.f32 v7, v15  }
0x47: {  	(erf) = vpow2.f32 v5;
	v5 =	vmul.f32 $1.442695020e+00, v13;
	v13 =	vpop (erf)  }
0x48: {  	v7 =	vadd.f32 v7, v13  }
0x49: {  	(erf) = vpow2.f32 v5;
	v5 =	vsub.f32 v20, v12;
	v17 =	vpop (erf)  }
0x4a: {  	v12 =	vsub.f32 v21, v12;
	v7 =	vadd.f32 v7, v17  }
0x4b: {  	(erf) = vpow2.f32 v16;
	v5 =	vmul.f32 $1.442695020e+00, v5;
	v16 =	vpop (erf)  }
0x4c: {  	v7 =	vadd.f32 v7, v16  }
0x4d: {  	(erf) = vpow2.f32 v5;
	v5 =	vmul.f32 $1.442695020e+00, v12  }
0x4e: {  	v12 =	vpop (erf)  }
0x4f: {  	(erf) = vpow2.f32 v5;
	v5 =	vadd.f32 v7, v12  }
0x50: {  	v7 =	vpop (erf)  }
0x51: {  	v5 =	vadd.f32 v5, v7  }
0x52: {  	v18 =	vpop (erf)  }
0x53: {  	v5 =	vadd.f32 v5, v18  }
0x54: {  	v19 =	vpop (erf)  }
0x55: {  	v5 =	vadd.f32 v5, v19  }
0x56: {  	v20 =	vpop (erf)  }
0x57: {  	v5 =	vadd.f32 v5, v20  }
0x58: {  	v21 =	vpop (erf)  }
0x59: {  	v5 =	vadd.f32 v5, v21;
	_ =	sdelay $0x1  }
0x5a: {  	(xrf2) =	vadd.scan.msk.f32 $0xffff, v5;
	_ =	sdelay $0x9  }
0x5b: {  	v5, _, _ =	vpop (xrf2)  }
0x5c: {  	(v2sf) =	vpush v5, $0xF;
	_ =	sdelay $0xe  }
0x5d: {  	s18 =	spop (v2sf)  }
0x5e: {  	s18 =	smul.f32 $1.000000050e-03, s18;
	_ =	sdelay $0x1  }
0x5f: {  	v31 =	vadd.f32 s18, v8;
	v36 =	vadd.f32 s18, v6;
	_ =	sdelay $0x1  }
0x60: {  	v35 =	vadd.f32 s18, v10;
	v5 =	vadd.f32 v36, v31;
	_ =	sdelay $0x1  }
0x61: {  	v34 =	vadd.f32 s18, v11;
	v5 =	vadd.f32 v5, v35;
	_ =	sdelay $0x1  }
0x62: {  	v33 =	vadd.f32 s18, v9;
	v5 =	vadd.f32 v5, v34;
	_ =	sdelay $0x1  }
0x63: {  	v32 =	vadd.f32 s18, v14;
	v5 =	vadd.f32 v5, v33;
	_ =	sdelay $0x1  }
0x64: {  	v30 =	vadd.f32 s18, v15;
	v5 =	vadd.f32 v5, v32;
	_ =	sdelay $0x1  }
0x65: {  	v29 =	vadd.f32 s18, v13;
	v5 =	vadd.f32 v5, v30;
	_ =	sdelay $0x1  }
0x66: {  	v28 =	vadd.f32 s18, v17;
	v5 =	vadd.f32 v5, v29  }
0x67: {  	v6 =	vld [tilespmem:$0x3900]  }
0x68: {  	v8 =	vld [tilespmem:$0x3910];
	v27 =	vadd.f32 s18, v16;
	v5 =	vadd.f32 v5, v28;
	_ =	sdelay $0x1  }
0x69: {  	v9 =	vld [tilespmem:$0x3920];
	v26 =	vadd.f32 s18, v12;
	v5 =	vadd.f32 v5, v27;
	_ =	sdelay $0x1  }
0x6a: {  	v10 =	vld [tilespmem:$0x3930];
	v25 =	vadd.f32 s18, v7;
	v6 =	vmul.f32 $1.442695020e+00, v6;
	v5 =	vadd.f32 v5, v26  }
0x6b: {  	v7 =	vmul.f32 $1.442695020e+00, v8  }
0x6c: {  	v23 =	vadd.f32 s18, v18;
	v8 =	vld [tilespmem:$0x3940];
	(erf) = vpow2.f32 v6;
	v5 =	vadd.f32 v5, v25  }
0x6d: {  	v6 =	vmul.f32 $1.442695020e+00, v9;
	(erf) = vpow2.f32 v7  }
0x6e: {  	v15 =	vadd.f32 s18, v19;
	v7 =	vld [tilespmem:$0x3950];
	v5 =	vadd.f32 v5, v23  }
0x6f: {  	v11 =	vld [tilespmem:$0x3960];
	(erf) = vpow2.f32 v6;
	v6 =	vmul.f32 $1.442695020e+00, v10  }
0x70: {  	v16 =	vadd.f32 s18, v20;
	v10 =	vld [tilespmem:$0x3970];
	v5 =	vadd.f32 v5, v15  }
0x71: {  	(erf) = vpow2.f32 v6;
	v6 =	vmul.f32 $1.442695020e+00, v8  }
0x72: {  	v9 =	vadd.f32 s18, v21;
	v5 =	vadd.f32 v5, v16  }
0x73: {  	(erf) = vpow2.f32 v6;
	v6 =	vmul.f32 $1.442695020e+00, v7  }
0x74: {  	v8 =	vld [tilespmem:$0x3980];
	v7 =	vmul.f32 $1.442695020e+00, v11;
	v5 =	vadd.f32 v5, v9  }
0x75: {  	(erf) = vpow2.f32 v6;
	v6 =	vmul.f32 $1.442695020e+00, v10;
	v11 =	vpop (erf)  }
0x76: {  	v10 =	vld [tilespmem:$0x3990];
	(erf) = vpow2.f32 v7;
	v12 =	vpop (erf)  }
0x77: {  	(erf) = vpow2.f32 v6;
	v14 =	vadd.f32 $1.000000050e-03, v11;
	v6 =	vadd.f32 $1.000000050e-03, v12  }
0x78: {  	(xrf2) =	vadd.scan.msk.f32 $0xffff, v5;
	v5 =	vpop (erf)  }
0x79: {  	v17 =	vld [tilespmem:$0x39C0];
	v8 =	vmul.f32 $1.442695020e+00, v8;
	v11 =	vadd.f32 v6, v14;
	(xrf2) =	vadd.scan.msk.f32 $0xffff, v31;
	v5 =	vadd.f32 $1.000000050e-03, v5  }
0x7a: {  	v7 =	vld [tilespmem:$0x39A0]  }
0x7b: {  	v12 =	vld [tilespmem:$0x39B0];
	v10 =	vmul.f32 $1.442695020e+00, v10;
	(erf) = vpow2.f32 v8;
	(xrf2) =	vadd.scan.msk.f32 $0xffff, v36;
	v11 =	vadd.f32 v5, v11  }
0x7c: {  	v13 =	vpop (erf)  }
0x7d: {  	(erf) = vpow2.f32 v10;
	(xrf2) =	vadd.scan.msk.f32 $0xffff, v35;
	v8 =	vadd.f32 $1.000000050e-03, v13  }
0x7e: {  	v13 =	vpop (erf)  }
0x7f: {  	v18 =	vmul.f32 $1.442695020e+00, v7;
	v7 =	vadd.f32 $1.000000050e-03, v13;
	v10 =	vadd.f32 v8, v11;
	v11 =	vpop (erf)  }
0x80: {  	v17 =	vmul.f32 $1.442695020e+00, v17;
	v12 =	vmul.f32 $1.442695020e+00, v12;
	v19 =	vpop (erf)  }
0x81: {  	(xrf2) =	vadd.scan.msk.f32 $0xffff, v34;
	v13 =	vld [tilespmem:$0x39D0];
	(erf) = vpow2.f32 v18;
	v20 =	vadd.f32 v7, v10;
	v11 =	vadd.f32 $1.000000050e-03, v11;
	v21 =	vpop (erf)  }
0x82: {  	v18 =	vld [tilespmem:$0x39E0];
	v10 =	vadd.f32 $1.000000050e-03, v19;
	v19, _, _ =	vpop (xrf2)  }
0x83: {  	(erf) = vpow2.f32 v12;
	v20 =	vadd.f32 v11, v20;
	v24, _, _ =	vpop (xrf2)  }
0x84: {  	v22 =	vld [tilespmem:$0x39F0];
	(erf) = vpow2.f32 v17;
	v12 =	vadd.f32 $1.000000050e-03, v21;
	v17 =	vpop (erf)  }
0x85: {  	(v2sf) =	vpush v24, $0xF;
	v37, _, _ =	vpop (xrf2);
	v20 =	vadd.f32 v10, v20  }
0x86: {  	v21 =	vmul.f32 $1.442695020e+00, v13;
	v13 =	vadd.f32 $1.000000050e-03, v17;
	v17 =	vpop (erf)  }
0x87: {  	v18 =	vmul.f32 $1.442695020e+00, v18;
	(v2sf) =	vpush v37, $0xF;
	v38, _, _ =	vpop (xrf2);
	v20 =	vadd.f32 v12, v20  }
0x88: {  	(xrf2) =	vadd.scan.msk.f32 $0xffff, v33;
	(erf) = vpow2.f32 v21;
	v17 =	vadd.f32 $1.000000050e-03, v17;
	(v2sf) =	vpush v38, $0xF  }
0x89: {  	(erf) = vpow2.f32 v18;
	v18 =	vmul.f32 $1.442695020e+00, v22;
	v20 =	vadd.f32 v13, v20  }
0x8a: {  	v21 =	vpop (erf)  }
0x8b: {  	v39, _, _ =	vpop (xrf2);
	(erf) = vpow2.f32 v18;
	v18 =	vadd.f32 $1.000000050e-03, v21;
	v20 =	vadd.f32 v17, v20  }
0x8c: {  	(xrf2) =	vadd.scan.msk.f32 $0xffff, v32;
	v22 =	vbroadcast v19, $0xF;
	(v2sf) =	vpush v39, $0xF;
	v21 =	vpop (erf)  }
0x8d: {  	v19 =	vadd.f32 $1.000000050e-03, v21;
	v21 =	vadd.f32 v18, v20  }
0x8e: {  	(erf) = vrcp.f32 v22  }
0x8f: {  	v20 =	vpop (erf);
	v22 =	vadd.f32 v19, v21  }
0x90: {  	(xrf2) =	vadd.scan.msk.f32 $0xffff, v30;
	v20 =	vadd.f32 $1.000000050e-03, v20  }
0x91: {  	(xrf2) =	vadd.scan.msk.f32 $0xffff, v29;
	v21 =	vpop (erf)  }
0x92: {  	(xrf2) =	vadd.scan.msk.f32 $0xffff, v28;
	v40, _, _ =	vpop (xrf2);
	v21 =	vadd.f32 $1.000000050e-03, v21;
	v41 =	vadd.f32 v20, v22  }
0x93: {  	v43 =	vadd.f32 $0.0e+00, v24;
	(xrf2) =	vadd.scan.msk.f32 $0xffff, v27;
	(v2sf) =	vpush v40, $0xF;
	v22 =	vpop (erf)  }
0x94: {  	(xrf2) =	vadd.scan.msk.f32 $0xffff, v26;
	s20 =	spop (v2sf);
	v22 =	vadd.f32 $1.000000050e-03, v22;
	v41 =	vadd.f32 v21, v41  }
0x95: {  	v44 =	vsub.f32 v43, v31;
	(xrf2) =	vadd.scan.msk.f32 $0xffff, v25;
	v42 =	vpop (erf);
	s18 =	sadd.f32 $0.0e+00, s20  }
0x96: {  	[tilespmem:$0x3E00] =	vst v0;
	v62, _, _ =	vpop (xrf2);
	(xrf2) =	vadd.scan.msk.f32 $0xffff, v23;
	s19 =	spop (v2sf);
	v24 =	vadd.f32 $1.000000050e-03, v42;
	v41 =	vadd.f32 v22, v41  }
0x97: {  	[tilespmem:$0x3E10] =	vst v0;
	(v2sf) =	vpush v62, $0xF;
	(xrf2) =	vadd.scan.msk.f32 $0xffff, v15;
	v31 =	vpop (erf);
	v37 =	vadd.f32 s18, v37;
	s18 =	sadd.f32 s18, s19  }
0x98: {  	[tilespmem:$0x3E20] =	vst v0;
	(xrf2) =	vadd.scan.msk.f32 $0xffff, v16;
	s21 =	spop (v2sf);
	v44 =	vmul.f32 v31, v44;
	v41 =	vadd.f32 v24, v41  }
0x99: {  	[tilespmem:$0x3E30] =	vst v0;
	(xrf2) =	vadd.scan.msk.f32 $0xffff, v9;
	v43 =	vmul.f32 v31, v43;
	v38 =	vadd.f32 s18, v38;
	s18 =	sadd.f32 s18, s21  }
0x9a: {  	[tilespmem:$0x3E40] =	vst v0;
	v45, _, _ =	vpop (xrf2);
	(xrf2) =	vadd.scan.msk.f32 $0xffff, v41  }
0x9b: {  	[tilespmem:$0x3D00] =	vst v1;
	v63, _, _ =	vpop (xrf2);
	(v2sf) =	vpush v45, $0xF;
	v39 =	vadd.f32 s18, v39;
	(xrf2) =	vadd.scan.msk.f32 $0xffff, v14  }
0x9c: {  	s22 =	spop (v2sf);
	v36 =	vsub.f32 v37, v36;
	[tilespmem:$0x3A00] =	vst v44;
	v44, _, _ =	vpop (xrf2)  }
0x9d: {  	(v2sf) =	vpush v63, $0xF;
	[tilespmem:$0x3D01] =	vst v43;
	s18 =	sadd.f32 s18, s22;
	v43, _, _ =	vpop (xrf2);
	(xrf2) =	vadd.scan.msk.f32 $0xffff, v6;
	v34 =	vsub.f32 v39, v34  }
0x9e: {  	[tilespmem:$0x3E50] =	vst v0;
	v36 =	vmul.f32 v31, v36;
	(v2sf) =	vpush v44, $0xF;
	v46, _, _ =	vpop (xrf2)  }
0x9f: {  	(v2sf) =	vpush v43, $0xF;
	v53 =	vadd.f32 s18, v40;
	v47, _, _ =	vpop (xrf2);
	(xrf2) =	vadd.scan.msk.f32 $0xffff, v5;
	v34 =	vmul.f32 v31, v34  }
0xa0: {  	[tilespmem:$0x3E60] =	vst v0;
	v35 =	vsub.f32 v38, v35;
	(v2sf) =	vpush v46, $0xF;
	v48, _, _ =	vpop (xrf2)  }
0xa1: {  	v52 =	vmul.f32 v31, v38;
	(v2sf) =	vpush v47, $0xF;
	(xrf2) =	vadd.scan.msk.f32 $0xffff, v8;
	v33 =	vsub.f32 v53, v33;
	v38, _, _ =	vpop (xrf2)  }
0xa2: {  	s23 =	spop (v2sf);
	[tilespmem:$0x3A10] =	vst v36;
	(v2sf) =	vpush v48, $0xF;
	v36, _, _ =	vpop (xrf2)  }
0xa3: {  	v35 =	vmul.f32 v31, v35;
	(xrf2) =	vadd.scan.msk.f32 $0xffff, v7;
	[tilespmem:$0x3A30] =	vst v34;
	(v2sf) =	vpush v38, $0xF;
	v34, _, _ =	vpop (xrf2)  }
0xa4: {  	[tilespmem:$0x3E70] =	vst v0;
	(v2sf) =	vpush v36, $0xF;
	v40, _, _ =	vpop (xrf2)  }
0xa5: {  	[tilespmem:$0x3E80] =	vst v0;
	s18 =	sadd.f32 s18, s23;
	v55 =	vmul.f32 v31, v33;
	(v2sf) =	vpush v34, $0xF;
	v33, _, _ =	vpop (xrf2)  }
0xa6: {  	[tilespmem:$0x3E90] =	vst v0;
	s24 =	spop (v2sf);
	(xrf2) =	vadd.scan.msk.f32 $0xffff, v11;
	(v2sf) =	vpush v33, $0xF  }
0xa7: {  	[tilespmem:$0x3A20] =	vst v35;
	v56 =	vadd.f32 s18, v62;
	s18 =	sadd.f32 s18, s24;
	v35, _, _ =	vpop (xrf2)  }
0xa8: {  	[tilespmem:$0x3EA0] =	vst v0;
	(xrf2) =	vadd.scan.msk.f32 $0xffff, v10;
	(v2sf) =	vpush v35, $0xF  }
0xa9: {  	[tilespmem:$0x3EB0] =	vst v0;
	v58 =	vadd.f32 s18, v45;
	v59, _, _ =	vpop (xrf2)  }
0xaa: {  	[tilespmem:$0x3EC0] =	vst v0;
	s25 =	spop (v2sf);
	(xrf2) =	vadd.scan.msk.f32 $0xffff, v12;
	(v2sf) =	vpush v59, $0xF  }
0xab: {  	[tilespmem:$0x3ED0] =	vst v0;
	v61 =	vsub.f32 v58, v30;
	v30, _, _ =	vpop (xrf2);
	(xrf2) =	vadd.scan.msk.f32 $0xffff, v13  }
0xac: {  	[tilespmem:$0x3EE0] =	vst v0;
	v37 =	vmul.f32 v31, v37;
	s18 =	sadd.f32 s18, s25;
	s26 =	spop (v2sf);
	(v2sf) =	vpush v30, $0xF  }
0xad: {  	[tilespmem:$0x3EF0] =	vst v0;
	v62, _, _ =	vpop (xrf2);
	s20 =	spop (v2sf)  }
0xae: {  	[tilespmem:$0x3D11] =	vst v37;
	v41 =	vadd.f32 s18, v63;
	s18 =	sadd.f32 s18, s26;
	(xrf2) =	vadd.scan.msk.f32 $0xffff, v17;
	(v2sf) =	vpush v62, $0xF;
	s21 =	spop (v2sf)  }
0xaf: {  	[tilespmem:$0x3D21] =	vst v52;
	v54 =	vmul.f32 v31, v39;
	s23 =	spop (v2sf)  }
0xb0: {  	v37 =	vmul.f32 v31, v53;
	v45 =	vsub.f32 v41, v29;
	v44 =	vadd.f32 s18, v44;
	s24 =	spop (v2sf);
	v29, _, _ =	vpop (xrf2);
	(xrf2) =	vadd.scan.msk.f32 $0xffff, v18  }
0xb1: {  	[tilespmem:$0x3D31] =	vst v54;
	v32 =	vsub.f32 v56, v32;
	s19 =	sadd.f32 s18, s20;
	s25 =	spop (v2sf);
	(v2sf) =	vpush v29, $0xF  }
0xb2: {  	[tilespmem:$0x3D41] =	vst v37;
	v60 =	vmul.f32 v31, v56;
	v28 =	vsub.f32 v44, v28;
	s26 =	spop (v2sf);
	v49, _, _ =	vpop (xrf2);
	(xrf2) =	vadd.scan.msk.f32 $0xffff, v19  }
0xb3: {  	[tilespmem:$0x3A40] =	vst v55;
	v57 =	vmul.f32 v31, v32;
	s20 =	sadd.f32 s19, s21;
	s22 =	spop (v2sf);
	(v2sf) =	vpush v49, $0xF  }
0xb4: {  	[tilespmem:$0x3D51] =	vst v60;
	v28 =	vmul.f32 v31, v28;
	v43 =	vadd.f32 s19, v43;
	v50, _, _ =	vpop (xrf2);
	(xrf2) =	vadd.scan.msk.f32 $0xffff, v20;
	s18 =	spop (v2sf)  }
0xb5: {  	[tilespmem:$0x3A50] =	vst v57;
	v39 =	vmul.f32 v31, v61;
	s21 =	sadd.f32 s20, s23;
	(v2sf) =	vpush v50, $0xF;
	v51, _, _ =	vpop (xrf2);
	(xrf2) =	vadd.scan.msk.f32 $0xffff, v21;
	s28 =	spop (v2sf)  }
0xb6: {  	v63 =	vmul.f32 v31, v58;
	[tilespmem:$0x3A80] =	vst v28;
	v27 =	vsub.f32 v43, v27;
	v28 =	vadd.f32 s20, v46;
	s19 =	sadd.f32 $0.0e+00, s28  }
0xb7: {  	[tilespmem:$0x3A60] =	vst v39;
	v41 =	vmul.f32 v31, v41;
	s23 =	sadd.f32 s21, s24;
	(v2sf) =	vpush v51, $0xF;
	s29 =	spop (v2sf)  }
0xb8: {  	[tilespmem:$0x3D61] =	vst v63;
	v27 =	vmul.f32 v31, v27;
	v26 =	vsub.f32 v28, v26;
	v52, _, _ =	vpop (xrf2);
	(xrf2) =	vadd.scan.msk.f32 $0xffff, v22;
	s20 =	sadd.f32 s29, s19  }
0xb9: {  	v42 =	vmul.f32 v31, v45;
	[tilespmem:$0x3D71] =	vst v41;
	s31 =	sadd.f32 s23, s25;
	(v2sf) =	vpush v52, $0xF;
	s30 =	spop (v2sf)  }
0xba: {  	[tilespmem:$0x3A90] =	vst v27;
	v27 =	vadd.f32 s21, v47;
	v26 =	vmul.f32 v31, v26;
	v53, _, _ =	vpop (xrf2);
	s21 =	sadd.f32 s30, s20  }
0xbb: {  	v40 =	vbroadcast v40, $0xF;
	[tilespmem:$0x3A70] =	vst v42;
	v54 =	vadd.f32 s23, v48;
	s25 =	spop (v2sf);
	(v2sf) =	vpush v53, $0xF  }
0xbc: {  	v44 =	vmul.f32 v31, v44;
	v25 =	vsub.f32 v27, v25;
	[tilespmem:$0x3AA0] =	vst v26;
	v26 =	vadd.f32 s31, v38;
	v55, _, _ =	vpop (xrf2);
	s23 =	sadd.f32 s25, s21  }
0xbd: {  	v28 =	vmul.f32 v31, v28;
	v23 =	vsub.f32 v54, v23;
	(xrf2) =	vadd.scan.msk.f32 $0xffff, v24;
	s28 =	spop (v2sf);
	(v2sf) =	vpush v55, $0xF;
	s25 =	sadd.f32 s31, s26  }
0xbe: {  	[tilespmem:$0x3D81] =	vst v44;
	v27 =	vmul.f32 v31, v27;
	v25 =	vmul.f32 v31, v25;
	v15 =	vsub.f32 v26, v15;
	v56, _, _ =	vpop (xrf2);
	s24 =	sadd.f32 s28, s23  }
0xbf: {  	[tilespmem:$0x3DA1] =	vst v28;
	v23 =	vmul.f32 v31, v23;
	(v2sf) =	vpush v56, $0xF;
	v57, _, _ =	vpop (xrf2);
	v28 =	vadd.f32 s25, v36;
	s22 =	sadd.f32 s25, s22  }
0xc0: {  	(erf) = vrcp.f32 v40;
	[tilespmem:$0x3DB1] =	vst v27;
	s29 =	spop (v2sf);
	(v2sf) =	vpush v57, $0xF  }
0xc1: {  	[tilespmem:$0x3AC0] =	vst v23;
	v15 =	vmul.f32 v15, v31;
	s25 =	sadd.f32 s29, s24;
	v16 =	vsub.f32 v28, v16;
	v23 =	vadd.f32 s22, v34  }
0xc2: {  	v27 =	vmul.f32 v31, v54;
	v26 =	vmul.f32 v31, v26;
	[tilespmem:$0x3AB0] =	vst v25;
	v25, _, _ =	vpop (xrf2);
	s30 =	spop (v2sf)  }
0xc3: {  	[tilespmem:$0x3AD0] =	vst v15;
	(v2sf) =	vpush v25, $0xF;
	s26 =	sadd.f32 s30, s25;
	v15 =	vmul.f32 v16, v31;
	v9 =	vsub.f32 v23, v9  }
0xc4: {  	[tilespmem:$0x3DD1] =	vst v26;
	s18 =	sadd.f32 s22, s18;
	v26 =	vmul.f32 v28, v31;
	s28 =	spop (v2sf)  }
0xc5: {  	[tilespmem:$0x3DC1] =	vst v27;
	v16 =	vadd.f32 $0.0e+00, v33;
	s28 =	sadd.f32 s28, s26;
	v9 =	vmul.f32 v9, v31  }
0xc6: {  	v43 =	vmul.f32 v31, v43;
	[tilespmem:$0x3DE1] =	vst v26;
	s31 =	spop (v2sf)  }
0xc7: {  	v27 =	vadd.f32 s19, v35;
	v26 =	vmul.f32 s18, v31;
	[tilespmem:$0x3AE0] =	vst v15;
	v14 =	vsub.f32 v16, v14;
	s29 =	sadd.f32 s31, s28;
	v15, _, _ =	vpop (xrf2)  }
0xc8: {  	[tilespmem:$0x3D91] =	vst v43;
	v16 =	vmul.f32 v23, v31;
	v23 =	vadd.f32 s20, v59;
	s30 =	spop (v2sf);
	(v2sf) =	vpush v15, $0xF  }
0xc9: {  	v6 =	vsub.f32 v27, v6;
	v28 =	vadd.f32 s21, v30;
	[tilespmem:$0x3AF0] =	vst v9;
	v9 =	vpop (erf);
	s31 =	sadd.f32 s30, s29  }
0xca: {  	v27 =	vadd.f32 s23, v62;
	[tilespmem:$0x3B00] =	vst v26;
	v5 =	vsub.f32 v23, v5;
	s23 =	spop (v2sf);
	v14 =	vmul.f32 v9, v14  }
0xcb: {  	v8 =	vsub.f32 v28, v8;
	[tilespmem:$0x3DF1] =	vst v16;
	v16 =	vadd.f32 s24, v29;
	v6 =	vmul.f32 v9, v6;
	s20 =	sadd.f32 s23, s31  }
0xcc: {  	v7 =	vsub.f32 v27, v7;
	v23 =	vadd.f32 s25, v49;
	v5 =	vmul.f32 v9, v5;
	s24 =	spop (v2sf);
	[tilespmem:$0x3B80] =	vst v14  }
0xcd: {  	v14 =	vadd.f32 s26, v50;
	[tilespmem:$0x3B90] =	vst v6;
	v6 =	vmul.f32 v9, v8;
	v8 =	vsub.f32 v16, v11;
	s21 =	sadd.f32 s24, s20  }
0xce: {  	v11 =	vadd.f32 s28, v51;
	s25 =	spop (v2sf);
	[tilespmem:$0x3BA0] =	vst v5;
	v5 =	vmul.f32 v9, v7;
	v7 =	vsub.f32 v23, v10  }
0xcf: {  	v10 =	vadd.f32 s29, v52;
	[tilespmem:$0x3BB0] =	vst v6;
	v6 =	vmul.f32 v9, v8;
	v8 =	vsub.f32 v14, v12;
	s26 =	sadd.f32 s25, s21  }
0xd0: {  	v12 =	vadd.f32 s31, v53;
	s28 =	spop (v2sf);
	[tilespmem:$0x3BC0] =	vst v5;
	v5 =	vmul.f32 v9, v7;
	v7 =	vsub.f32 v11, v13  }
0xd1: {  	[tilespmem:$0x3BD0] =	vst v6;
	v6 =	vmul.f32 v9, v8;
	v8 =	vsub.f32 v10, v17;
	v10 =	vadd.f32 s20, v55;
	s18 =	sadd.f32 s28, s26  }
0xd2: {  	v11 =	vadd.f32 s21, v56;
	s29 =	spop (v2sf);
	[tilespmem:$0x3BE0] =	vst v5;
	v5 =	vmul.f32 v9, v7;
	v7 =	vsub.f32 v12, v18  }
0xd3: {  	[tilespmem:$0x3BF0] =	vst v6;
	v6 =	vmul.f32 v9, v8;
	v8 =	vsub.f32 v10, v19;
	v10 =	vadd.f32 s26, v57;
	s30 =	sadd.f32 s29, s18  }
0xd4: {  	[tilespmem:$0x3C00] =	vst v5;
	v5 =	vmul.f32 v9, v7;
	v7 =	vsub.f32 v11, v20;
	v11 =	vadd.f32 s18, v25  }
0xd5: {  	[tilespmem:$0x3C10] =	vst v6;
	v6 =	vmul.f32 v9, v8;
	v8 =	vsub.f32 v10, v21;
	v10 =	vadd.f32 s30, v15  }
0xd6: {  	[tilespmem:$0x3C20] =	vst v5;
	v5 =	vmul.f32 v9, v7;
	v7 =	vsub.f32 v11, v22  }
0xd7: {  	[tilespmem:$0x3C30] =	vst v6;
	v6 =	vmul.f32 v9, v8;
	v8 =	vsub.f32 v10, v24;
	s31 =	spop (v2sf)  }
0xd8: {  	[tilespmem:$0x3C40] =	vst v5;
	v5 =	vmul.f32 v7, v9;
	s18 =	sadd.f32 s31, s30  }
0xd9: {  	[tilespmem:$0x3C50] =	vst v6;
	v6 =	vmul.f32 v8, v9  }
0xda: {  	[tilespmem:$0x3C60] =	vst v5;
	v5 =	vmul.f32 s18, v9  }
0xdb: {  	[tilespmem:$0x3C70] =	vst v6  }
0xdc: {  	s20 =	simm.s32 $0x30;
	[tilespmem:$0x3C80] =	vst v5  }
0xdd: {  	v5 =	vor.u32 s20, v2;
	v8 =	vld.idx.msk [tilespmem:v3+s11+$0x0], $0xffff  }
0xde: {  	v5 =	vcvt.s32.f32 v5;
	_ =	sdelay $0x1  }
0xdf: {  	v22 =	vmul.f32 $4.882812500e-04, v5;
	_ =	sdelay $0x1  }
0xe0: {  	v5 =	vor.u32 s4, v2;
	vm0 =	vle.f32 v8, v22  }
0xe1: {  	s21 =	simm.s32 $0x10;
	v5 =	vcvt.s32.f32 v5;
	v9 =	vsel vm0, $0x100, v4  }
0xe2: {  	s22 =	simm.s32 $0x20;
	v6 =	vor.u32 s21, v2;
	v10 =	vor.u32 $0x80, v9  }
0xe3: {  	v7 =	vor.u32 s22, v2;
	v6 =	vcvt.s32.f32 v6;
	v5 =	vmul.f32 $4.882812500e-04, v5  }
0xe4: {  	v7 =	vcvt.s32.f32 v7  }
0xe5: {  	v6 =	vmul.f32 $4.882812500e-04, v6;
	vm0 =	vle.f32 v8, v5  }
0xe6: {  	v7 =	vmul.f32 $4.882812500e-04, v7;
	v11 =	vsel vm0, $0x100, v4  }
0xe7: {  	vm0 =	vle.f32 v8, v6;
	v12 =	vor.u32 $0x80, v11;
	v13 =	vld.idx.msk [tilespmem:v10+s11+$0x0], $0xffff  }
0xe8: {  	vm1 =	vle.f32 v8, v7;
	v8 =	vsel vm0, $0x100, v4  }
0xe9: {  	v14 =	vsel vm1, $0x100, v4;
	v15 =	vor.u32 $0x80, v8  }
0xea: {  	v16 =	vor.u32 $0x80, v14;
	_ =	sdelay $0x1  }
0xeb: {  	v17 =	vld.idx.msk [tilespmem:v12+s11+$0x0], $0xffff;
	vm0 =	vle.f32 v13, v22  }
0xec: {  	v9 =	vsel vm0, v10, v9  }
0xed: {  	v10 =	vld.idx.msk [tilespmem:v15+s11+$0x0], $0xffff;
	v13 =	vor.u32 $0x40, v9  }
0xee: {  	v18 =	vld.idx.msk [tilespmem:v16+s11+$0x0], $0xffff;
	_ =	sdelay $0x1  }
0xef: {  	vm0 =	vle.f32 v17, v5  }
0xf0: {  	v11 =	vsel vm0, v12, v11  }
0xf1: {  	vm0 =	vle.f32 v10, v6;
	v10 =	vor.u32 $0x40, v11;
	v12 =	vld.idx.msk [tilespmem:v13+s11+$0x0], $0xffff  }
0xf2: {  	v8 =	vsel vm0, v15, v8;
	vm0 =	vle.f32 v18, v7  }
0xf3: {  	v15 =	vor.u32 $0x40, v8;
	v14 =	vsel vm0, v16, v14  }
0xf4: {  	v16 =	vor.u32 $0x40, v14;
	_ =	sdelay $0x1  }
0xf5: {  	v17 =	vld.idx.msk [tilespmem:v10+s11+$0x0], $0xffff;
	vm0 =	vle.f32 v12, v22  }
0xf6: {  	v9 =	vsel vm0, v13, v9  }
0xf7: {  	v12 =	vld.idx.msk [tilespmem:v15+s11+$0x0], $0xffff;
	v13 =	vor.u32 $0x20, v9  }
0xf8: {  	v18 =	vld.idx.msk [tilespmem:v16+s11+$0x0], $0xffff;
	_ =	sdelay $0x1  }
0xf9: {  	vm0 =	vle.f32 v17, v5  }
0xfa: {  	s26 =	simm.s32 $0x60;
	v17 =	vsel vm0, v10, v11  }
0xfb: {  	s23 =	simm.s32 $0x70;
	v23 =	vor.u32 s26, v2;
	vm0 =	vle.f32 v12, v6;
	v12 =	vor.u32 $0x20, v17;
	v10 =	vld.idx.msk [tilespmem:v13+s11+$0x0], $0xffff  }
0xfc: {  	s24 =	simm.s32 $0x40;
	v15 =	vsel vm0, v15, v8;
	vm0 =	vle.f32 v18, v7;
	v18 =	vld.idx.msk [tilespmem:v3+s11+$0x0], $0xffff;
	v8 =	vor.u32 s23, v2  }
0xfd: {  	s25 =	simm.s32 $0x50;
	v11 =	vor.u32 s24, v2;
	v19 =	vor.u32 $0x20, v15;
	v8 =	vcvt.s32.f32 v8  }
0xfe: {  	v14 =	vsel vm0, v16, v14;
	v16 =	vcvt.s32.f32 v11;
	v11 =	vor.u32 s25, v2  }
0xff: {  	v20 =	vor.u32 $0x20, v14;
	v21 =	vcvt.s32.f32 v11;
	v11 =	vmul.f32 $4.882812500e-04, v8  }
0x100: {  	v23 =	vcvt.s32.f32 v23;
	vm0 =	vle.f32 v10, v22  }
0x101: {  	v8 =	vmul.f32 $4.882812500e-04, v16;
	v16 =	vld.idx.msk [tilespmem:v12+s11+$0x0], $0xffff;
	vm1 =	vle.f32 v18, v11;
	v13 =	vsel vm0, v13, v9  }
0x102: {  	v10 =	vmul.f32 $4.882812500e-04, v21;
	v24 =	vld.idx.msk [tilespmem:v19+s11+$0x0], $0xffff;
	v21 =	vsel vm1, $0x100, v4;
	v25 =	vadd.s32 $0x10, v13  }
0x103: {  	v9 =	vmul.f32 $4.882812500e-04, v23;
	vm0 =	vle.f32 v18, v8;
	v23 =	vor.u32 $0x80, v21  }
0x104: {  	v26 =	vld.idx.msk [tilespmem:v20+s11+$0x0], $0xffff;
	vm1 =	vle.f32 v18, v10;
	v27 =	vsel vm0, $0x100, v4  }
0x105: {  	vm0 =	vle.f32 v18, v9;
	v18 =	vsel vm1, $0x100, v4;
	v28 =	vor.u32 $0x80, v27  }
0x106: {  	v29 =	vsel vm0, $0x100, v4;
	v30 =	vor.u32 $0x80, v18;
	vm0 =	vle.f32 v16, v5  }
0x107: {  	v16 =	vor.u32 $0x80, v29;
	v12 =	vsel vm0, v12, v17;
	vm1 =	vle.f32 v24, v6;
	v17 =	vld.idx.msk [tilespmem:v25+s11+$0x0], $0xffff  }
0x108: {  	v24 =	vadd.s32 $0x10, v12;
	v15 =	vsel vm1, v19, v15;
	v19 =	vld.idx.msk [tilespmem:v23+s11+$0x0], $0xffff  }
0x109: {  	vm0 =	vle.f32 v26, v7;
	v26 =	vadd.s32 $0x10, v15  }
0x10a: {  	v14 =	vsel vm0, v20, v14;
	v20 =	vld.idx.msk [tilespmem:v28+s11+$0x0], $0xffff  }
0x10b: {  	v31 =	vadd.s32 $0x10, v14;
	v58 =	vld.idx.msk [tilespmem:v30+s11+$0x0], $0xffff  }
0x10c: {  	v59 =	vld.idx.msk [tilespmem:v16+s11+$0x0], $0xffff;
	vm0 =	vle.f32 v17, v22  }
0x10d: {  	v17 =	vld.idx.msk [tilespmem:v24+s11+$0x0], $0xffff;
	vm1 =	vle.f32 v19, v11;
	v13 =	vsel vm0, v25, v13  }
0x10e: {  	v19 =	vld.idx.msk [tilespmem:v26+s11+$0x0], $0xffff;
	v21 =	vsel vm1, v23, v21;
	v23 =	vadd.s32 $0x8, v13  }
0x10f: {  	vm0 =	vle.f32 v20, v8;
	v20 =	vor.u32 $0x40, v21  }
0x110: {  	v25 =	vld.idx.msk [tilespmem:v31+s11+$0x0], $0xffff;
	v27 =	vsel vm0, v28, v27;
	vm0 =	vle.f32 v58, v10  }
0x111: {  	v28 =	vor.u32 $0x40, v27;
	v18 =	vsel vm0, v30, v18;
	vm0 =	vle.f32 v59, v9  }
0x112: {  	v30 =	vor.u32 $0x40, v18;
	v16 =	vsel vm0, v16, v29;
	vm0 =	vle.f32 v17, v5  }
0x113: {  	v17 =	vor.u32 $0x40, v16;
	v12 =	vsel vm0, v24, v12;
	vm0 =	vle.f32 v19, v6;
	v19 =	vld.idx.msk [tilespmem:v23+s11+$0x0], $0xffff  }
0x114: {  	v24 =	vld.idx.msk [tilespmem:v20+s11+$0x0], $0xffff;
	v29 =	vadd.s32 $0x8, v12;
	v15 =	vsel vm0, v26, v15  }
0x115: {  	vm0 =	vle.f32 v25, v7;
	v25 =	vadd.s32 $0x8, v15  }
0x116: {  	v14 =	vsel vm0, v31, v14;
	v26 =	vld.idx.msk [tilespmem:v28+s11+$0x0], $0xffff  }
0x117: {  	v31 =	vadd.s32 $0x8, v14;
	v60 =	vld.idx.msk [tilespmem:v30+s11+$0x0], $0xffff  }
0x118: {  	v61 =	vld.idx.msk [tilespmem:v17+s11+$0x0], $0xffff;
	vm0 =	vle.f32 v19, v22  }
0x119: {  	v19 =	vld.idx.msk [tilespmem:v29+s11+$0x0], $0xffff;
	vm1 =	vle.f32 v24, v11;
	v23 =	vsel vm0, v23, v13  }
0x11a: {  	v13 =	vld.idx.msk [tilespmem:v25+s11+$0x0], $0xffff;
	v20 =	vsel vm1, v20, v21;
	v21 =	vadd.s32 $0x4, v23  }
0x11b: {  	vm0 =	vle.f32 v26, v8;
	v24 =	vor.u32 $0x20, v20  }
0x11c: {  	s30 =	simm.s32 $0x90;
	v26 =	vld.idx.msk [tilespmem:v31+s11+$0x0], $0xffff;
	v27 =	vsel vm0, v28, v27;
	vm0 =	vle.f32 v60, v10  }
0x11d: {  	s31 =	simm.s32 $0xA0;
	v50 =	vor.u32 s30, v2;
	v18 =	vsel vm0, v30, v18;
	vm0 =	vle.f32 v61, v9  }
0x11e: {  	v51 =	vor.u32 s31, v2;
	v16 =	vsel vm0, v17, v16;
	vm0 =	vle.f32 v19, v5  }
0x11f: {  	v34 =	vcvt.s32.f32 v50;
	v19 =	vsel vm0, v29, v12;
	vm0 =	vle.f32 v13, v6;
	v13 =	vld.idx.msk [tilespmem:v21+s11+$0x0], $0xffff  }
0x120: {  	s29 =	simm.s32 $0xB0;
	v35 =	vcvt.s32.f32 v51;
	v28 =	vor.u32 $0x20, v27;
	v30 =	vor.u32 $0x20, v18;
	v29 =	vld.idx.msk [tilespmem:v24+s11+$0x0], $0xffff  }
0x121: {  	s28 =	simm.s32 $0x80;
	v25 =	vsel vm0, v25, v15;
	vm0 =	vle.f32 v26, v7;
	v26 =	vld.idx.msk [tilespmem:v3+s11+$0x0], $0xffff;
	v15 =	vor.u32 s29, v2  }
0x122: {  	v17 =	vor.u32 $0x20, v16;
	v12 =	vor.u32 s28, v2;
	v15 =	vcvt.s32.f32 v15  }
0x123: {  	v32 =	vadd.s32 $0x4, v19;
	v12 =	vcvt.s32.f32 v12;
	v62 =	vadd.s32 $0x4, v25  }
0x124: {  	v31 =	vsel vm0, v31, v14;
	v14 =	vmul.f32 $4.882812500e-04, v34;
	v15 =	vmul.f32 $4.882812500e-04, v15  }
0x125: {  	v12 =	vmul.f32 $4.882812500e-04, v12;
	v52 =	vadd.s32 $0x4, v31;
	vm0 =	vle.f32 v29, v11  }
0x126: {  	v29 =	vld.idx.msk [tilespmem:v28+s11+$0x0], $0xffff;
	vm1 =	vle.f32 v13, v22;
	vm2 =	vle.f32 v26, v15;
	v20 =	vsel vm0, v24, v20  }
0x127: {  	v13 =	vmul.f32 $4.882812500e-04, v35;
	v24 =	vld.idx.msk [tilespmem:v30+s11+$0x0], $0xffff;
	v53 =	vsel vm2, $0x100, v4;
	v54 =	vadd.s32 $0x10, v20  }
0x128: {  	v55 =	vld.idx.msk [tilespmem:v17+s11+$0x0], $0xffff;
	v21 =	vsel vm1, v21, v23;
	vm0 =	vle.f32 v26, v12;
	v23 =	vor.u32 $0x80, v53  }
0x129: {  	v56 =	vld.idx.msk [tilespmem:v32+s11+$0x0], $0xffff;
	vm1 =	vle.f32 v26, v14;
	v57 =	vadd.s32 $0x2, v21;
	v58 =	vsel vm0, $0x100, v4  }
0x12a: {  	v63 =	vld.idx.msk [tilespmem:v62+s11+$0x0], $0xffff;
	vm0 =	vle.f32 v26, v13;
	v26 =	vsel vm1, $0x100, v4;
	v48 =	vor.u32 $0x80, v58  }
0x12b: {  	v49 =	vld.idx.msk [tilespmem:v52+s11+$0x0], $0xffff;
	v50 =	vsel vm0, $0x100, v4;
	v59 =	vor.u32 $0x80, v26;
	vm0 =	vle.f32 v29, v8  }
0x12c: {  	v29 =	vor.u32 $0x80, v50;
	vm1 =	vle.f32 v24, v10;
	v24 =	vsel vm0, v28, v27;
	v27 =	vld.idx.msk [tilespmem:v54+s11+$0x0], $0xffff  }
0x12d: {  	vm0 =	vle.f32 v55, v9;
	v18 =	vsel vm1, v30, v18;
	v28 =	vld.idx.msk [tilespmem:v23+s11+$0x0], $0xffff;
	v30 =	vadd.s32 $0x10, v24  }
0x12e: {  	v60 =	vld.idx.msk [tilespmem:v57+s11+$0x0], $0xffff;
	v16 =	vsel vm0, v17, v16;
	vm0 =	vle.f32 v56, v5;
	v17 =	vadd.s32 $0x10, v18  }
0x12f: {  	vm1 =	vle.f32 v63, v6;
	v38 =	vadd.s32 $0x10, v16;
	v61 =	vld.idx.msk [tilespmem:v48+s11+$0x0], $0xffff;
	v19 =	vsel vm0, v32, v19  }
0x130: {  	vm0 =	vle.f32 v49, v7;
	v32 =	vsel vm1, v62, v25;
	v25 =	vld.idx.msk [tilespmem:v59+s11+$0x0], $0xffff;
	v62 =	vadd.s32 $0x2, v19  }
0x131: {  	v31 =	vsel vm0, v52, v31;
	v63 =	vadd.s32 $0x2, v32;
	v51 =	vld.idx.msk [tilespmem:v29+s11+$0x0], $0xffff;
	vm0 =	vle.f32 v27, v11  }
0x132: {  	v27 =	vadd.s32 $0x2, v31;
	v52 =	vld.idx.msk [tilespmem:v30+s11+$0x0], $0xffff;
	vm1 =	vle.f32 v28, v15;
	v35 =	vsel vm0, v54, v20  }
0x133: {  	vm0 =	vle.f32 v60, v22;
	v20 =	vld.idx.msk [tilespmem:v17+s11+$0x0], $0xffff;
	v23 =	vsel vm1, v23, v53;
	v53 =	vadd.s32 $0x8, v35  }
0x134: {  	v37 =	vsel vm0, v57, v21;
	v21 =	vld.idx.msk [tilespmem:v38+s11+$0x0], $0xffff;
	vm0 =	vle.f32 v61, v12;
	v54 =	vor.u32 $0x40, v23  }
0x135: {  	v28 =	vld.idx.msk [tilespmem:v62+s11+$0x0], $0xffff;
	v55 =	vadd.s32 $0x1, v37;
	v40 =	vsel vm0, v48, v58;
	vm0 =	vle.f32 v25, v14  }
0x136: {  	v56 =	vld.idx.msk [tilespmem:v63+s11+$0x0], $0xffff;
	v57 =	vor.u32 $0x40, v40;
	v45 =	vsel vm0, v59, v26;
	vm0 =	vle.f32 v51, v13  }
0x137: {  	v26 =	vld.idx.msk [tilespmem:v27+s11+$0x0], $0xffff;
	v58 =	vor.u32 $0x40, v45;
	v44 =	vsel vm0, v29, v50;
	vm0 =	vle.f32 v52, v8  }
0x138: {  	v59 =	vor.u32 $0x40, v44;
	v30 =	vsel vm0, v30, v24;
	vm0 =	vle.f32 v20, v10;
	v20 =	vld.idx.msk [tilespmem:v53+s11+$0x0], $0xffff  }
0x139: {  	v24 =	vld.idx.msk [tilespmem:v54+s11+$0x0], $0xffff;
	v60 =	vadd.s32 $0x8, v30;
	v49 =	vsel vm0, v17, v18;
	vm0 =	vle.f32 v21, v9  }
0x13a: {  	v29 =	vld.idx.msk [tilespmem:v55+s11+$0x0], $0xffff;
	v50 =	vadd.s32 $0x8, v49;
	v25 =	vsel vm0, v38, v16;
	vm0 =	vle.f32 v28, v5  }
0x13b: {  	v61 =	vld.idx.msk [tilespmem:v57+s11+$0x0], $0xffff;
	v28 =	vadd.s32 $0x8, v25;
	v18 =	vsel vm0, v62, v19;
	vm0 =	vle.f32 v56, v6  }
0x13c: {  	v62 =	vld.idx.msk [tilespmem:v58+s11+$0x0], $0xffff;
	v21 =	vadd.s32 $0x1, v18;
	v17 =	vsel vm0, v63, v32;
	vm0 =	vle.f32 v26, v7  }
0x13d: {  	v63 =	vld.idx.msk [tilespmem:v59+s11+$0x0], $0xffff;
	v19 =	vadd.s32 $0x1, v17;
	v16 =	vsel vm0, v27, v31;
	vm0 =	vle.f32 v20, v11  }
0x13e: {  	v27 =	vld.idx.msk [tilespmem:v60+s11+$0x0], $0xffff;
	v20 =	vadd.s32 $0x1, v16;
	vm1 =	vle.f32 v24, v15;
	v26 =	vsel vm0, v53, v35  }
0x13f: {  	vm0 =	vle.f32 v29, v22;
	v31 =	vld.idx.msk [tilespmem:v50+s11+$0x0], $0xffff;
	v36 =	vsel vm1, v54, v23;
	v29 =	vadd.s32 $0x4, v26  }
0x140: {  	v22 =	vsel vm0, v55, v37;
	v51 =	vld.idx.msk [tilespmem:v28+s11+$0x0], $0xffff;
	vm0 =	vle.f32 v61, v12;
	v39 =	vor.u32 $0x20, v36  }
0x141: {  	v52 =	vmin.u32 v22, $0xFF;
	v22 =	vld.idx.msk [tilespmem:v21+s11+$0x0], $0xffff;
	v33 =	vsel vm0, v57, v40;
	vm0 =	vle.f32 v62, v14  }
0x142: {  	v23 =	vld.idx.msk [tilespmem:v19+s11+$0x0], $0xffff;
	v35 =	vor.u32 $0x20, v33;
	v34 =	vsel vm0, v58, v45;
	vm0 =	vle.f32 v63, v13  }
0x143: {  	v24 =	vld.idx.msk [tilespmem:v20+s11+$0x0], $0xffff;
	v38 =	vor.u32 $0x20, v34;
	v37 =	vsel vm0, v59, v44;
	vm0 =	vle.f32 v27, v8  }
0x144: {  	s19 =	simm.s32 $0x3F20;
	v40 =	vor.u32 $0x20, v37;
	v27 =	vsel vm0, v60, v30;
	vm0 =	vle.f32 v31, v10;
	v41 =	vld.idx.msk [tilespmem:v29+s11+$0x0], $0xffff  }
0x145: {  	s18 =	simm.s32 $0x3F20;
	s21 =	simm.s32 $0xC0;
	s20 =	simm.s32 $0x8;
	[tilespmem:s19+$0x10] =	vst v52;
	v42 =	vld.idx.msk [tilespmem:v39+s11+$0x0], $0xffff;
	v31 =	vadd.s32 $0x4, v27;
	v30 =	vsel vm0, v50, v49;
	vm0 =	vle.f32 v51, v9  }
.LBB2_2:
0x146: {  	v32 =	vor.u32 s21, v2;
	v43 =	vld.idx.msk [tilespmem:v3+s11+$0x0], $0xffff;
	s22 =	sadd.s32 $0x10, s21;
	s23 =	sadd.s32 $0x30, s21;
	s20 =	sadd.s32 $0x4, s20;
	v44 =	vadd.s32 $0x4, v30;
	v25 =	vsel vm0, v28, v25  }
0x147: {  	v28 =	vcvt.s32.f32 v32;
	v32 =	vor.u32 s22, v2;
	s22 =	sadd.s32 $0x20, s21;
	v45 =	vor.u32 s23, v2;
	p0 =	slt.u32 s20, $0x7C;
	v46 =	vld.idx.msk [tilespmem:v35+s11+$0x0], $0xffff  }
0x148: {  	v32 =	vcvt.s32.f32 v32;
	v47 =	vor.u32 s22, v2;
	v45 =	vcvt.s32.f32 v45;
	v48 =	vld.idx.msk [tilespmem:v38+s11+$0x0], $0xffff  }
0x149: {  	v50 =	vadd.s32 $0x4, v25;
	v28 =	vmul.f32 $4.882812500e-04, v28;
	v47 =	vcvt.s32.f32 v47;
	v49 =	vld.idx.msk [tilespmem:v40+s11+$0x0], $0xffff  }
0x14a: {  	vm0 =	vle.f32 v41, v11;
	v51 =	vmul.f32 $4.882812500e-04, v32;
	v32 =	vmul.f32 $4.882812500e-04, v45;
	v45 =	vld.idx.msk [tilespmem:v31+s11+$0x0], $0xffff  }
0x14b: {  	vm1 =	vle.f32 v42, v15;
	v26 =	vsel vm0, v29, v26;
	v41 =	vmul.f32 $4.882812500e-04, v47;
	v42 =	vld.idx.msk [tilespmem:v44+s11+$0x0], $0xffff  }
0x14c: {  	v29 =	vsel vm1, v39, v36;
	v36 =	vadd.s32 $0x2, v26;
	vm0 =	vle.f32 v43, v32  }
0x14d: {  	vm1 =	vle.f32 v43, v28;
	v47 =	vadd.s32 $0x10, v29;
	v39 =	vsel vm0, $0x100, v4  }
0x14e: {  	vm0 =	vle.f32 v43, v51;
	vm2 =	vle.f32 v43, v41;
	v43 =	vor.u32 $0x80, v39;
	v52 =	vld.idx.msk [tilespmem:v50+s11+$0x0], $0xffff  }
0x14f: {  	v53 =	vsel vm1, $0x100, v4;
	v54 =	vsel vm0, $0x100, v4;
	v55 =	vsel vm2, $0x100, v4  }
0x150: {  	v56 =	vor.u32 $0x80, v53;
	v57 =	vor.u32 $0x80, v54;
	v58 =	vor.u32 $0x80, v55  }
0x151: {  	vm1 =	vle.f32 v48, v14;
	vm0 =	vle.f32 v46, v12;
	vm2 =	vle.f32 v49, v13;
	v46 =	vld.idx.msk [tilespmem:v36+s11+$0x0], $0xffff  }
0x152: {  	v34 =	vsel vm1, v38, v34;
	v33 =	vsel vm0, v35, v33;
	v35 =	vsel vm2, v40, v37;
	v37 =	vld.idx.msk [tilespmem:v47+s11+$0x0], $0xffff  }
0x153: {  	v48 =	vadd.s32 $0x10, v34;
	v40 =	vadd.s32 $0x10, v33;
	v49 =	vadd.s32 $0x10, v35;
	v38 =	vld.idx.msk [tilespmem:v43+s11+$0x0], $0xffff  }
0x154: {  	vm0 =	vle.f32 v45, v8;
	vm1 =	vle.f32 v42, v10;
	vm2 =	vle.f32 v52, v9  }
0x155: {  	v27 =	vsel vm0, v31, v27;
	v30 =	vsel vm1, v44, v30;
	v31 =	vsel vm2, v50, v25;
	v42 =	vld.idx.msk [tilespmem:v56+s11+$0x0], $0xffff  }
0x156: {  	v44 =	vadd.s32 $0x2, v27;
	v45 =	vadd.s32 $0x2, v30;
	v50 =	vadd.s32 $0x2, v31;
	v25 =	vld.idx.msk [tilespmem:v57+s11+$0x0], $0xffff  }
0x157: {  	vm1 =	vle.f32 v22, v5;
	vm2 =	vle.f32 v23, v6;
	vm0 =	vle.f32 v46, v11;
	v52 =	vld.idx.msk [tilespmem:v58+s11+$0x0], $0xffff  }
0x158: {  	vm3 =	vle.f32 v37, v15;
	v23 =	vsel vm0, v36, v26;
	vm0 =	vle.f32 v24, v7;
	v22 =	vld.idx.msk [tilespmem:v40+s11+$0x0], $0xffff  }
0x159: {  	v5 =	vmovc v8;
	vm4 =	vle.f32 v38, v32;
	v24 =	vsel vm3, v47, v29;
	v26 =	vadd.s32 $0x1, v23;
	v7 =	vld.idx.msk [tilespmem:v48+s11+$0x0], $0xffff  }
0x15a: {  	v8 =	vmovc v12;
	v38 =	vsel vm1, v21, v18;
	v29 =	vsel vm4, v43, v39;
	v37 =	vadd.s32 $0x8, v24;
	v36 =	vld.idx.msk [tilespmem:v49+s11+$0x0], $0xffff  }
0x15b: {  	v12 =	vmovc v28;
	vm1 =	vle.f32 v42, v28;
	v39 =	vor.u32 $0x40, v29;
	v42 =	vsel vm2, v19, v17;
	v18 =	vld.idx.msk [tilespmem:v44+s11+$0x0], $0xffff  }
0x15c: {  	v46 =	vsel vm0, v20, v16;
	v43 =	vsel vm1, v56, v53;
	vm1 =	vle.f32 v25, v51;
	v17 =	vld.idx.msk [tilespmem:v45+s11+$0x0], $0xffff  }
0x15d: {  	v6 =	vmovc v10;
	v47 =	vor.u32 $0x40, v43;
	v53 =	vsel vm1, v57, v54;
	vm0 =	vle.f32 v52, v41;
	v16 =	vld.idx.msk [tilespmem:v50+s11+$0x0], $0xffff  }
0x15e: {  	v10 =	vmovc v14;
	v52 =	vor.u32 $0x40, v53;
	v54 =	vsel vm0, v58, v55;
	vm0 =	vle.f32 v22, v8;
	v20 =	vld.idx.msk [tilespmem:v26+s11+$0x0], $0xffff  }
0x15f: {  	v14 =	vmovc v51;
	v55 =	vor.u32 $0x40, v54;
	v56 =	vsel vm0, v40, v33;
	vm0 =	vle.f32 v7, v10;
	v22 =	vld.idx.msk [tilespmem:v37+s11+$0x0], $0xffff  }
0x160: {  	v7 =	vmovc v9;
	v51 =	vadd.s32 $0x8, v56;
	v48 =	vsel vm0, v48, v34;
	vm0 =	vle.f32 v36, v13;
	v33 =	vld.idx.msk [tilespmem:v39+s11+$0x0], $0xffff  }
0x161: {  	v9 =	vmovc v13;
	v13 =	vmovc v41;
	v57 =	vadd.s32 $0x8, v48;
	v25 =	vsel vm0, v49, v35;
	vm0 =	vle.f32 v18, v5  }
0x162: {  	v28 =	vadd.s32 $0x8, v25;
	v18 =	vsel vm0, v44, v27;
	vm0 =	vle.f32 v17, v6;
	v34 =	vld.idx.msk [tilespmem:v47+s11+$0x0], $0xffff  }
0x163: {  	v21 =	vadd.s32 $0x1, v18;
	v17 =	vsel vm0, v45, v30;
	vm0 =	vle.f32 v16, v7;
	v27 =	vld.idx.msk [tilespmem:v52+s11+$0x0], $0xffff  }
0x164: {  	v19 =	vadd.s32 $0x1, v17;
	v16 =	vsel vm0, v50, v31;
	vm0 =	vle.f32 v20, v11;
	v11 =	vmovc v15;
	v30 =	vld.idx.msk [tilespmem:v55+s11+$0x0], $0xffff  }
0x165: {  	v15 =	vmovc v32;
	vm1 =	vle.f32 v22, v11;
	v20 =	vadd.s32 $0x1, v16;
	v22 =	vsel vm0, v26, v23;
	v31 =	vld.idx.msk [tilespmem:v51+s11+$0x0], $0xffff  }
0x166: {  	s19 =	sadd.s32 $0x40, s19;
	vm0 =	vle.f32 v33, v15;
	v26 =	vsel vm1, v37, v24;
	v22 =	vmin.u32 v22, $0xFF;
	v32 =	vld.idx.msk [tilespmem:v57+s11+$0x0], $0xffff  }
0x167: {  	v23 =	vmin.u32 v38, $0xFF;
	v36 =	vsel vm0, v39, v29;
	v29 =	vadd.s32 $0x4, v26;
	v44 =	vld.idx.msk [tilespmem:v28+s11+$0x0], $0xffff;
	[tilespmem:s19+$0x10] =	vst v22  }
0x168: {  	v24 =	vmin.u32 v42, $0xFF;
	vm0 =	vle.f32 v34, v12;
	v39 =	vor.u32 $0x20, v36;
	v22 =	vld.idx.msk [tilespmem:v21+s11+$0x0], $0xffff;
	[tilespmem:s18+$0xFFFFFFE0] =	vst v23  }
.Ltmp0:
0x169: {  	v33 =	vsel vm0, v47, v43;
	vm0 =	vle.f32 v27, v14;
	v27 =	vmin.u32 v46, $0xFF;
	v23 =	vld.idx.msk [tilespmem:v19+s11+$0x0], $0xffff;
	[tilespmem:s18+$0xFFFFFFF0] =	vst v24;
	(pc) =	sbr.rel @p0 .LBB2_2-.Ltmp0, $4  }
0x16a: {  	v35 =	vor.u32 $0x20, v33;
	v34 =	vsel vm0, v52, v53;
	vm0 =	vle.f32 v30, v13;
	v24 =	vld.idx.msk [tilespmem:v20+s11+$0x0], $0xffff;
	[tilespmem:s18+$0x0] =	vst v27;
	s18 =	smov.u32 s19  }
0x16b: {  	v38 =	vor.u32 $0x20, v34;
	v37 =	vsel vm0, v55, v54;
	vm0 =	vle.f32 v31, v8  }
0x16c: {  	v40 =	vor.u32 $0x20, v37;
	v27 =	vsel vm0, v51, v56;
	vm0 =	vle.f32 v32, v10;
	v41 =	vld.idx.msk [tilespmem:v29+s11+$0x0], $0xffff  }
0x16d: {  	s21 =	sadd.s32 $0x40, s21;
	v31 =	vadd.s32 $0x4, v27;
	v30 =	vsel vm0, v57, v48;
	vm0 =	vle.f32 v44, v9;
	v42 =	vld.idx.msk [tilespmem:v39+s11+$0x0], $0xffff  }
0x16e: {  	_ =	sdelay $0x3  }
0x16f: {  	v32 =	vld.idx.msk [tilespmem:v35+s11+$0x0], $0xffff  }
0x170: {  	v43 =	vld.idx.msk [tilespmem:v38+s11+$0x0], $0xffff  }
0x171: {  	v45 =	vld.idx.msk [tilespmem:v40+s11+$0x0], $0xffff;
	vm1 =	vle.f32 v42, v15  }
0x172: {  	v36 =	vsel vm1, v39, v36  }
0x173: {  	v39 =	vadd.s32 $0x10, v36  }
0x174: {  	vm1 =	vle.f32 v32, v12  }
0x175: {  	vm2 =	vle.f32 v43, v14;
	v32 =	vsel vm1, v35, v33  }
0x176: {  	vm1 =	vle.f32 v45, v13;
	v46 =	vsel vm2, v38, v34;
	v47 =	vadd.s32 $0x10, v32  }
0x177: {  	v48 =	vsel vm1, v40, v37;
	v38 =	vadd.s32 $0x10, v46  }
0x178: {  	v40 =	vadd.s32 $0x10, v48;
	v49 =	vld.idx.msk [tilespmem:v39+s11+$0x0], $0xffff;
	_ =	sdelay $0x2  }
0x179: {  	v50 =	vld.idx.msk [tilespmem:v47+s11+$0x0], $0xffff  }
0x17a: {  	v51 =	vld.idx.msk [tilespmem:v38+s11+$0x0], $0xffff  }
0x17b: {  	v52 =	vld.idx.msk [tilespmem:v40+s11+$0x0], $0xffff;
	vm1 =	vle.f32 v49, v15  }
0x17c: {  	v36 =	vsel vm1, v39, v36  }
0x17d: {  	v53 =	vadd.s32 $0x8, v36  }
0x17e: {  	vm1 =	vle.f32 v50, v12  }
0x17f: {  	v32 =	vsel vm1, v47, v32;
	vm1 =	vle.f32 v51, v14  }
0x180: {  	v34 =	vadd.s32 $0x8, v32;
	v33 =	vsel vm1, v38, v46;
	vm1 =	vle.f32 v52, v13  }
0x181: {  	v38 =	vadd.s32 $0x8, v33;
	v35 =	vsel vm1, v40, v48  }
0x182: {  	v55 =	vadd.s32 $0x8, v35;
	v54 =	vld.idx.msk [tilespmem:v53+s11+$0x0], $0xffff;
	_ =	sdelay $0x2  }
0x183: {  	v56 =	vld.idx.msk [tilespmem:v34+s11+$0x0], $0xffff  }
0x184: {  	v57 =	vld.idx.msk [tilespmem:v38+s11+$0x0], $0xffff  }
0x185: {  	v58 =	vld.idx.msk [tilespmem:v55+s11+$0x0], $0xffff;
	vm1 =	vle.f32 v54, v15  }
0x186: {  	v36 =	vsel vm1, v53, v36  }
0x187: {  	v43 =	vadd.s32 $0x4, v36  }
0x188: {  	v44 =	vadd.s32 $0x4, v30;
	v25 =	vsel vm0, v28, v25;
	vm0 =	vle.f32 v56, v12  }
0x189: {  	v28 =	vadd.s32 $0x4, v25;
	v32 =	vsel vm0, v34, v32;
	vm0 =	vle.f32 v57, v14  }
0x18a: {  	v34 =	vadd.s32 $0x4, v32;
	v33 =	vsel vm0, v38, v33;
	vm0 =	vle.f32 v58, v13  }
0x18b: {  	v60 =	vld.idx.msk [tilespmem:v31+s11+$0x0], $0xffff;
	v38 =	vadd.s32 $0x4, v33;
	v35 =	vsel vm0, v55, v35;
	vm0 =	vle.f32 v41, v11  }
0x18c: {  	v61 =	vadd.s32 $0x4, v35;
	v26 =	vsel vm0, v29, v26;
	v59 =	vld.idx.msk [tilespmem:v43+s11+$0x0], $0xffff  }
0x18d: {  	v62 =	vld.idx.msk [tilespmem:v44+s11+$0x0], $0xffff;
	v29 =	vadd.s32 $0x2, v26  }
0x18e: {  	v63 =	vld.idx.msk [tilespmem:v28+s11+$0x0], $0xffff  }
0x18f: {  	v45 =	vld.idx.msk [tilespmem:v34+s11+$0x0], $0xffff  }
0x190: {  	vm1 =	vle.f32 v60, v8;
	v48 =	vld.idx.msk [tilespmem:v38+s11+$0x0], $0xffff  }
0x191: {  	v27 =	vsel vm1, v31, v27;
	v49 =	vld.idx.msk [tilespmem:v61+s11+$0x0], $0xffff;
	vm0 =	vle.f32 v59, v15  }
0x192: {  	v51 =	vadd.s32 $0x2, v27;
	v50 =	vld.idx.msk [tilespmem:v29+s11+$0x0], $0xffff;
	v36 =	vsel vm0, v43, v36;
	vm0 =	vle.f32 v62, v10  }
0x193: {  	vm1 =	vle.f32 v63, v9;
	v31 =	vadd.s32 $0x2, v36;
	v30 =	vsel vm0, v44, v30  }
0x194: {  	v25 =	vsel vm1, v28, v25;
	vm0 =	vle.f32 v45, v12;
	v28 =	vadd.s32 $0x2, v30  }
0x195: {  	v52 =	vadd.s32 $0x2, v25;
	vm1 =	vle.f32 v48, v14;
	v32 =	vsel vm0, v34, v32  }
0x196: {  	vm0 =	vle.f32 v49, v13;
	v33 =	vsel vm1, v38, v33;
	v34 =	vadd.s32 $0x2, v32  }
0x197: {  	v54 =	vld.idx.msk [tilespmem:v51+s11+$0x0], $0xffff;
	v35 =	vsel vm0, v61, v35;
	v38 =	vadd.s32 $0x2, v33;
	vm0 =	vle.f32 v50, v11  }
0x198: {  	v40 =	vadd.s32 $0x2, v35;
	v26 =	vsel vm0, v29, v26;
	v53 =	vld.idx.msk [tilespmem:v31+s11+$0x0], $0xffff  }
0x199: {  	v55 =	vadd.s32 $0x1, v26;
	v29 =	vld.idx.msk [tilespmem:v28+s11+$0x0], $0xffff  }
0x19a: {  	v56 =	vld.idx.msk [tilespmem:v52+s11+$0x0], $0xffff  }
0x19b: {  	v57 =	vld.idx.msk [tilespmem:v34+s11+$0x0], $0xffff  }
0x19c: {  	vm1 =	vle.f32 v54, v8;
	v58 =	vld.idx.msk [tilespmem:v38+s11+$0x0], $0xffff  }
0x19d: {  	v27 =	vsel vm1, v51, v27;
	v59 =	vld.idx.msk [tilespmem:v40+s11+$0x0], $0xffff;
	vm0 =	vle.f32 v53, v15  }
0x19e: {  	v42 =	vadd.s32 $0x1, v27;
	v60 =	vld.idx.msk [tilespmem:v55+s11+$0x0], $0xffff;
	v31 =	vsel vm0, v31, v36;
	vm0 =	vle.f32 v29, v10  }
0x19f: {  	v29 =	vadd.s32 $0x1, v31;
	v28 =	vsel vm0, v28, v30;
	vm0 =	vle.f32 v56, v9  }
0x1a0: {  	v30 =	vadd.s32 $0x1, v28;
	v25 =	vsel vm0, v52, v25;
	vm0 =	vle.f32 v57, v12  }
0x1a1: {  	v43 =	vadd.s32 $0x1, v25;
	v32 =	vsel vm0, v34, v32;
	vm0 =	vle.f32 v58, v14  }
0x1a2: {  	v34 =	vadd.s32 $0x1, v32;
	v33 =	vsel vm0, v38, v33;
	vm0 =	vle.f32 v59, v13  }
0x1a3: {  	v62 =	vadd.s32 $0x1, v33;
	v35 =	vsel vm0, v40, v35;
	vm0 =	vle.f32 v60, v11;
	v11 =	vld.idx.msk [tilespmem:v42+s11+$0x0], $0xffff  }
0x1a4: {  	vm1 =	vle.f32 v22, v5;
	v61 =	vld.idx.msk [tilespmem:v29+s11+$0x0], $0xffff;
	v63 =	vadd.s32 $0x1, v35;
	v5 =	vsel vm0, v55, v26  }
0x1a5: {  	s19 =	sadd.s32 $0x40, s19;
	vm0 =	vle.f32 v23, v6;
	v6 =	vsel vm1, v21, v18;
	v22 =	vld.idx.msk [tilespmem:v30+s11+$0x0], $0xffff;
	v5 =	vmin.u32 v5, $0xFF  }
0x1a6: {  	vm1 =	vle.f32 v24, v7;
	v7 =	vsel vm0, v19, v17;
	v18 =	vld.idx.msk [tilespmem:v43+s11+$0x0], $0xffff;
	[tilespmem:s19+$0x10] =	vst v5;
	v5 =	vmin.u32 v6, $0xFF  }
0x1a7: {  	v16 =	vsel vm1, v20, v16;
	v6 =	vld.idx.msk [tilespmem:v34+s11+$0x0], $0xffff;
	[tilespmem:s18+$0xFFFFFFE0] =	vst v5;
	v5 =	vmin.u32 v7, $0xFF  }
0x1a8: {  	v7 =	vld.idx.msk [tilespmem:v62+s11+$0x0], $0xffff;
	[tilespmem:s18+$0xFFFFFFF0] =	vst v5;
	v5 =	vmin.u32 v16, $0xFF;
	vm1 =	vle.f32 v11, v8  }
0x1a9: {  	vm0 =	vle.f32 v61, v15;
	v11 =	vld.idx.msk [tilespmem:v63+s11+$0x0], $0xffff;
	[tilespmem:s18+$0x0] =	vst v5;
	v5 =	vsel vm1, v42, v27  }
0x1aa: {  	v8 =	vsel vm0, v29, v31;
	vm0 =	vle.f32 v22, v10;
	v5 =	vmin.u32 v5, $0xFF  }
0x1ab: {  	s31 =	sadd.s32 $0x40, s19;
	v8 =	vmin.u32 v8, $0xFF;
	vm1 =	vle.f32 v18, v9;
	v9 =	vsel vm0, v30, v28;
	[tilespmem:s19+$0xFFFFFFE0] =	vst v5  }
0x1ac: {  	[tilespmem:s31+$0x10] =	vst v8;
	v8 =	vsel vm1, v43, v25;
	v5 =	vmin.u32 v9, $0xFF;
	vm0 =	vle.f32 v6, v12  }
0x1ad: {  	[tilespmem:s19+$0xFFFFFFF0] =	vst v5;
	v5 =	vmin.u32 v8, $0xFF;
	vm1 =	vle.f32 v7, v14;
	v6 =	vsel vm0, v34, v32  }
0x1ae: {  	[tilespmem:s19+$0x0] =	vst v5;
	vm0 =	vle.f32 v11, v13;
	v5 =	vsel vm1, v62, v33;
	v6 =	vmin.u32 v6, $0xFF  }
0x1af: {  	v7 =	vsel vm0, v63, v35;
	[tilespmem:s31+$0xFFFFFFE0] =	vst v6;
	v5 =	vmin.u32 v5, $0xFF  }
0x1b0: {  	[tilespmem:s31+$0xFFFFFFF0] =	vst v5;
	v5 =	vmin.u32 v7, $0xFF  }
0x1b1: {  	[tilespmem:s31+$0x0] =	vst v5  }
0x1b2: {  	_ =	swait.ge [sflag:s10], $0x1C00  }
0x1b3: {  	[sflag:s10] =	ssyncset.done $0x0  }
0x1b4: {  	s24 =	simm.s32 $0x5A;
	[sflag:s10] =	ssyncadd.s32 $0xFFFFE400  }
0x1b5: {  	v5 =	vld [tilespmem:s24+$0xFFFFFFDE];
	_ =	sdelay $0x4  }
0x1b6: {  	v7 =	vmul.f32 $2.048000000e+03, v5  }
0x1b7: {  	v6 =	vld [tilespmem:s24+$0xFFFFFFA6]  }
0x1b8: {  	v7 =	vtrunc.f32 v7  }
0x1b9: {  	v7 =	vcvt.f32.s32 v7;
	_ =	sdelay $0x1  }
0x1ba: {  	vm0 =	vgt.s32 v7, $0x0  }
0x1bb: {  	v8 =	vmul.f32 $2.048000000e+03, v6;
	v7 =	vnsel vm0, $0x0, v7  }
0x1bc: {  	v7 =	vmin.u32 v7, $0x7FF  }
0x1bd: {  	v8 =	vtrunc.f32 v8  }
0x1be: {  	v8 =	vcvt.f32.s32 v8;
	_ =	sdelay $0x1  }
0x1bf: {  	vm0 =	vgt.s32 v8, $0x0  }
0x1c0: {  	v8 =	vnsel vm0, $0x0, v8;
	v7 =	vld.idx.msk [tilespmem:v7+s12+$0x0], $0xffff  }
0x1c1: {  	v8 =	vmin.u32 v8, $0x7FF;
	_ =	sdelay $0x3  }
0x1c2: {  	v9 =	vadd.s32 $0x1, v7  }
0x1c3: {  	v8 =	vld.idx.msk [tilespmem:v8+s12+$0x0], $0xffff;
	_ =	sdelay $0x3  }
0x1c4: {  	v11 =	vld.idx.msk [tilespmem:v9+s13+$0x0], $0xffff  }
0x1c5: {  	v10 =	vadd.s32 $0x1, v8;
	_ =	sdelay $0x3  }
0x1c6: {  	vm0 =	vle.f32 v11, v5  }
0x1c7: {  	v12 =	vld.idx.msk [tilespmem:v10+s13+$0x0], $0xffff;
	v7 =	vsel vm0, v9, v7  }
0x1c8: {  	vm0 =	vlt.s32 v7, $0xFF  }
0x1c9: {  	v7 =	vnsel vm0, $0xFF, v7  }
0x1ca: {  	v9 =	vadd.s32 $0x1, v7;
	_ =	sdelay $0x1  }
0x1cb: {  	vm0 =	vle.f32 v12, v6  }
0x1cc: {  	v8 =	vsel vm0, v10, v8  }
0x1cd: {  	vm0 =	vlt.s32 v8, $0xFF;
	v10 =	vld.idx.msk [tilespmem:v7+s13+$0x0], $0xffff  }
0x1ce: {  	v8 =	vnsel vm0, $0xFF, v8;
	v12 =	vld.idx.msk [tilespmem:v9+s13+$0x0], $0xffff  }
0x1cf: {  	v11 =	vadd.s32 $0x1, v8;
	_ =	sdelay $0x3  }
0x1d0: {  	v13 =	vld.idx.msk [tilespmem:v8+s13+$0x0], $0xffff;
	v12 =	vsub.f32 v12, v10  }
0x1d1: {  	v14 =	vld.idx.msk [tilespmem:v11+s13+$0x0], $0xffff  }
0x1d2: {  	v7 =	vld.idx.msk [tilespmem:v7+s14+$0x0], $0xffff;
	(erf) = vrcp.f32 v12  }
0x1d3: {  	v9 =	vld.idx.msk [tilespmem:v9+s14+$0x0], $0xffff;
	_ =	sdelay $0x1  }
0x1d4: {  	s26 =	simm.s32 $0xCA  }
0x1d5: {  	v12 =	vsub.f32 v14, v13;
	v14 =	vld [tilespmem:s26+$0xFFFFFFDE]  }
0x1d6: {  	v8 =	vld.idx.msk [tilespmem:v8+s14+$0x0], $0xffff  }
0x1d7: {  	v11 =	vld.idx.msk [tilespmem:v11+s14+$0x0], $0xffff;
	v5 =	vsub.f32 v5, v10;
	v9 =	vsub.f32 v9, v7;
	(erf) = vrcp.f32 v12;
	_ =	sdelay $0x1  }
0x1d8: {  	v5 =	vmul.f32 v9, v5;
	v12 =	vld [tilespmem:s26+$0xFFFFFFA6]  }
0x1d9: {  	v9 =	vmul.f32 $2.048000000e+03, v14;
	v10 =	vpop (erf)  }
0x1da: {  	v5 =	vmul.f32 v5, v10  }
0x1db: {  	v9 =	vtrunc.f32 v9;
	v10 =	vsub.f32 v11, v8  }
0x1dc: {  	v6 =	vsub.f32 v6, v13;
	v9 =	vcvt.f32.s32 v9;
	v5 =	vadd.f32 v5, v7  }
0x1dd: {  	s18 =	simm.s32 $0x1C5A;
	v7 =	vmul.f32 $2.048000000e+03, v12  }
0x1de: {  	vm0 =	vgt.s32 v9, $0x0;
	v6 =	vmul.f32 v10, v6;
	[tilespmem:s18+$0xFFFFFFDE] =	vst v5  }
0x1df: {  	v10 =	vpop (erf);
	v5 =	vtrunc.f32 v7;
	v7 =	vnsel vm0, $0x0, v9;
	v9 =	vld [tilespmem:s24+$0xFFFFFFEE]  }
0x1e0: {  	v6 =	vmul.f32 v6, v10;
	v5 =	vcvt.f32.s32 v5;
	v7 =	vmin.u32 v7, $0x7FF;
	_ =	sdelay $0x1  }
0x1e1: {  	v6 =	vadd.f32 v6, v8;
	vm0 =	vgt.s32 v5, $0x0  }
0x1e2: {  	v5 =	vnsel vm0, $0x0, v5  }
0x1e3: {  	[tilespmem:s18+$0xFFFFFFA6] =	vst v6;
	v5 =	vmin.u32 v5, $0x7FF;
	v6 =	vmul.f32 $2.048000000e+03, v9  }
0x1e4: {  	v7 =	vld.idx.msk [tilespmem:v7+s12+$0x0], $0xffff  }
0x1e5: {  	v6 =	vtrunc.f32 v6  }
0x1e6: {  	v13 =	vld [tilespmem:s24+$0xFFFFFFB6];
	v6 =	vcvt.f32.s32 v6;
	_ =	sdelay $0x1  }
0x1e7: {  	v5 =	vld.idx.msk [tilespmem:v5+s12+$0x0], $0xffff;
	vm0 =	vgt.s32 v6, $0x0  }
0x1e8: {  	v10 =	vadd.s32 $0x1, v7;
	v6 =	vnsel vm0, $0x0, v6  }
0x1e9: {  	v6 =	vmin.u32 v6, $0x7FF  }
0x1ea: {  	v8 =	vmul.f32 $2.048000000e+03, v13;
	_ =	sdelay $0x1  }
0x1eb: {  	v8 =	vtrunc.f32 v8;
	v11 =	vadd.s32 $0x1, v5  }
0x1ec: {  	v8 =	vcvt.f32.s32 v8;
	v15 =	vld.idx.msk [tilespmem:v10+s13+$0x0], $0xffff  }
0x1ed: {  	v6 =	vld.idx.msk [tilespmem:v6+s12+$0x0], $0xffff  }
0x1ee: {  	vm0 =	vgt.s32 v8, $0x0  }
0x1ef: {  	v8 =	vnsel vm0, $0x0, v8  }
0x1f0: {  	v8 =	vmin.u32 v8, $0x7FF;
	v16 =	vld.idx.msk [tilespmem:v11+s13+$0x0], $0xffff  }
0x1f1: {  	vm0 =	vle.f32 v15, v14  }
0x1f2: {  	v7 =	vsel vm0, v10, v7;
	v10 =	vadd.s32 $0x1, v6  }
0x1f3: {  	vm0 =	vlt.s32 v7, $0xFF  }
0x1f4: {  	v7 =	vnsel vm0, $0xFF, v7  }
0x1f5: {  	v8 =	vld.idx.msk [tilespmem:v8+s12+$0x0], $0xffff;
	vm0 =	vle.f32 v16, v12;
	v15 =	vadd.s32 $0x1, v7  }
0x1f6: {  	v5 =	vsel vm0, v11, v5  }
0x1f7: {  	vm0 =	vlt.s32 v5, $0xFF;
	v11 =	vld.idx.msk [tilespmem:v10+s13+$0x0], $0xffff  }
0x1f8: {  	v5 =	vnsel vm0, $0xFF, v5  }
0x1f9: {  	v17 =	vld.idx.msk [tilespmem:v7+s13+$0x0], $0xffff;
	v18 =	vadd.s32 $0x1, v5  }
0x1fa: {  	v16 =	vadd.s32 $0x1, v8;
	v19 =	vld.idx.msk [tilespmem:v15+s13+$0x0], $0xffff;
	_ =	sdelay $0x1  }
0x1fb: {  	v7 =	vld.idx.msk [tilespmem:v7+s14+$0x0], $0xffff;
	vm0 =	vle.f32 v11, v9  }
0x1fc: {  	v21 =	vld.idx.msk [tilespmem:v5+s13+$0x0], $0xffff;
	v6 =	vsel vm0, v10, v6  }
0x1fd: {  	v10 =	vld.idx.msk [tilespmem:v18+s13+$0x0], $0xffff;
	vm0 =	vlt.s32 v6, $0xFF  }
0x1fe: {  	v20 =	vld.idx.msk [tilespmem:v16+s13+$0x0], $0xffff;
	v11 =	vsub.f32 v19, v17;
	v6 =	vnsel vm0, $0xFF, v6  }
0x1ff: {  	v5 =	vld.idx.msk [tilespmem:v5+s14+$0x0], $0xffff;
	v19 =	vadd.s32 $0x1, v6  }
0x200: {  	v18 =	vld.idx.msk [tilespmem:v18+s14+$0x0], $0xffff;
	(erf) = vrcp.f32 v11  }
0x201: {  	s29 =	simm.s32 $0x13A;
	v11 =	vld.idx.msk [tilespmem:v15+s14+$0x0], $0xffff  }
0x202: {  	v15 =	vsub.f32 v10, v21;
	v10 =	vld [tilespmem:s29+$0xFFFFFFDE]  }
0x203: {  	v22 =	vld.idx.msk [tilespmem:v6+s13+$0x0], $0xffff  }
0x204: {  	(erf) = vrcp.f32 v15;
	v15 =	vld.idx.msk [tilespmem:v19+s13+$0x0], $0xffff;
	_ =	sdelay $0x1  }
0x205: {  	v14 =	vsub.f32 v14, v17;
	v23 =	vsub.f32 v11, v7  }
0x206: {  	vm0 =	vle.f32 v20, v13;
	v11 =	vld [tilespmem:s29+$0xFFFFFFA6]  }
0x207: {  	v12 =	vsub.f32 v12, v21;
	v17 =	vsub.f32 v18, v5;
	v14 =	vmul.f32 v23, v14  }
0x208: {  	v8 =	vsel vm0, v16, v8;
	v16 =	vmul.f32 $2.048000000e+03, v10;
	v18 =	vpop (erf);
	v15 =	vsub.f32 v15, v22  }
0x209: {  	vm0 =	vlt.s32 v8, $0xFF;
	v12 =	vmul.f32 v17, v12;
	v14 =	vmul.f32 v14, v18  }
0x20a: {  	v17 =	vnsel vm0, $0xFF, v8;
	v8 =	vtrunc.f32 v16;
	v16 =	vld.idx.msk [tilespmem:v6+s14+$0x0], $0xffff;
	(erf) = vrcp.f32 v15  }
0x20b: {  	v6 =	vmul.f32 $2.048000000e+03, v11;
	v8 =	vcvt.f32.s32 v8;
	v7 =	vadd.f32 v14, v7;
	v14 =	vld.idx.msk [tilespmem:v19+s14+$0x0], $0xffff  }
0x20c: {  	s19 =	simm.s32 $0x1CCA;
	v15 =	vadd.s32 $0x1, v17;
	v18 =	vpop (erf)  }
0x20d: {  	v6 =	vtrunc.f32 v6;
	vm0 =	vgt.s32 v8, $0x0;
	v12 =	vmul.f32 v12, v18;
	[tilespmem:s19+$0xFFFFFFDE] =	vst v7  }
0x20e: {  	v6 =	vcvt.f32.s32 v6;
	v7 =	vnsel vm0, $0x0, v8;
	v8 =	vld [tilespmem:s26+$0xFFFFFFEE]  }
0x20f: {  	v7 =	vmin.u32 v7, $0x7FF;
	v5 =	vadd.f32 v12, v5  }
0x210: {  	v9 =	vsub.f32 v9, v22;
	vm0 =	vgt.s32 v6, $0x0;
	v12 =	vld.idx.msk [tilespmem:v17+s13+$0x0], $0xffff;
	v14 =	vsub.f32 v14, v16  }
0x211: {  	v6 =	vnsel vm0, $0x0, v6;
	v18 =	vld.idx.msk [tilespmem:v15+s13+$0x0], $0xffff;
	[tilespmem:s19+$0xFFFFFFA6] =	vst v5  }
0x212: {  	v5 =	vmin.u32 v6, $0x7FF;
	v6 =	vld [tilespmem:s26+$0xFFFFFFB6];
	v9 =	vmul.f32 v14, v9  }
0x213: {  	v14 =	vmul.f32 $2.048000000e+03, v8;
	v19 =	vpop (erf)  }
0x214: {  	v7 =	vld.idx.msk [tilespmem:v7+s12+$0x0], $0xffff;
	v9 =	vmul.f32 v9, v19  }
0x215: {  	v14 =	vtrunc.f32 v14  }
0x216: {  	v18 =	vsub.f32 v18, v12;
	v14 =	vcvt.f32.s32 v14;
	v9 =	vadd.f32 v9, v16  }
0x217: {  	v16 =	vld.idx.msk [tilespmem:v5+s12+$0x0], $0xffff;
	v5 =	vmul.f32 $2.048000000e+03, v6  }
0x218: {  	v17 =	vld.idx.msk [tilespmem:v17+s14+$0x0], $0xffff;
	(erf) = vrcp.f32 v18;
	vm0 =	vgt.s32 v14, $0x0;
	[tilespmem:s18+$0xFFFFFFEE] =	vst v9  }
0x219: {  	v18 =	vadd.s32 $0x1, v7;
	v9 =	vtrunc.f32 v5;
	v14 =	vnsel vm0, $0x0, v14;
	v5 =	vld [tilespmem:s24+$0xFFFFFFFE]  }
0x21a: {  	v15 =	vld.idx.msk [tilespmem:v15+s14+$0x0], $0xffff;
	v14 =	vmin.u32 v14, $0x7FF  }
0x21b: {  	v9 =	vcvt.f32.s32 v9  }
0x21c: {  	v19 =	vadd.s32 $0x1, v16  }
0x21d: {  	vm0 =	vgt.s32 v9, $0x0  }
0x21e: {  	v9 =	vnsel vm0, $0x0, v9;
	v20 =	vld.idx.msk [tilespmem:v18+s13+$0x0], $0xffff;
	v21 =	vmul.f32 $2.048000000e+03, v5  }
0x21f: {  	v12 =	vsub.f32 v13, v12;
	v13 =	vsub.f32 v15, v17;
	v9 =	vmin.u32 v9, $0x7FF;
	v14 =	vld.idx.msk [tilespmem:v14+s12+$0x0], $0xffff  }
0x220: {  	v15 =	vtrunc.f32 v21  }
0x221: {  	v12 =	vmul.f32 v13, v12;
	v13 =	vld.idx.msk [tilespmem:v19+s13+$0x0], $0xffff;
	v15 =	vcvt.f32.s32 v15  }
0x222: {  	v21 =	vpop (erf)  }
0x223: {  	vm0 =	vle.f32 v20, v10;
	v12 =	vmul.f32 v12, v21;
	vm1 =	vgt.s32 v15, $0x0  }
0x224: {  	v20 =	vld.idx.msk [tilespmem:v9+s12+$0x0], $0xffff;
	v7 =	vsel vm0, v18, v7;
	v9 =	vadd.s32 $0x1, v14;
	v15 =	vnsel vm1, $0x0, v15  }
0x225: {  	vm0 =	vlt.s32 v7, $0xFF;
	v12 =	vadd.f32 v12, v17;
	v15 =	vmin.u32 v15, $0x7FF  }
0x226: {  	v17 =	vnsel vm0, $0xFF, v7;
	vm0 =	vle.f32 v13, v11  }
0x227: {  	v13 =	vadd.s32 $0x1, v17;
	[tilespmem:s18+$0xFFFFFFB6] =	vst v12;
	v12 =	vsel vm0, v19, v16  }
0x228: {  	v7 =	vld [tilespmem:s24+$0xFFFFFFC6];
	vm0 =	vlt.s32 v12, $0xFF  }
0x229: {  	v18 =	vld.idx.msk [tilespmem:v9+s13+$0x0], $0xffff;
	v12 =	vnsel vm0, $0xFF, v12  }
0x22a: {  	v19 =	vadd.s32 $0x1, v12;
	v15 =	vld.idx.msk [tilespmem:v15+s12+$0x0], $0xffff  }
0x22b: {  	v16 =	vadd.s32 $0x1, v20;
	v21 =	vld.idx.msk [tilespmem:v17+s13+$0x0], $0xffff  }
0x22c: {  	v22 =	vld.idx.msk [tilespmem:v13+s13+$0x0], $0xffff  }
0x22d: {  	v17 =	vld.idx.msk [tilespmem:v17+s14+$0x0], $0xffff  }
0x22e: {  	vm0 =	vle.f32 v18, v8;
	v24 =	vld.idx.msk [tilespmem:v12+s13+$0x0], $0xffff  }
0x22f: {  	v9 =	vsel vm0, v9, v14;
	v25 =	vld.idx.msk [tilespmem:v19+s13+$0x0], $0xffff  }
0x230: {  	v23 =	vld.idx.msk [tilespmem:v16+s13+$0x0], $0xffff;
	v14 =	vmul.f32 $2.048000000e+03, v7;
	v18 =	vadd.s32 $0x1, v15;
	vm0 =	vlt.s32 v9, $0xFF  }
0x231: {  	v12 =	vld.idx.msk [tilespmem:v12+s14+$0x0], $0xffff;
	v22 =	vsub.f32 v22, v21;
	v26 =	vnsel vm0, $0xFF, v9  }
0x232: {  	v19 =	vld.idx.msk [tilespmem:v19+s14+$0x0], $0xffff;
	v9 =	vtrunc.f32 v14;
	v27 =	vadd.s32 $0x1, v26  }
0x233: {  	s22 =	simm.s32 $0x1AA;
	v14 =	vld.idx.msk [tilespmem:v13+s14+$0x0], $0xffff;
	v28 =	vcvt.f32.s32 v9;
	(erf) = vrcp.f32 v22  }
0x234: {  	v13 =	vld [tilespmem:s22+$0xFFFFFFDE];
	v25 =	vsub.f32 v25, v24  }
0x235: {  	vm1 =	vle.f32 v23, v6;
	vm0 =	vgt.s32 v28, $0x0;
	v22 =	vld.idx.msk [tilespmem:v18+s13+$0x0], $0xffff  }
0x236: {  	v16 =	vsel vm1, v16, v20;
	v23 =	vnsel vm0, $0x0, v28;
	v20 =	vld.idx.msk [tilespmem:v26+s13+$0x0], $0xffff;
	(erf) = vrcp.f32 v25  }
0x237: {  	vm0 =	vlt.s32 v16, $0xFF;
	v23 =	vmin.u32 v23, $0x7FF;
	v25 =	vld.idx.msk [tilespmem:v27+s13+$0x0], $0xffff  }
0x238: {  	v10 =	vsub.f32 v10, v21;
	v11 =	vsub.f32 v11, v24;
	v16 =	vnsel vm0, $0xFF, v16  }
0x239: {  	v19 =	vsub.f32 v19, v12;
	v14 =	vsub.f32 v14, v17  }
0x23a: {  	v21 =	vadd.s32 $0x1, v16  }
0x23b: {  	v9 =	vld [tilespmem:s22+$0xFFFFFFA6];
	v11 =	vmul.f32 v19, v11;
	v10 =	vmul.f32 v14, v10;
	vm0 =	vle.f32 v22, v5  }
0x23c: {  	v19 =	vmul.f32 $2.048000000e+03, v13;
	v22 =	vld.idx.msk [tilespmem:v23+s12+$0x0], $0xffff;
	v15 =	vsel vm0, v18, v15;
	v23 =	vpop (erf);
	v18 =	vsub.f32 v25, v20  }
0x23d: {  	v24 =	vld.idx.msk [tilespmem:v16+s13+$0x0], $0xffff;
	vm0 =	vlt.s32 v15, $0xFF;
	v10 =	vmul.f32 v10, v23  }
0x23e: {  	v19 =	vtrunc.f32 v19;
	v25 =	vld.idx.msk [tilespmem:v27+s14+$0x0], $0xffff;
	v15 =	vnsel vm0, $0xFF, v15;
	(erf) = vrcp.f32 v18  }
0x23f: {  	v23 =	vld.idx.msk [tilespmem:v26+s14+$0x0], $0xffff;
	v18 =	vcvt.f32.s32 v19;
	v19 =	vadd.s32 $0x1, v15;
	v10 =	vadd.f32 v10, v17;
	v17 =	vpop (erf)  }
0x240: {  	s20 =	simm.s32 $0x1D3A;
	v14 =	vmul.f32 $2.048000000e+03, v9;
	v16 =	vld.idx.msk [tilespmem:v16+s14+$0x0], $0xffff;
	v11 =	vmul.f32 v11, v17  }
0x241: {  	v26 =	vld.idx.msk [tilespmem:v21+s13+$0x0], $0xffff;
	vm0 =	vgt.s32 v18, $0x0;
	[tilespmem:s20+$0xFFFFFFDE] =	vst v10  }
0x242: {  	v14 =	vtrunc.f32 v14;
	v18 =	vnsel vm0, $0x0, v18;
	v10 =	vld [tilespmem:s29+$0xFFFFFFEE];
	v11 =	vadd.f32 v11, v12  }
0x243: {  	v14 =	vcvt.f32.s32 v14;
	v12 =	vmin.u32 v18, $0x7FF;
	v18 =	vld.idx.msk [tilespmem:v15+s13+$0x0], $0xffff  }
0x244: {  	v8 =	vsub.f32 v8, v20;
	v25 =	vsub.f32 v25, v23;
	[tilespmem:s20+$0xFFFFFFA6] =	vst v11;
	v11 =	vld.idx.msk [tilespmem:v19+s13+$0x0], $0xffff  }
0x245: {  	v17 =	vld.idx.msk [tilespmem:v21+s14+$0x0], $0xffff;
	vm0 =	vgt.s32 v14, $0x0  }
0x246: {  	v21 =	vadd.s32 $0x1, v22;
	v14 =	vnsel vm0, $0x0, v14;
	v15 =	vld.idx.msk [tilespmem:v15+s14+$0x0], $0xffff;
	v8 =	vmul.f32 v25, v8  }
0x247: {  	v20 =	vmin.u32 v14, $0x7FF;
	v25 =	vsub.f32 v26, v24;
	v14 =	vld [tilespmem:s29+$0xFFFFFFB6];
	v26 =	vpop (erf)  }
0x248: {  	v19 =	vld.idx.msk [tilespmem:v19+s14+$0x0], $0xffff;
	v8 =	vmul.f32 v8, v26  }
0x249: {  	(erf) = vrcp.f32 v25;
	v25 =	vmul.f32 $2.048000000e+03, v10;
	v12 =	vld.idx.msk [tilespmem:v12+s12+$0x0], $0xffff;
	v11 =	vsub.f32 v11, v18  }
0x24a: {  	v6 =	vsub.f32 v6, v24;
	v8 =	vadd.f32 v8, v23  }
0x24b: {  	v17 =	vsub.f32 v17, v16;
	v26 =	vld.idx.msk [tilespmem:v21+s13+$0x0], $0xffff;
	v23 =	vtrunc.f32 v25;
	(erf) = vrcp.f32 v11  }
0x24c: {  	v20 =	vld.idx.msk [tilespmem:v20+s12+$0x0], $0xffff;
	v24 =	vmul.f32 $2.048000000e+03, v14;
	v11 =	vcvt.f32.s32 v23;
	[tilespmem:s19+$0xFFFFFFEE] =	vst v8  }
0x24d: {  	v6 =	vmul.f32 v17, v6;
	v5 =	vsub.f32 v5, v18;
	v19 =	vsub.f32 v19, v15;
	v8 =	vld [tilespmem:s26+$0xFFFFFFFE]  }
0x24e: {  	v17 =	vtrunc.f32 v24;
	v23 =	vadd.s32 $0x1, v12;
	vm0 =	vgt.s32 v11, $0x0  }
0x24f: {  	v17 =	vcvt.f32.s32 v17;
	v11 =	vnsel vm0, $0x0, v11  }
0x250: {  	v5 =	vmul.f32 v19, v5;
	v11 =	vmin.u32 v11, $0x7FF  }
0x251: {  	v24 =	vadd.s32 $0x1, v20;
	vm0 =	vle.f32 v26, v7;
	vm1 =	vgt.s32 v17, $0x0  }
0x252: {  	v18 =	vpop (erf);
	v21 =	vsel vm0, v21, v22;
	v17 =	vnsel vm1, $0x0, v17;
	v22 =	vmul.f32 $2.048000000e+03, v8  }
0x253: {  	v6 =	vmul.f32 v6, v18;
	vm0 =	vlt.s32 v21, $0xFF;
	v17 =	vmin.u32 v17, $0x7FF;
	v18 =	vld.idx.msk [tilespmem:v23+s13+$0x0], $0xffff  }
0x254: {  	v21 =	vnsel vm0, $0xFF, v21;
	v22 =	vtrunc.f32 v22;
	v25 =	vpop (erf)  }
0x255: {  	v6 =	vadd.f32 v6, v16;
	v11 =	vld.idx.msk [tilespmem:v11+s12+$0x0], $0xffff;
	v16 =	vcvt.f32.s32 v22;
	v5 =	vmul.f32 v5, v25  }
0x256: {  	v19 =	vadd.s32 $0x1, v21;
	v22 =	vld.idx.msk [tilespmem:v24+s13+$0x0], $0xffff  }
0x257: {  	[tilespmem:s19+$0xFFFFFFB6] =	vst v6;
	vm0 =	vgt.s32 v16, $0x0;
	v6 =	vadd.f32 v5, v15  }
0x258: {  	v17 =	vld.idx.msk [tilespmem:v17+s12+$0x0], $0xffff;
	vm1 =	vle.f32 v18, v13;
	v15 =	vnsel vm0, $0x0, v16  }
0x259: {  	v5 =	vld [tilespmem:s26+$0xFFFFFFC6];
	v12 =	vsel vm1, v23, v12;
	v15 =	vmin.u32 v15, $0x7FF;
	[tilespmem:s18+$0xFFFFFFFE] =	vst v6  }
0x25a: {  	vm0 =	vlt.s32 v12, $0xFF;
	v18 =	vadd.s32 $0x1, v11;
	v6 =	vld [tilespmem:s24+$0x0]  }
0x25b: {  	v16 =	vld.idx.msk [tilespmem:v19+s13+$0x0], $0xffff;
	v12 =	vnsel vm0, $0xFF, v12;
	vm0 =	vle.f32 v22, v9  }
0x25c: {  	v23 =	vld.idx.msk [tilespmem:v21+s13+$0x0], $0xffff;
	v20 =	vsel vm0, v24, v20;
	v22 =	vadd.s32 $0x1, v12  }
0x25d: {  	v19 =	vld.idx.msk [tilespmem:v19+s14+$0x0], $0xffff;
	vm0 =	vlt.s32 v20, $0xFF  }
0x25e: {  	v20 =	vnsel vm0, $0xFF, v20;
	v15 =	vld.idx.msk [tilespmem:v15+s12+$0x0], $0xffff  }
0x25f: {  	v26 =	vadd.s32 $0x1, v20;
	v27 =	vld.idx.msk [tilespmem:v18+s13+$0x0], $0xffff;
	v25 =	vmul.f32 $2.048000000e+03, v6  }
0x260: {  	v24 =	vadd.s32 $0x1, v17;
	v28 =	vld.idx.msk [tilespmem:v12+s13+$0x0], $0xffff  }
0x261: {  	v29 =	vld.idx.msk [tilespmem:v22+s13+$0x0], $0xffff;
	v25 =	vtrunc.f32 v25  }
0x262: {  	v21 =	vld.idx.msk [tilespmem:v21+s14+$0x0], $0xffff;
	v25 =	vcvt.f32.s32 v25  }
0x263: {  	v16 =	vsub.f32 v16, v23;
	v36 =	vld.idx.msk [tilespmem:v20+s13+$0x0], $0xffff;
	v37 =	vadd.s32 $0x1, v15  }
0x264: {  	v30 =	vmul.f32 $2.048000000e+03, v5;
	v38 =	vld.idx.msk [tilespmem:v26+s13+$0x0], $0xffff;
	vm1 =	vle.f32 v27, v10;
	vm0 =	vgt.s32 v25, $0x0  }
0x265: {  	(erf) = vrcp.f32 v16;
	v31 =	vld.idx.msk [tilespmem:v24+s13+$0x0], $0xffff;
	v11 =	vsel vm1, v18, v11;
	v25 =	vnsel vm0, $0x0, v25  }
0x266: {  	v16 =	vld.idx.msk [tilespmem:v12+s14+$0x0], $0xffff;
	vm0 =	vlt.s32 v11, $0xFF;
	v18 =	vmin.u32 v25, $0x7FF;
	v25 =	vsub.f32 v29, v28  }
0x267: {  	v30 =	vtrunc.f32 v30;
	v22 =	vld.idx.msk [tilespmem:v22+s14+$0x0], $0xffff;
	v29 =	vnsel vm0, $0xFF, v11  }
0x268: {  	v27 =	vcvt.f32.s32 v30;
	v12 =	vld.idx.msk [tilespmem:v37+s13+$0x0], $0xffff;
	(erf) = vrcp.f32 v25;
	v25 =	vadd.s32 $0x1, v29  }
0x269: {  	s23 =	simm.s32 $0x21A;
	v20 =	vld.idx.msk [tilespmem:v20+s14+$0x0], $0xffff;
	v30 =	vsub.f32 v38, v36  }
0x26a: {  	vm1 =	vle.f32 v31, v14;
	vm0 =	vgt.s32 v27, $0x0;
	v11 =	vld [tilespmem:s23+$0xFFFFFFDE]  }
0x26b: {  	v26 =	vld.idx.msk [tilespmem:v26+s14+$0x0], $0xffff;
	v17 =	vsel vm1, v24, v17;
	v27 =	vnsel vm0, $0x0, v27;
	(erf) = vrcp.f32 v30  }
0x26c: {  	vm0 =	vlt.s32 v17, $0xFF;
	v24 =	vmin.u32 v27, $0x7FF;
	v30 =	vld.idx.msk [tilespmem:v29+s13+$0x0], $0xffff  }
0x26d: {  	v7 =	vsub.f32 v7, v23;
	v17 =	vnsel vm0, $0xFF, v17;
	vm0 =	vle.f32 v12, v8;
	v23 =	vld.idx.msk [tilespmem:v25+s13+$0x0], $0xffff  }
0x26e: {  	v13 =	vsub.f32 v13, v28;
	v22 =	vsub.f32 v22, v16;
	v27 =	vld.idx.msk [tilespmem:v18+s12+$0x0], $0xffff;
	v15 =	vsel vm0, v37, v15  }
0x26f: {  	v18 =	vadd.s32 $0x1, v17;
	v28 =	vmul.f32 $2.048000000e+03, v11;
	v29 =	vld.idx.msk [tilespmem:v29+s14+$0x0], $0xffff;
	vm0 =	vlt.s32 v15, $0xFF  }
0x270: {  	v9 =	vsub.f32 v9, v36;
	v13 =	vmul.f32 v22, v13;
	v31 =	vpop (erf);
	v12 =	vld [tilespmem:s23+$0xFFFFFFA6];
	v15 =	vnsel vm0, $0xFF, v15  }
0x271: {  	v22 =	vsub.f32 v26, v20;
	v24 =	vld.idx.msk [tilespmem:v24+s12+$0x0], $0xffff;
	v28 =	vtrunc.f32 v28;
	v40 =	vadd.s32 $0x1, v15;
	v39 =	vpop (erf)  }
0x272: {  	v26 =	vld.idx.msk [tilespmem:v17+s13+$0x0], $0xffff;
	v28 =	vcvt.f32.s32 v28;
	v13 =	vmul.f32 v13, v39;
	v23 =	vsub.f32 v23, v30  }
0x273: {  	v19 =	vsub.f32 v19, v21;
	v9 =	vmul.f32 v22, v9;
	v25 =	vld.idx.msk [tilespmem:v25+s14+$0x0], $0xffff;
	v22 =	vadd.s32 $0x1, v27  }
0x274: {  	v41 =	vld.idx.msk [tilespmem:v18+s13+$0x0], $0xffff;
	vm0 =	vgt.s32 v28, $0x0;
	v13 =	vadd.f32 v13, v16;
	v16 =	vpop (erf);
	(erf) = vrcp.f32 v23  }
0x275: {  	s21 =	simm.s32 $0x1DAA;
	v42 =	vmul.f32 $2.048000000e+03, v12;
	v9 =	vmul.f32 v9, v16;
	v16 =	vnsel vm0, $0x0, v28;
	v28 =	vld.idx.msk [tilespmem:v15+s13+$0x0], $0xffff  }
0x276: {  	v7 =	vmul.f32 v19, v7;
	v43 =	vld.idx.msk [tilespmem:v40+s13+$0x0], $0xffff;
	[tilespmem:s21+$0xFFFFFFDE] =	vst v13;
	v16 =	vmin.u32 v16, $0x7FF  }
0x277: {  	v23 =	vtrunc.f32 v42;
	v9 =	vadd.f32 v9, v20;
	v13 =	vld [tilespmem:s22+$0xFFFFFFEE]  }
0x278: {  	v7 =	vmul.f32 v7, v31;
	v23 =	vcvt.f32.s32 v23;
	v19 =	vld.idx.msk [tilespmem:v22+s13+$0x0], $0xffff  }
0x279: {  	v10 =	vsub.f32 v10, v30;
	v31 =	vsub.f32 v41, v26;
	v20 =	vld.idx.msk [tilespmem:v18+s14+$0x0], $0xffff;
	[tilespmem:s21+$0xFFFFFFA6] =	vst v9  }
0x27a: {  	v44 =	vadd.s32 $0x1, v24;
	vm0 =	vgt.s32 v23, $0x0;
	v9 =	vsub.f32 v25, v29;
	v18 =	vld [tilespmem:s22+$0xFFFFFFB6]  }
0x27b: {  	(erf) = vrcp.f32 v31;
	v23 =	vnsel vm0, $0x0, v23;
	v25 =	vsub.f32 v43, v28;
	v16 =	vld.idx.msk [tilespmem:v16+s12+$0x0], $0xffff  }
0x27c: {  	v30 =	vld.idx.msk [tilespmem:v17+s14+$0x0], $0xffff;
	v23 =	vmin.u32 v23, $0x7FF;
	v9 =	vmul.f32 v9, v10;
	v17 =	vmul.f32 $2.048000000e+03, v13  }
0x27d: {  	v7 =	vadd.f32 v7, v21;
	v10 =	vsub.f32 v14, v26;
	(erf) = vrcp.f32 v25;
	v14 =	vpop (erf)  }
0x27e: {  	v21 =	vld.idx.msk [tilespmem:v15+s14+$0x0], $0xffff;
	vm0 =	vle.f32 v19, v6;
	v15 =	vtrunc.f32 v17;
	v9 =	vmul.f32 v9, v14  }
0x27f: {  	v14 =	vld.idx.msk [tilespmem:v40+s14+$0x0], $0xffff;
	v17 =	vsel vm0, v22, v27;
	v19 =	vmul.f32 $2.048000000e+03, v18;
	v15 =	vcvt.f32.s32 v15  }
0x280: {  	v22 =	vld.idx.msk [tilespmem:v44+s13+$0x0], $0xffff;
	vm0 =	vlt.s32 v17, $0xFF;
	v25 =	vadd.s32 $0x1, v16;
	v9 =	vadd.f32 v9, v29  }
0x281: {  	v23 =	vld.idx.msk [tilespmem:v23+s12+$0x0], $0xffff;
	v26 =	vnsel vm0, $0xFF, v17;
	v17 =	vtrunc.f32 v19;
	vm0 =	vgt.s32 v15, $0x0  }
0x282: {  	[tilespmem:s18+$0xFFFFFFC6] =	vst v7;
	v27 =	vcvt.f32.s32 v17;
	v15 =	vnsel vm0, $0x0, v15  }
0x283: {  	v19 =	vadd.s32 $0x1, v26;
	[tilespmem:s20+$0xFFFFFFEE] =	vst v9;
	v7 =	vmin.u32 v15, $0x7FF  }
0x284: {  	v17 =	vld [tilespmem:s29+$0xFFFFFFFE];
	v9 =	vsub.f32 v14, v21;
	v14 =	vsub.f32 v20, v30;
	vm1 =	vgt.s32 v27, $0x0  }
0x285: {  	v8 =	vsub.f32 v8, v28;
	v15 =	vld [tilespmem:s24+$0xFFFFFFC8];
	vm0 =	vle.f32 v22, v5;
	v27 =	vnsel vm1, $0x0, v27  }
0x286: {  	v22 =	vadd.s32 $0x1, v23;
	v28 =	vld.idx.msk [tilespmem:v25+s13+$0x0], $0xffff;
	v10 =	vmul.f32 v14, v10;
	v14 =	vsel vm0, v44, v24  }
0x287: {  	v20 =	vpop (erf);
	v8 =	vmul.f32 v9, v8;
	v9 =	vld.idx.msk [tilespmem:v26+s13+$0x0], $0xffff;
	v24 =	vmin.u32 v27, $0x7FF;
	vm0 =	vlt.s32 v14, $0xFF  }
0x288: {  	v29 =	vld.idx.msk [tilespmem:v19+s13+$0x0], $0xffff;
	v14 =	vnsel vm0, $0xFF, v14;
	v27 =	vpop (erf)  }
0x289: {  	v10 =	vmul.f32 v10, v20;
	v20 =	vld.idx.msk [tilespmem:v7+s12+$0x0], $0xffff;
	v31 =	vadd.s32 $0x1, v14;
	v8 =	vmul.f32 v8, v27  }
0x28a: {  	v7 =	vld.idx.msk [tilespmem:v26+s14+$0x0], $0xffff;
	v27 =	vmul.f32 $2.048000000e+03, v17  }
0x28b: {  	vm0 =	vle.f32 v28, v11;
	v8 =	vadd.f32 v8, v21;
	v21 =	vld.idx.msk [tilespmem:v22+s13+$0x0], $0xffff  }
0x28c: {  	v26 =	vtrunc.f32 v27;
	v24 =	vld.idx.msk [tilespmem:v24+s12+$0x0], $0xffff;
	v16 =	vsel vm0, v25, v16  }
0x28d: {  	v10 =	vadd.f32 v10, v30;
	v25 =	vcvt.f32.s32 v26;
	vm0 =	vlt.s32 v16, $0xFF;
	v28 =	vld.idx.msk [tilespmem:v14+s13+$0x0], $0xffff  }
0x28e: {  	[tilespmem:s19+$0xFFFFFFFE] =	vst v8;
	v16 =	vnsel vm0, $0xFF, v16;
	v26 =	vld.idx.msk [tilespmem:v31+s13+$0x0], $0xffff  }
0x28f: {  	[tilespmem:s20+$0xFFFFFFB6] =	vst v10;
	v27 =	vadd.s32 $0x1, v20;
	v8 =	vld [tilespmem:s26+$0x0];
	vm0 =	vgt.s32 v25, $0x0  }
0x290: {  	v10 =	vld [tilespmem:s29+$0xFFFFFFC6];
	v25 =	vnsel vm0, $0x0, v25  }
0x291: {  	v30 =	vld.idx.msk [tilespmem:v14+s14+$0x0], $0xffff;
	vm0 =	vle.f32 v21, v12;
	v21 =	vmin.u32 v25, $0x7FF  }
0x292: {  	v29 =	vsub.f32 v29, v9;
	v25 =	vld.idx.msk [tilespmem:v31+s14+$0x0], $0xffff;
	v22 =	vsel vm0, v22, v23;
	v23 =	vadd.s32 $0x1, v16  }
0x293: {  	v45 =	vmul.f32 $2.048000000e+03, v15;
	v14 =	vadd.s32 $0x1, v24;
	v46 =	vld.idx.msk [tilespmem:v16+s13+$0x0], $0xffff;
	v26 =	vsub.f32 v26, v28  }
0x294: {  	(erf) = vrcp.f32 v29;
	vm0 =	vlt.s32 v22, $0xFF;
	v48 =	vld.idx.msk [tilespmem:v27+s13+$0x0], $0xffff;
	v31 =	vmul.f32 $2.048000000e+03, v8  }
0x295: {  	v32 =	vtrunc.f32 v45;
	v22 =	vnsel vm0, $0xFF, v22;
	(erf) = vrcp.f32 v26;
	v26 =	vld.idx.msk [tilespmem:v16+s14+$0x0], $0xffff  }
0x296: {  	v52 =	vmul.f32 $2.048000000e+03, v10;
	v47 =	vadd.s32 $0x1, v22;
	v31 =	vtrunc.f32 v31;
	v49 =	vld.idx.msk [tilespmem:v21+s12+$0x0], $0xffff  }
0x297: {  	v21 =	vcvt.f32.s32 v31;
	v31 =	vcvt.f32.s32 v32;
	v50 =	vld.idx.msk [tilespmem:v23+s13+$0x0], $0xffff  }
0x298: {  	v51 =	vld.idx.msk [tilespmem:v14+s13+$0x0], $0xffff  }
0x299: {  	v38 =	vtrunc.f32 v52;
	v23 =	vld.idx.msk [tilespmem:v23+s14+$0x0], $0xffff;
	vm0 =	vgt.s32 v21, $0x0;
	vm1 =	vgt.s32 v31, $0x0  }
0x29a: {  	v38 =	vcvt.f32.s32 v38;
	v53 =	vld.idx.msk [tilespmem:v22+s13+$0x0], $0xffff;
	v21 =	vnsel vm0, $0x0, v21;
	v29 =	vnsel vm1, $0x0, v31  }
0x29b: {  	v31 =	vld.idx.msk [tilespmem:v47+s13+$0x0], $0xffff;
	vm0 =	vle.f32 v48, v13;
	v21 =	vmin.u32 v21, $0x7FF;
	v54 =	vadd.s32 $0x1, v49  }
0x29c: {  	v22 =	vld.idx.msk [tilespmem:v22+s14+$0x0], $0xffff;
	v29 =	vmin.u32 v29, $0x7FF;
	v20 =	vsel vm0, v27, v20;
	v32 =	vsub.f32 v50, v46  }
0x29d: {  	v34 =	vld.idx.msk [tilespmem:v47+s14+$0x0], $0xffff;
	vm0 =	vgt.s32 v38, $0x0;
	vm2 =	vle.f32 v51, v18;
	vm1 =	vlt.s32 v20, $0xFF  }
0x29e: {  	s25 =	simm.s32 $0x28A;
	v16 =	vnsel vm0, $0x0, v38;
	v38 =	vld.idx.msk [tilespmem:v19+s14+$0x0], $0xffff;
	v27 =	vnsel vm1, $0xFF, v20;
	(erf) = vrcp.f32 v32  }
0x29f: {  	v14 =	vsel vm2, v14, v24;
	v56 =	vmin.u32 v16, $0x7FF;
	v16 =	vld [tilespmem:s25+$0xFFFFFFDE];
	v24 =	vadd.s32 $0x1, v27  }
0x2a0: {  	v20 =	vsub.f32 v31, v53;
	v31 =	vld.idx.msk [tilespmem:v21+s12+$0x0], $0xffff  }
0x2a1: {  	v5 =	vsub.f32 v5, v28;
	v55 =	vld.idx.msk [tilespmem:v54+s13+$0x0], $0xffff  }
0x2a2: {  	v33 =	vsub.f32 v11, v46;
	vm0 =	vlt.s32 v14, $0xFF;
	(erf) = vrcp.f32 v20;
	v20 =	vld.idx.msk [tilespmem:v29+s12+$0x0], $0xffff  }
0x2a3: {  	v23 =	vsub.f32 v23, v26;
	v29 =	vnsel vm0, $0xFF, v14;
	v14 =	vsub.f32 v25, v30;
	v28 =	vld.idx.msk [tilespmem:v27+s13+$0x0], $0xffff  }
0x2a4: {  	v12 =	vsub.f32 v12, v53;
	v34 =	vsub.f32 v34, v22;
	v57 =	vld.idx.msk [tilespmem:v24+s13+$0x0], $0xffff  }
0x2a5: {  	v11 =	vpop (erf);
	v23 =	vmul.f32 v23, v33;
	v21 =	vld [tilespmem:s25+$0xFFFFFFA6];
	v25 =	vadd.s32 $0x1, v29;
	v60 =	vmul.f32 $2.048000000e+03, v16  }
0x2a6: {  	v59 =	vpop (erf);
	v12 =	vmul.f32 v34, v12;
	v35 =	vld.idx.msk [tilespmem:v56+s12+$0x0], $0xffff;
	v58 =	vadd.s32 $0x1, v31;
	vm0 =	vle.f32 v55, v17  }
0x2a7: {  	v5 =	vmul.f32 v14, v5;
	v24 =	vld.idx.msk [tilespmem:v24+s14+$0x0], $0xffff;
	v43 =	vtrunc.f32 v60;
	v62 =	vsel vm0, v54, v49;
	v14 =	vpop (erf)  }
0x2a8: {  	v36 =	vcvt.f32.s32 v43;
	v61 =	vld.idx.msk [tilespmem:v29+s13+$0x0], $0xffff;
	vm0 =	vlt.s32 v62, $0xFF;
	v14 =	vmul.f32 v23, v14  }
0x2a9: {  	v5 =	vmul.f32 v5, v59;
	v29 =	vld.idx.msk [tilespmem:v29+s14+$0x0], $0xffff;
	v33 =	vnsel vm0, $0xFF, v62;
	v37 =	vsub.f32 v57, v28  }
0x2aa: {  	v63 =	vld.idx.msk [tilespmem:v25+s13+$0x0], $0xffff;
	v23 =	vmul.f32 $2.048000000e+03, v21;
	v44 =	vadd.s32 $0x1, v33;
	v14 =	vadd.f32 v14, v26  }
0x2ab: {  	s24 =	simm.s32 $0x1E1A;
	v5 =	vadd.f32 v5, v30;
	v26 =	vpop (erf);
	v45 =	vld.idx.msk [tilespmem:v58+s13+$0x0], $0xffff;
	(erf) = vrcp.f32 v37  }
0x2ac: {  	vm0 =	vgt.s32 v36, $0x0;
	v23 =	vtrunc.f32 v23;
	v12 =	vmul.f32 v12, v26;
	v26 =	vld.idx.msk [tilespmem:v27+s14+$0x0], $0xffff;
	[tilespmem:s24+$0xFFFFFFDE] =	vst v14  }
0x2ad: {  	v30 =	vadd.s32 $0x1, v35;
	v23 =	vcvt.f32.s32 v23;
	v27 =	vnsel vm0, $0x0, v36;
	v14 =	vld [tilespmem:s23+$0xFFFFFFEE]  }
0x2ae: {  	v12 =	vadd.f32 v12, v22;
	v22 =	vmin.u32 v27, $0x7FF;
	v27 =	vld.idx.msk [tilespmem:v33+s13+$0x0], $0xffff  }
0x2af: {  	v47 =	vadd.s32 $0x1, v20;
	vm0 =	vgt.s32 v23, $0x0;
	v46 =	vld.idx.msk [tilespmem:v44+s13+$0x0], $0xffff  }
0x2b0: {  	v25 =	vld.idx.msk [tilespmem:v25+s14+$0x0], $0xffff;
	v13 =	vsub.f32 v13, v28;
	v34 =	vsub.f32 v63, v61;
	v23 =	vnsel vm0, $0x0, v23;
	[tilespmem:s24+$0xFFFFFFA6] =	vst v12  }
0x2b1: {  	v23 =	vmin.u32 v23, $0x7FF;
	vm0 =	vle.f32 v45, v8;
	v12 =	vld [tilespmem:s23+$0xFFFFFFB6];
	v24 =	vsub.f32 v24, v26  }
0x2b2: {  	v18 =	vsub.f32 v18, v61;
	v56 =	vld.idx.msk [tilespmem:v30+s13+$0x0], $0xffff;
	v31 =	vsel vm0, v58, v31;
	v28 =	vmul.f32 $2.048000000e+03, v14  }
0x2b3: {  	(erf) = vrcp.f32 v34;
	vm0 =	vlt.s32 v31, $0xFF;
	v22 =	vld.idx.msk [tilespmem:v22+s12+$0x0], $0xffff;
	v13 =	vmul.f32 v24, v13  }
0x2b4: {  	v33 =	vld.idx.msk [tilespmem:v33+s14+$0x0], $0xffff;
	v31 =	vnsel vm0, $0xFF, v31;
	v58 =	vpop (erf);
	v24 =	vtrunc.f32 v28;
	v28 =	vsub.f32 v46, v27  }
0x2b5: {  	v25 =	vsub.f32 v25, v29;
	v59 =	vld.idx.msk [tilespmem:v44+s14+$0x0], $0xffff;
	v13 =	vmul.f32 v13, v58;
	v24 =	vcvt.f32.s32 v24  }
0x2b6: {  	[tilespmem:s19+$0xFFFFFFC6] =	vst v5;
	v57 =	vld.idx.msk [tilespmem:v23+s12+$0x0], $0xffff;
	v23 =	vmul.f32 $2.048000000e+03, v12;
	(erf) = vrcp.f32 v28;
	v28 =	vadd.s32 $0x1, v31  }
0x2b7: {  	v5 =	vld [tilespmem:s26+$0xFFFFFFC8];
	v18 =	vmul.f32 v25, v18;
	v13 =	vadd.f32 v13, v26;
	vm0 =	vgt.s32 v24, $0x0  }
0x2b8: {  	v26 =	vld.idx.msk [tilespmem:v47+s13+$0x0], $0xffff;
	v23 =	vtrunc.f32 v23;
	v60 =	vadd.s32 $0x1, v22;
	v19 =	vnsel vm0, $0x0, v24  }
0x2b9: {  	v23 =	vcvt.f32.s32 v23;
	v24 =	vld.idx.msk [tilespmem:v31+s13+$0x0], $0xffff;
	vm0 =	vle.f32 v56, v10;
	[tilespmem:s21+$0xFFFFFFEE] =	vst v13;
	v61 =	vmin.u32 v19, $0x7FF  }
0x2ba: {  	v17 =	vsub.f32 v17, v27;
	v36 =	vsub.f32 v59, v33;
	v19 =	vld [tilespmem:s22+$0xFFFFFFFE];
	v13 =	vsel vm0, v30, v35  }
0x2bb: {  	v25 =	vadd.s32 $0x1, v57;
	vm1 =	vgt.s32 v23, $0x0;
	vm0 =	vlt.s32 v13, $0xFF;
	v63 =	vld.idx.msk [tilespmem:v28+s13+$0x0], $0xffff  }
0x2bc: {  	v62 =	vpop (erf);
	v30 =	vmul.f32 $2.048000000e+03, v5;
	v23 =	vnsel vm1, $0x0, v23;
	v13 =	vnsel vm0, $0xFF, v13;
	v28 =	vld.idx.msk [tilespmem:v28+s14+$0x0], $0xffff  }
0x2bd: {  	v18 =	vmul.f32 v18, v62;
	v27 =	vld.idx.msk [tilespmem:v60+s13+$0x0], $0xffff;
	v48 =	vmin.u32 v23, $0x7FF  }
0x2be: {  	v17 =	vmul.f32 v36, v17;
	v23 =	vtrunc.f32 v30;
	v49 =	vadd.s32 $0x1, v13;
	v30 =	vld.idx.msk [tilespmem:v61+s12+$0x0], $0xffff  }
0x2bf: {  	v18 =	vadd.f32 v18, v29;
	v51 =	vcvt.f32.s32 v23;
	v23 =	vld.idx.msk [tilespmem:v31+s14+$0x0], $0xffff;
	v29 =	vmul.f32 $2.048000000e+03, v19;
	v50 =	vpop (erf)  }
0x2c0: {  	v31 =	vld.idx.msk [tilespmem:v25+s13+$0x0], $0xffff;
	v17 =	vmul.f32 v17, v50  }
0x2c1: {  	[tilespmem:s21+$0xFFFFFFB6] =	vst v18;
	vm0 =	vgt.s32 v51, $0x0;
	v18 =	vtrunc.f32 v29;
	v41 =	vld.idx.msk [tilespmem:v13+s14+$0x0], $0xffff  }
0x2c2: {  	vm1 =	vle.f32 v27, v16;
	v32 =	vld.idx.msk [tilespmem:v48+s12+$0x0], $0xffff;
	v29 =	vcvt.f32.s32 v18;
	v27 =	vadd.f32 v17, v33  }
0x2c3: {  	v18 =	vnsel vm0, $0x0, v51;
	v52 =	vld.idx.msk [tilespmem:v49+s13+$0x0], $0xffff;
	v22 =	vsel vm1, v60, v22;
	v53 =	vadd.s32 $0x1, v30  }
0x2c4: {  	v36 =	vld.idx.msk [tilespmem:v49+s14+$0x0], $0xffff;
	vm0 =	vlt.s32 v22, $0xFF;
	[tilespmem:s20+$0xFFFFFFFE] =	vst v27;
	v27 =	vmin.u32 v18, $0x7FF  }
0x2c5: {  	v17 =	vld [tilespmem:s22+$0xFFFFFFC6];
	v39 =	vnsel vm0, $0xFF, v22;
	vm0 =	vgt.s32 v29, $0x0  }
0x2c6: {  	v18 =	vld [tilespmem:s29+$0x0];
	v22 =	vnsel vm0, $0x0, v29  }
0x2c7: {  	v29 =	vld.idx.msk [tilespmem:v13+s13+$0x0], $0xffff;
	vm0 =	vle.f32 v31, v21;
	v31 =	vmin.u32 v22, $0x7FF  }
0x2c8: {  	v25 =	vsel vm0, v25, v57;
	v13 =	vadd.s32 $0x1, v32;
	v57 =	vld.idx.msk [tilespmem:v53+s13+$0x0], $0xffff  }
0x2c9: {  	v54 =	vadd.s32 $0x1, v39;
	v22 =	vld.idx.msk [tilespmem:v27+s12+$0x0], $0xffff  }
0x2ca: {  	vm0 =	vlt.s32 v25, $0xFF;
	v55 =	vld.idx.msk [tilespmem:v39+s13+$0x0], $0xffff  }
0x2cb: {  	vm1 =	vle.f32 v26, v15;
	v25 =	vnsel vm0, $0xFF, v25;
	v62 =	vld.idx.msk [tilespmem:v39+s14+$0x0], $0xffff;
	v26 =	vmul.f32 $2.048000000e+03, v18  }
0x2cc: {  	v35 =	vsub.f32 v63, v24;
	v20 =	vsel vm1, v47, v20;
	v56 =	vadd.s32 $0x1, v25;
	v31 =	vld.idx.msk [tilespmem:v31+s12+$0x0], $0xffff  }
0x2cd: {  	v59 =	vmul.f32 $2.048000000e+03, v17;
	vm0 =	vlt.s32 v20, $0xFF;
	v46 =	vld.idx.msk [tilespmem:v13+s13+$0x0], $0xffff;
	v27 =	vtrunc.f32 v26  }
0x2ce: {  	v26 =	vnsel vm0, $0xFF, v20;
	v20 =	vld.idx.msk [tilespmem:v54+s13+$0x0], $0xffff;
	v58 =	vcvt.f32.s32 v27  }
0x2cf: {  	(erf) = vrcp.f32 v35;
	v45 =	vtrunc.f32 v59;
	v33 =	vsub.f32 v52, v29;
	v34 =	vld.idx.msk [tilespmem:v54+s14+$0x0], $0xffff  }
0x2d0: {  	v60 =	vcvt.f32.s32 v45;
	v27 =	vadd.s32 $0x1, v26;
	v47 =	vld.idx.msk [tilespmem:v25+s13+$0x0], $0xffff;
	vm0 =	vgt.s32 v58, $0x0  }
0x2d1: {  	(erf) = vrcp.f32 v33;
	v48 =	vld.idx.msk [tilespmem:v56+s13+$0x0], $0xffff;
	v44 =	vnsel vm0, $0x0, v58;
	vm0 =	vle.f32 v57, v14  }
0x2d2: {  	v45 =	vld.idx.msk [tilespmem:v25+s14+$0x0], $0xffff;
	v61 =	vadd.s32 $0x1, v31;
	vm1 =	vle.f32 v46, v12;
	v44 =	vmin.u32 v44, $0x7FF  }
0x2d3: {  	s28 =	simm.s32 $0x2FA;
	v37 =	vld.idx.msk [tilespmem:v56+s14+$0x0], $0xffff;
	v30 =	vsel vm0, v53, v30;
	vm0 =	vgt.s32 v60, $0x0;
	v20 =	vsub.f32 v20, v55  }
0x2d4: {  	v32 =	vsel vm1, v13, v32;
	v13 =	vld [tilespmem:s28+$0xFFFFFFDE];
	v35 =	vnsel vm0, $0x0, v60;
	vm0 =	vlt.s32 v30, $0xFF  }
0x2d5: {  	v38 =	vsub.f32 v38, v7;
	v25 =	vld.idx.msk [tilespmem:v27+s13+$0x0], $0xffff;
	(erf) = vrcp.f32 v20;
	v30 =	vnsel vm0, $0xFF, v30  }
0x2d6: {  	v8 =	vsub.f32 v8, v24;
	v27 =	vld.idx.msk [tilespmem:v27+s14+$0x0], $0xffff;
	v20 =	vsub.f32 v48, v47;
	v35 =	vmin.u32 v35, $0x7FF  }
0x2d7: {  	v28 =	vsub.f32 v28, v23;
	v10 =	vsub.f32 v10, v29;
	v63 =	vadd.s32 $0x1, v30;
	v50 =	vld.idx.msk [tilespmem:v61+s13+$0x0], $0xffff  }
0x2d8: {  	v29 =	vsub.f32 v36, v41;
	vm0 =	vlt.s32 v32, $0xFF;
	(erf) = vrcp.f32 v20;
	v20 =	vld [tilespmem:s28+$0xFFFFFFA6]  }
0x2d9: {  	v6 =	vsub.f32 v6, v9;
	v8 =	vmul.f32 v28, v8;
	v9 =	vnsel vm0, $0xFF, v32;
	v40 =	vld.idx.msk [tilespmem:v44+s12+$0x0], $0xffff  }
0x2da: {  	v10 =	vmul.f32 v29, v10;
	v16 =	vsub.f32 v16, v55;
	v29 =	vsub.f32 v34, v62;
	v36 =	vld.idx.msk [tilespmem:v30+s13+$0x0], $0xffff  }
0x2db: {  	v6 =	vmul.f32 v38, v6;
	v38 =	vpop (erf);
	v21 =	vsub.f32 v21, v47;
	v37 =	vsub.f32 v37, v45;
	v35 =	vld.idx.msk [tilespmem:v35+s12+$0x0], $0xffff  }
0x2dc: {  	v8 =	vmul.f32 v8, v38;
	v16 =	vmul.f32 v29, v16;
	v32 =	vadd.s32 $0x1, v9;
	v51 =	vld.idx.msk [tilespmem:v63+s13+$0x0], $0xffff  }
0x2dd: {  	v52 =	vpop (erf);
	v21 =	vmul.f32 v37, v21;
	v53 =	vmul.f32 $2.048000000e+03, v13;
	v30 =	vld.idx.msk [tilespmem:v30+s14+$0x0], $0xffff;
	vm0 =	vle.f32 v50, v19  }
0x2de: {  	v10 =	vmul.f32 v10, v52;
	v29 =	vld.idx.msk [tilespmem:v9+s13+$0x0], $0xffff;
	v42 =	vadd.s32 $0x1, v40;
	v31 =	vsel vm0, v61, v31;
	v55 =	vpop (erf)  }
0x2df: {  	v47 =	vtrunc.f32 v53;
	v9 =	vld.idx.msk [tilespmem:v9+s14+$0x0], $0xffff;
	vm0 =	vlt.s32 v31, $0xFF;
	v16 =	vmul.f32 v16, v55  }
0x2e0: {  	v57 =	vcvt.f32.s32 v47;
	v39 =	vld.idx.msk [tilespmem:v63+s14+$0x0], $0xffff;
	v54 =	vmul.f32 $2.048000000e+03, v20;
	v31 =	vnsel vm0, $0xFF, v31  }
0x2e1: {  	v56 =	vld.idx.msk [tilespmem:v32+s13+$0x0], $0xffff;
	v58 =	vpop (erf);
	v34 =	vsub.f32 v51, v36;
	v59 =	vadd.s32 $0x1, v31;
	v16 =	vadd.f32 v16, v62  }
0x2e2: {  	s26 =	simm.s32 $0x1E8A;
	v32 =	vld.idx.msk [tilespmem:v32+s14+$0x0], $0xffff;
	v37 =	vtrunc.f32 v54;
	vm0 =	vgt.s32 v57, $0x0;
	v21 =	vmul.f32 v21, v58  }
0x2e3: {  	v61 =	vcvt.f32.s32 v37;
	v62 =	vnsel vm0, $0x0, v57;
	v60 =	vld.idx.msk [tilespmem:v42+s13+$0x0], $0xffff;
	(erf) = vrcp.f32 v34;
	[tilespmem:s26+$0xFFFFFFDE] =	vst v16  }
0x2e4: {  	v50 =	vmul.f32 v6, v11;
	v63 =	vmin.u32 v62, $0x7FF;
	v21 =	vadd.f32 v21, v45;
	v16 =	vld [tilespmem:s25+$0xFFFFFFEE]  }
0x2e5: {  	v10 =	vadd.f32 v10, v41;
	v37 =	vadd.s32 $0x1, v35;
	vm0 =	vgt.s32 v61, $0x0;
	v49 =	vld.idx.msk [tilespmem:v31+s13+$0x0], $0xffff  }
0x2e6: {  	v28 =	vadd.f32 v50, v7;
	v6 =	vsub.f32 v56, v29;
	v33 =	vnsel vm0, $0x0, v61;
	[tilespmem:s26+$0xFFFFFFA6] =	vst v21;
	v21 =	vld.idx.msk [tilespmem:v59+s13+$0x0], $0xffff  }
0x2e7: {  	v14 =	vsub.f32 v14, v36;
	v52 =	vsub.f32 v39, v30;
	v33 =	vmin.u32 v33, $0x7FF;
	v11 =	vld [tilespmem:s25+$0xFFFFFFB6]  }
0x2e8: {  	v12 =	vsub.f32 v12, v29;
	(erf) = vrcp.f32 v6;
	v29 =	vld.idx.msk [tilespmem:v31+s14+$0x0], $0xffff;
	vm0 =	vle.f32 v60, v18  }
0x2e9: {  	[tilespmem:s20+$0xFFFFFFC6] =	vst v10;
	v51 =	vadd.s32 $0x1, v22;
	v31 =	vsub.f32 v32, v9;
	v24 =	vld.idx.msk [tilespmem:v63+s12+$0x0], $0xffff;
	v10 =	vsel vm0, v42, v40  }
0x2ea: {  	v7 =	vmul.f32 v52, v14;
	v54 =	vld.idx.msk [tilespmem:v37+s13+$0x0], $0xffff;
	vm0 =	vlt.s32 v10, $0xFF;
	v53 =	vmul.f32 $2.048000000e+03, v16  }
0x2eb: {  	v59 =	vld.idx.msk [tilespmem:v59+s14+$0x0], $0xffff;
	v12 =	vmul.f32 v31, v12;
	v10 =	vnsel vm0, $0xFF, v10;
	v21 =	vsub.f32 v21, v49  }
0x2ec: {  	v33 =	vld.idx.msk [tilespmem:v33+s12+$0x0], $0xffff;
	v55 =	vadd.s32 $0x1, v10;
	v14 =	vtrunc.f32 v53;
	v56 =	vpop (erf);
	v58 =	vmul.f32 $2.048000000e+03, v11  }
0x2ed: {  	v23 =	vadd.f32 v8, v23;
	v62 =	vld.idx.msk [tilespmem:v26+s13+$0x0], $0xffff;
	v7 =	vmul.f32 v7, v56;
	(erf) = vrcp.f32 v21  }
0x2ee: {  	v6 =	vld [tilespmem:s29+$0xFFFFFFC8];
	v14 =	vcvt.f32.s32 v14;
	v21 =	vadd.s32 $0x1, v24;
	v31 =	vtrunc.f32 v58  }
0x2ef: {  	v57 =	vld.idx.msk [tilespmem:v51+s13+$0x0], $0xffff;
	v19 =	vsub.f32 v19, v49;
	v7 =	vadd.f32 v7, v30  }
0x2f0: {  	v36 =	vsub.f32 v59, v29;
	vm0 =	vgt.s32 v14, $0x0;
	v8 =	vcvt.f32.s32 v31;
	v30 =	vld.idx.msk [tilespmem:v10+s13+$0x0], $0xffff  }
0x2f1: {  	v63 =	vadd.s32 $0x1, v33;
	v14 =	vnsel vm0, $0x0, v14;
	vm0 =	vle.f32 v54, v17;
	v60 =	vld.idx.msk [tilespmem:v55+s13+$0x0], $0xffff;
	v31 =	vpop (erf);
	[tilespmem:s24+$0xFFFFFFEE] =	vst v7  }
0x2f2: {  	v61 =	vmin.u32 v14, $0x7FF;
	vm1 =	vgt.s32 v8, $0x0;
	v7 =	vmul.f32 v12, v31;
	v14 =	vld [tilespmem:s23+$0xFFFFFFFE]  }
0x2f3: {  	v12 =	vsel vm0, v37, v35;
	v31 =	vmul.f32 $2.048000000e+03, v6;
	v8 =	vnsel vm1, $0x0, v8;
	v44 =	vld.idx.msk [tilespmem:v21+s13+$0x0], $0xffff  }
0x2f4: {  	v19 =	vmul.f32 v36, v19;
	v10 =	vld.idx.msk [tilespmem:v10+s14+$0x0], $0xffff;
	vm0 =	vlt.s32 v12, $0xFF;
	v8 =	vmin.u32 v8, $0x7FF  }
0x2f5: {  	v34 =	vld.idx.msk [tilespmem:v55+s14+$0x0], $0xffff;
	v7 =	vadd.f32 v7, v9;
	v12 =	vnsel vm0, $0xFF, v12;
	v9 =	vtrunc.f32 v31  }
0x2f6: {  	v37 =	vld.idx.msk [tilespmem:v26+s14+$0x0], $0xffff;
	vm0 =	vle.f32 v57, v5;
	v26 =	vadd.s32 $0x1, v12;
	v46 =	vcvt.f32.s32 v9;
	v45 =	vpop (erf)  }
0x2f7: {  	v47 =	vld.idx.msk [tilespmem:v63+s13+$0x0], $0xffff;
	v32 =	vsub.f32 v60, v30;
	v9 =	vmul.f32 $2.048000000e+03, v14;
	v19 =	vmul.f32 v19, v45  }
0x2f8: {  	v22 =	vsel vm0, v51, v22;
	v31 =	vld.idx.msk [tilespmem:v61+s12+$0x0], $0xffff;
	vm0 =	vgt.s32 v46, $0x0;
	vm1 =	vle.f32 v44, v13  }
0x2f9: {  	[tilespmem:s24+$0xFFFFFFB6] =	vst v7;
	(erf) = vrcp.f32 v32;
	v48 =	vld.idx.msk [tilespmem:v8+s12+$0x0], $0xffff;
	v7 =	vtrunc.f32 v9;
	v8 =	vadd.f32 v19, v29  }
0x2fa: {  	v19 =	vsel vm1, v21, v24;
	v9 =	vld [tilespmem:s23+$0xFFFFFFC6];
	v21 =	vcvt.f32.s32 v7;
	v7 =	vnsel vm0, $0x0, v46  }
0x2fb: {  	v24 =	vsub.f32 v25, v62;
	v25 =	vld.idx.msk [tilespmem:v12+s13+$0x0], $0xffff;
	vm1 =	vlt.s32 v19, $0xFF;
	[tilespmem:s21+$0xFFFFFFFE] =	vst v8;
	v8 =	vmin.u32 v7, $0x7FF  }
0x2fc: {  	v18 =	vsub.f32 v18, v30;
	v58 =	vsub.f32 v27, v37;
	v49 =	vnsel vm1, $0xFF, v19;
	v7 =	vld [tilespmem:s22+$0x0]  }
0x2fd: {  	v29 =	vld.idx.msk [tilespmem:v26+s13+$0x0], $0xffff;
	v50 =	vadd.s32 $0x1, v31;
	(erf) = vrcp.f32 v24;
	vm1 =	vgt.s32 v21, $0x0  }
0x2fe: {  	v26 =	vld.idx.msk [tilespmem:v26+s14+$0x0], $0xffff;
	v51 =	vadd.s32 $0x1, v49;
	v19 =	vnsel vm1, $0x0, v21;
	vm1 =	vle.f32 v47, v20  }
0x2ff: {  	v21 =	vsub.f32 v34, v10;
	v30 =	vmin.u32 v19, $0x7FF;
	v24 =	vsel vm1, v63, v33;
	v19 =	vld.idx.msk [tilespmem:v12+s14+$0x0], $0xffff  }
0x300: {  	vm0 =	vlt.s32 v22, $0xFF;
	v52 =	vadd.s32 $0x1, v48;
	vm1 =	vlt.s32 v24, $0xFF;
	v12 =	vld.idx.msk [tilespmem:v8+s12+$0x0], $0xffff  }
0x301: {  	v18 =	vmul.f32 v21, v18;
	v54 =	vnsel vm1, $0xFF, v24;
	v24 =	vld.idx.msk [tilespmem:v49+s13+$0x0], $0xffff;
	v55 =	vmul.f32 $2.048000000e+03, v7  }
0x302: {  	v17 =	vsub.f32 v17, v25;
	v21 =	vmul.f32 $2.048000000e+03, v9;
	v8 =	vnsel vm0, $0xFF, v22;
	v56 =	vld.idx.msk [tilespmem:v50+s13+$0x0], $0xffff;
	v53 =	vpop (erf)  }
0x303: {  	v22 =	vadd.s32 $0x1, v54;
	v35 =	vld.idx.msk [tilespmem:v51+s14+$0x0], $0xffff;
	v18 =	vmul.f32 v18, v53;
	v27 =	vtrunc.f32 v55  }
0x304: {  	v25 =	vsub.f32 v29, v25;
	v57 =	vtrunc.f32 v21;
	v21 =	vld.idx.msk [tilespmem:v30+s12+$0x0], $0xffff;
	v27 =	vcvt.f32.s32 v27  }
0x305: {  	v15 =	vsub.f32 v15, v62;
	v30 =	vcvt.f32.s32 v57;
	v59 =	vadd.f32 v18, v10;
	v18 =	vld.idx.msk [tilespmem:v51+s13+$0x0], $0xffff  }
0x306: {  	(erf) = vrcp.f32 v25;
	v60 =	vld.idx.msk [tilespmem:v52+s13+$0x0], $0xffff;
	v10 =	vadd.s32 $0x1, v8;
	vm1 =	vgt.s32 v27, $0x0  }
0x307: {  	v26 =	vsub.f32 v26, v19;
	vm0 =	vgt.s32 v30, $0x0;
	v61 =	vld.idx.msk [tilespmem:v54+s13+$0x0], $0xffff;
	v62 =	vnsel vm1, $0x0, v27  }
0x308: {  	v29 =	vnsel vm0, $0x0, v30;
	v30 =	vld.idx.msk [tilespmem:v22+s13+$0x0], $0xffff;
	vm0 =	vle.f32 v56, v16;
	v42 =	vmin.u32 v62, $0x7FF  }
0x309: {  	v33 =	vld.idx.msk [tilespmem:v22+s14+$0x0], $0xffff;
	v22 =	vmul.f32 v26, v17;
	v31 =	vsel vm0, v50, v31;
	v26 =	vadd.s32 $0x1, v21  }
0x30a: {  	v15 =	vmul.f32 v58, v15;
	v25 =	vld.idx.msk [tilespmem:v54+s14+$0x0], $0xffff;
	vm1 =	vlt.s32 v31, $0xFF;
	v63 =	vsub.f32 v18, v24  }
0x30b: {  	v27 =	vmin.u32 v29, $0x7FF;
	vm0 =	vle.f32 v60, v11;
	v29 =	vpop (erf);
	v18 =	vld.idx.msk [tilespmem:v10+s13+$0x0], $0xffff;
	v31 =	vnsel vm1, $0xFF, v31  }
0x30c: {  	[tilespmem:s19+$0x0] =	vst v23;
	v15 =	vmul.f32 v15, v29;
	v29 =	vld.idx.msk [tilespmem:v49+s14+$0x0], $0xffff;
	v34 =	vsub.f32 v20, v61;
	(erf) = vrcp.f32 v63  }
0x30d: {  	[tilespmem:s18+$0x0] =	vst v28;
	v20 =	vsel vm0, v52, v48;
	v32 =	vadd.s32 $0x1, v31;
	v36 =	vsub.f32 v30, v61;
	v23 =	vld.idx.msk [tilespmem:v42+s12+$0x0], $0xffff  }
0x30e: {  	s30 =	simm.s32 $0x36A;
	s29 =	simm.s32 $0xC;
	v17 =	vadd.s32 $0x1, v12;
	[tilespmem:s20+$0x0] =	vst v59;
	vm0 =	vlt.s32 v20, $0xFF;
	v15 =	vadd.f32 v15, v37;
	v30 =	vld.idx.msk [tilespmem:v26+s13+$0x0], $0xffff  }
.LBB2_4:
0x30f: {  	v28 =	vld [tilespmem:s30+$0xFFFFFFDE];
	v33 =	vsub.f32 v33, v25;
	(erf) = vrcp.f32 v36;
	v36 =	vnsel vm0, $0xFF, v20;
	v37 =	vpop (erf)  }
0x310: {  	v20 =	vld [tilespmem:s30+$0xFFFFFFA6];
	v38 =	vadd.s32 $0x1, v36;
	v22 =	vmul.f32 v22, v37;
	[tilespmem:s18+$0xFFFFFFC8] =	vst v15;
	s18 =	smov.u32 s19;
	s19 =	smov.u32 s20;
	s20 =	smov.u32 s21  }
0x311: {  	s21 =	smov.u32 s24;
	s24 =	smov.u32 s26;
	v15 =	vmul.f32 v33, v34;
	v33 =	vld.idx.msk [tilespmem:v31+s13+$0x0], $0xffff  }
0x312: {  	v39 =	vsub.f32 v13, v24;
	v34 =	vsub.f32 v35, v29;
	v24 =	vld.idx.msk [tilespmem:v32+s13+$0x0], $0xffff  }
0x313: {  	v19 =	vadd.f32 v22, v19;
	v22 =	vadd.s32 $0x1, v23;
	v27 =	vld.idx.msk [tilespmem:v27+s12+$0x0], $0xffff  }
0x314: {  	v34 =	vmul.f32 v34, v39;
	vm0 =	vle.f32 v30, v14;
	v35 =	vmul.f32 $2.048000000e+03, v28;
	v37 =	vld.idx.msk [tilespmem:v36+s13+$0x0], $0xffff;
	v13 =	vmovc v28  }
0x315: {  	v21 =	vsel vm0, v26, v21;
	v28 =	vmul.f32 $2.048000000e+03, v20;
	v30 =	vpop (erf);
	v39 =	vld.idx.msk [tilespmem:v38+s13+$0x0], $0xffff;
	[tilespmem:s20+$0xFFFFFFC6] =	vst v19  }
0x316: {  	s29 =	sadd.s32 $0x2, s29;
	vm0 =	vlt.s32 v21, $0xFF;
	v19 =	vtrunc.f32 v35;
	v26 =	vmul.f32 v34, v30;
	v30 =	vld.idx.msk [tilespmem:v38+s14+$0x0], $0xffff  }
0x317: {  	p0 =	slt.u32 s29, $0x7E;
	v21 =	vnsel vm0, $0xFF, v21;
	v28 =	vtrunc.f32 v28;
	v19 =	vcvt.f32.s32 v19;
	v34 =	vld.idx.msk [tilespmem:v36+s14+$0x0], $0xffff  }
0x318: {  	v24 =	vsub.f32 v24, v33;
	v35 =	vadd.s32 $0x1, v21;
	v26 =	vadd.f32 v26, v29;
	v29 =	vpop (erf);
	v36 =	vld.idx.msk [tilespmem:v22+s13+$0x0], $0xffff  }
0x319: {  	s26 =	sadd.s32 $0x70, s26;
	v28 =	vcvt.f32.s32 v28;
	vm0 =	vgt.s32 v19, $0x0;
	v15 =	vmul.f32 v15, v29;
	v29 =	vld.idx.msk [tilespmem:v31+s14+$0x0], $0xffff  }
0x31a: {  	v19 =	vnsel vm0, $0x0, v19;
	[tilespmem:s26+$0xFFFFFFDE] =	vst v26;
	v26 =	vsub.f32 v11, v37;
	v31 =	vld.idx.msk [tilespmem:v32+s14+$0x0], $0xffff;
	(erf) = vrcp.f32 v24  }
0x31b: {  	vm0 =	vgt.s32 v28, $0x0;
	v19 =	vmin.u32 v19, $0x7FF;
	v11 =	vadd.f32 v15, v25;
	v24 =	vld [tilespmem:s28+$0xFFFFFFEE]  }
0x31c: {  	v15 =	vnsel vm0, $0x0, v28;
	v25 =	vsub.f32 v39, v37;
	v28 =	vadd.s32 $0x1, v27;
	v32 =	vld.idx.msk [tilespmem:v21+s13+$0x0], $0xffff  }
0x31d: {  	v37 =	vmin.u32 v15, $0x7FF;
	v15 =	vsub.f32 v30, v34;
	[tilespmem:s26+$0xFFFFFFA6] =	vst v11;
	v30 =	vld.idx.msk [tilespmem:v35+s13+$0x0], $0xffff  }
0x31e: {  	vm0 =	vle.f32 v36, v7;
	v11 =	vld [tilespmem:s28+$0xFFFFFFB6];
	(erf) = vrcp.f32 v25  }
0x31f: {  	v25 =	vmul.f32 v15, v26;
	v22 =	vsel vm0, v22, v23;
	v15 =	vld [tilespmem:s22+$0xFFFFFFC8];
	s22 =	smov.u32 s23;
	s23 =	smov.u32 s25;
	s25 =	smov.u32 s28  }
0x320: {  	v26 =	vsub.f32 v16, v33;
	v23 =	vsub.f32 v31, v29;
	vm0 =	vlt.s32 v22, $0xFF;
	s28 =	smov.u32 s30;
	v19 =	vld.idx.msk [tilespmem:v19+s12+$0x0], $0xffff;
	v16 =	vmovc v24  }
0x321: {  	v22 =	vnsel vm0, $0xFF, v22;
	v24 =	vmul.f32 $2.048000000e+03, v16;
	v31 =	vld.idx.msk [tilespmem:v28+s13+$0x0], $0xffff  }
0x322: {  	v23 =	vmul.f32 v23, v26;
	v26 =	vadd.s32 $0x1, v22;
	v33 =	vld.idx.msk [tilespmem:v37+s12+$0x0], $0xffff  }
0x323: {  	v30 =	vsub.f32 v30, v32;
	v36 =	vmul.f32 $2.048000000e+03, v11;
	v24 =	vtrunc.f32 v24;
	v37 =	vpop (erf);
	v38 =	vld.idx.msk [tilespmem:v17+s13+$0x0], $0xffff  }
0x324: {  	v24 =	vcvt.f32.s32 v24;
	v23 =	vmul.f32 v23, v37;
	v21 =	vld.idx.msk [tilespmem:v21+s14+$0x0], $0xffff  }
0x325: {  	v36 =	vtrunc.f32 v36;
	v35 =	vld.idx.msk [tilespmem:v35+s14+$0x0], $0xffff;
	(erf) = vrcp.f32 v30  }
0x326: {  	v30 =	vadd.s32 $0x1, v19;
	vm0 =	vgt.s32 v24, $0x0;
	v23 =	vadd.f32 v23, v29;
	v29 =	vld.idx.msk [tilespmem:v22+s13+$0x0], $0xffff  }
0x327: {  	v36 =	vcvt.f32.s32 v36;
	v24 =	vnsel vm0, $0x0, v24;
	v37 =	vpop (erf);
	vm0 =	vle.f32 v31, v9;
	v31 =	vld.idx.msk [tilespmem:v26+s13+$0x0], $0xffff  }
0x328: {  	v39 =	vadd.s32 $0x1, v33;
	v24 =	vmin.u32 v24, $0x7FF;
	v25 =	vmul.f32 v25, v37;
	[tilespmem:s24+$0xFFFFFFEE] =	vst v23;
	v23 =	vld.idx.msk [tilespmem:v8+s13+$0x0], $0xffff  }
0x329: {  	vm1 =	vgt.s32 v36, $0x0;
	v27 =	vsel vm0, v28, v27;
	v28 =	vmul.f32 $2.048000000e+03, v15;
	v37 =	vld [tilespmem:s23+$0xFFFFFFFE]  }
0x32a: {  	v36 =	vnsel vm1, $0x0, v36;
	vm0 =	vlt.s32 v27, $0xFF;
	v25 =	vadd.f32 v25, v34;
	v34 =	vld.idx.msk [tilespmem:v10+s14+$0x0], $0xffff  }
0x32b: {  	v14 =	vsub.f32 v14, v32;
	v36 =	vmin.u32 v36, $0x7FF;
	v40 =	vsub.f32 v35, v21;
	v10 =	vld.idx.msk [tilespmem:v30+s13+$0x0], $0xffff  }
0x32c: {  	[tilespmem:s24+$0xFFFFFFB6] =	vst v25;
	v25 =	vnsel vm0, $0xFF, v27;
	v27 =	vtrunc.f32 v28;
	vm0 =	vle.f32 v38, v6;
	v28 =	vld.idx.msk [tilespmem:v8+s14+$0x0], $0xffff  }
0x32d: {  	v8 =	vmul.f32 v40, v14;
	v38 =	vsub.f32 v31, v29;
	v32 =	vld.idx.msk [tilespmem:v24+s12+$0x0], $0xffff;
	v24 =	vadd.s32 $0x1, v25  }
0x32e: {  	v27 =	vcvt.f32.s32 v27;
	v12 =	vsel vm0, v17, v12;
	v31 =	vmul.f32 $2.048000000e+03, v37;
	v35 =	vpop (erf);
	v22 =	vld.idx.msk [tilespmem:v22+s14+$0x0], $0xffff  }
0x32f: {  	vm0 =	vlt.s32 v12, $0xFF;
	v14 =	vmovc v37;
	v17 =	vmul.f32 v8, v35;
	v26 =	vld.idx.msk [tilespmem:v26+s14+$0x0], $0xffff;
	(erf) = vrcp.f32 v38  }
0x330: {  	vm1 =	vgt.s32 v27, $0x0;
	v8 =	vnsel vm0, $0xFF, v12;
	v12 =	vsub.f32 v18, v23;
	v35 =	vld.idx.msk [tilespmem:v39+s13+$0x0], $0xffff  }
0x331: {  	vm0 =	vle.f32 v10, v13;
	v10 =	vtrunc.f32 v31;
	v37 =	vld.idx.msk [tilespmem:v36+s12+$0x0], $0xffff;
	v17 =	vadd.f32 v17, v21  }
0x332: {  	v18 =	vsel vm0, v30, v19;
	v19 =	vcvt.f32.s32 v10;
	v10 =	vnsel vm1, $0x0, v27;
	v30 =	vld [tilespmem:s23+$0xFFFFFFC6]  }
0x333: {  	vm0 =	vlt.s32 v18, $0xFF;
	v27 =	vld.idx.msk [tilespmem:v24+s13+$0x0], $0xffff;
	[tilespmem:s21+$0xFFFFFFFE] =	vst v17;
	v17 =	vmin.u32 v10, $0x7FF;
	v10 =	vadd.s32 $0x1, v8  }
0x334: {  	v31 =	vnsel vm0, $0xFF, v18;
	v18 =	vadd.s32 $0x1, v32;
	vm0 =	vgt.s32 v19, $0x0;
	v21 =	vld [tilespmem:s22+$0x0]  }
0x335: {  	v7 =	vsub.f32 v7, v29;
	v19 =	vnsel vm0, $0x0, v19;
	v26 =	vsub.f32 v26, v22;
	v36 =	vld.idx.msk [tilespmem:v25+s13+$0x0], $0xffff  }
0x336: {  	vm0 =	vle.f32 v35, v20;
	v29 =	vmin.u32 v19, $0x7FF;
	v35 =	vld.idx.msk [tilespmem:v24+s14+$0x0], $0xffff;
	(erf) = vrcp.f32 v12  }
0x337: {  	v38 =	vadd.s32 $0x1, v31;
	v24 =	vsel vm0, v39, v33;
	v40 =	vmul.f32 v26, v7;
	v19 =	vld.idx.msk [tilespmem:v25+s14+$0x0], $0xffff  }
0x338: {  	v39 =	vadd.s32 $0x1, v37;
	vm0 =	vlt.s32 v24, $0xFF;
	v25 =	vmul.f32 $2.048000000e+03, v30;
	v12 =	vld.idx.msk [tilespmem:v17+s12+$0x0], $0xffff;
	v17 =	vpop (erf)  }
0x339: {  	v26 =	vnsel vm0, $0xFF, v24;
	v24 =	vld.idx.msk [tilespmem:v31+s13+$0x0], $0xffff;
	v33 =	vmul.f32 $2.048000000e+03, v21;
	v17 =	vmul.f32 v40, v17;
	v7 =	vmovc v21  }
0x33a: {  	v40 =	vadd.s32 $0x1, v26;
	v21 =	vtrunc.f32 v25;
	v25 =	vsub.f32 v34, v28;
	v41 =	vld.idx.msk [tilespmem:v18+s13+$0x0], $0xffff  }
0x33b: {  	v34 =	vcvt.f32.s32 v21;
	v21 =	vld.idx.msk [tilespmem:v29+s12+$0x0], $0xffff;
	v29 =	vtrunc.f32 v33;
	v17 =	vadd.f32 v17, v22  }
0x33c: {  	v27 =	vsub.f32 v27, v36;
	v22 =	vsub.f32 v9, v36;
	v9 =	vmovc v30;
	v42 =	vld.idx.msk [tilespmem:v38+s13+$0x0], $0xffff;
	v43 =	vcvt.f32.s32 v29  }
0x33d: {  	v23 =	vsub.f32 v5, v23;
	vm0 =	vgt.s32 v34, $0x0;
	v33 =	vsub.f32 v35, v19;
	v30 =	vld.idx.msk [tilespmem:v39+s13+$0x0], $0xffff;
	[tilespmem:s20+$0x0] =	vst v17  }
0x33e: {  	v5 =	vmovc v6;
	v6 =	vmovc v15;
	v17 =	vnsel vm0, $0x0, v34;
	v36 =	vld.idx.msk [tilespmem:v26+s13+$0x0], $0xffff;
	vm0 =	vgt.s32 v43, $0x0;
	(erf) = vrcp.f32 v27  }
0x33f: {  	v27 =	vmin.u32 v17, $0x7FF;
	v22 =	vmul.f32 v33, v22;
	v15 =	vld.idx.msk [tilespmem:v40+s13+$0x0], $0xffff;
	v17 =	vnsel vm0, $0x0, v43;
	v29 =	vpop (erf)  }
0x340: {  	v23 =	vmul.f32 v25, v23;
	v33 =	vld.idx.msk [tilespmem:v40+s14+$0x0], $0xffff;
	v40 =	vmin.u32 v17, $0x7FF;
	v17 =	vadd.s32 $0x1, v12  }
0x341: {  	vm0 =	vle.f32 v41, v16;
	v25 =	vld.idx.msk [tilespmem:v26+s14+$0x0], $0xffff;
	v26 =	vadd.s32 $0x1, v21  }
.Ltmp1:
0x342: {  	v32 =	vsel vm0, v18, v32;
	v41 =	vsub.f32 v42, v24;
	v42 =	vmul.f32 v23, v29;
	v18 =	vld.idx.msk [tilespmem:v10+s13+$0x0], $0xffff;
	(pc) =	sbr.rel @p0 .LBB2_4-.Ltmp1, $4  }
0x343: {  	vm1 =	vlt.s32 v32, $0xFF;
	vm0 =	vle.f32 v30, v11;
	v29 =	vld.idx.msk [tilespmem:v31+s14+$0x0], $0xffff  }
0x344: {  	v34 =	vsub.f32 v20, v36;
	v31 =	vnsel vm1, $0xFF, v32;
	v35 =	vld.idx.msk [tilespmem:v38+s14+$0x0], $0xffff;
	(erf) = vrcp.f32 v41  }
0x345: {  	v20 =	vsel vm0, v39, v37;
	v36 =	vsub.f32 v15, v36;
	v32 =	vadd.s32 $0x1, v31;
	v23 =	vld.idx.msk [tilespmem:v40+s12+$0x0], $0xffff  }
0x346: {  	s30 =	sadd.s32 $0x70, s30;
	vm0 =	vlt.s32 v20, $0xFF;
	v15 =	vadd.f32 v42, v28;
	v30 =	vld.idx.msk [tilespmem:v26+s13+$0x0], $0xffff  }
0x347: {  	_ =	sdelay $0x3  }
0x348: {  	v37 =	vld.idx.msk [tilespmem:v31+s13+$0x0], $0xffff  }
0x349: {  	v28 =	vld.idx.msk [tilespmem:v32+s13+$0x0], $0xffff;
	_ =	sdelay $0x4  }
0x34a: {  	(erf) = vrcp.f32 v36;
	v28 =	vsub.f32 v28, v37;
	_ =	sdelay $0x1  }
0x34b: {  	v52 =	vld.idx.msk [tilespmem:v31+s14+$0x0], $0xffff;
	(erf) = vrcp.f32 v28  }
0x34c: {  	v53 =	vld.idx.msk [tilespmem:v32+s14+$0x0], $0xffff  }
0x34d: {  	v13 =	vsub.f32 v13, v24;
	v35 =	vsub.f32 v35, v29  }
0x34e: {  	v54 =	vsub.f32 v33, v25  }
0x34f: {  	v13 =	vmul.f32 v35, v13;
	v28 =	vpop (erf)  }
0x350: {  	v24 =	vmul.f32 v54, v34;
	v55 =	vpop (erf)  }
0x351: {  	v32 =	vsub.f32 v53, v52;
	v16 =	vsub.f32 v16, v37;
	v13 =	vmul.f32 v13, v55  }
0x352: {  	v56 =	vpop (erf)  }
0x353: {  	v16 =	vmul.f32 v32, v16;
	v24 =	vmul.f32 v24, v56;
	v13 =	vadd.f32 v13, v29  }
0x354: {  	s29 =	sadd.s32 $0x70, s26;
	v57 =	vpop (erf)  }
0x355: {  	v58 =	vadd.f32 v24, v25;
	[tilespmem:s29+$0xFFFFFFDE] =	vst v13;
	v16 =	vmul.f32 v16, v57  }
0x356: {  	v32 =	vld [tilespmem:s28+$0xFFFFFFEE]  }
0x357: {  	[tilespmem:s29+$0xFFFFFFA6] =	vst v58;
	v59 =	vadd.f32 v16, v52  }
0x358: {  	v29 =	vld [tilespmem:s28+$0xFFFFFFB6]  }
0x359: {  	[tilespmem:s26+$0xFFFFFFEE] =	vst v59  }
0x35a: {  	v31 =	vld [tilespmem:s25+$0xFFFFFFFE]  }
0x35b: {  	v60 =	vmul.f32 $2.048000000e+03, v32;
	_ =	sdelay $0x1  }
0x35c: {  	v61 =	vmul.f32 $2.048000000e+03, v29;
	v13 =	vtrunc.f32 v60  }
0x35d: {  	v13 =	vcvt.f32.s32 v13  }
0x35e: {  	v16 =	vtrunc.f32 v61;
	v62 =	vmul.f32 $2.048000000e+03, v31  }
0x35f: {  	v16 =	vcvt.f32.s32 v16;
	vm1 =	vgt.s32 v13, $0x0  }
0x360: {  	v13 =	vnsel vm1, $0x0, v13;
	v24 =	vtrunc.f32 v62  }
0x361: {  	v63 =	vld.idx.msk [tilespmem:v27+s12+$0x0], $0xffff;
	vm11 =	vgt.s32 v16, $0x0;
	v13 =	vmin.u32 v13, $0x7FF;
	v24 =	vcvt.f32.s32 v24  }
0x362: {  	v16 =	vnsel vm11, $0x0, v16  }
0x363: {  	v16 =	vmin.u32 v16, $0x7FF;
	vm12 =	vgt.s32 v24, $0x0  }
0x364: {  	v45 =	vadd.s32 $0x1, v23;
	v24 =	vnsel vm12, $0x0, v24  }
0x365: {  	v24 =	vmin.u32 v24, $0x7FF  }
0x366: {  	v46 =	vadd.s32 $0x1, v63;
	v13 =	vld.idx.msk [tilespmem:v13+s12+$0x0], $0xffff;
	_ =	sdelay $0x1  }
0x367: {  	v34 =	vnsel vm0, $0xFF, v20;
	v16 =	vld.idx.msk [tilespmem:v16+s12+$0x0], $0xffff  }
0x368: {  	v47 =	vld.idx.msk [tilespmem:v45+s13+$0x0], $0xffff  }
0x369: {  	v20 =	vadd.s32 $0x1, v34;
	v24 =	vld.idx.msk [tilespmem:v24+s12+$0x0], $0xffff  }
0x36a: {  	vm13 =	vle.f32 v30, v14;
	v49 =	vld.idx.msk [tilespmem:v46+s13+$0x0], $0xffff;
	v48 =	vadd.s32 $0x1, v13  }
0x36b: {  	v21 =	vsel vm13, v26, v21  }
0x36c: {  	vm0 =	vlt.s32 v21, $0xFF;
	v37 =	vld.idx.msk [tilespmem:v34+s13+$0x0], $0xffff;
	v50 =	vadd.s32 $0x1, v16  }
0x36d: {  	v38 =	vnsel vm0, $0xFF, v21;
	v34 =	vld.idx.msk [tilespmem:v34+s14+$0x0], $0xffff  }
0x36e: {  	v39 =	vld.idx.msk [tilespmem:v20+s13+$0x0], $0xffff;
	vm14 =	vle.f32 v47, v7;
	v40 =	vadd.s32 $0x1, v24  }
0x36f: {  	vm15 =	vle.f32 v49, v9;
	v52 =	vsel vm14, v45, v23;
	v51 =	vld.idx.msk [tilespmem:v48+s13+$0x0], $0xffff  }
0x370: {  	v41 =	vadd.s32 $0x1, v38;
	v42 =	vld.idx.msk [tilespmem:v20+s14+$0x0], $0xffff;
	v54 =	vsel vm15, v46, v63;
	vm0 =	vlt.s32 v52, $0xFF  }
0x371: {  	vm4 =	vlt.s32 v54, $0xFF;
	v21 =	vnsel vm0, $0xFF, v52;
	v53 =	vld.idx.msk [tilespmem:v50+s13+$0x0], $0xffff  }
0x372: {  	v27 =	vld.idx.msk [tilespmem:v38+s13+$0x0], $0xffff;
	v23 =	vnsel vm4, $0xFF, v54;
	v20 =	vadd.s32 $0x1, v21  }
0x373: {  	v25 =	vadd.s32 $0x1, v23;
	v55 =	vld.idx.msk [tilespmem:v40+s13+$0x0], $0xffff  }
0x374: {  	v30 =	vld.idx.msk [tilespmem:v38+s14+$0x0], $0xffff;
	vm5 =	vle.f32 v51, v32  }
0x375: {  	v43 =	vld.idx.msk [tilespmem:v41+s13+$0x0], $0xffff;
	v35 =	vsel vm5, v48, v13  }
0x376: {  	v56 =	vld.idx.msk [tilespmem:v41+s14+$0x0], $0xffff;
	vm6 =	vle.f32 v53, v29;
	vm7 =	vlt.s32 v35, $0xFF  }
0x377: {  	v59 =	vld.idx.msk [tilespmem:v20+s13+$0x0], $0xffff;
	v58 =	vsel vm6, v50, v16;
	v57 =	vnsel vm7, $0xFF, v35  }
0x378: {  	v62 =	vld.idx.msk [tilespmem:v25+s13+$0x0], $0xffff;
	vm0 =	vlt.s32 v58, $0xFF;
	v60 =	vadd.s32 $0x1, v57;
	vm8 =	vle.f32 v55, v31  }
0x379: {  	v39 =	vsub.f32 v39, v37;
	v13 =	vld.idx.msk [tilespmem:v21+s13+$0x0], $0xffff;
	v33 =	vnsel vm0, $0xFF, v58;
	v61 =	vsel vm8, v40, v24  }
0x37a: {  	v43 =	vsub.f32 v43, v27;
	v16 =	vld.idx.msk [tilespmem:v8+s13+$0x0], $0xffff;
	v44 =	vadd.s32 $0x1, v33;
	vm9 =	vlt.s32 v61, $0xFF  }
0x37b: {  	(erf) = vrcp.f32 v39;
	v24 =	vld.idx.msk [tilespmem:v23+s13+$0x0], $0xffff;
	v35 =	vnsel vm9, $0xFF, v61  }
0x37c: {  	(erf) = vrcp.f32 v43;
	v45 =	vld.idx.msk [tilespmem:v57+s13+$0x0], $0xffff;
	v46 =	vadd.s32 $0x1, v35  }
0x37d: {  	v47 =	vld.idx.msk [tilespmem:v60+s13+$0x0], $0xffff  }
0x37e: {  	v39 =	vld.idx.msk [tilespmem:v33+s13+$0x0], $0xffff  }
0x37f: {  	v63 =	vld.idx.msk [tilespmem:v44+s13+$0x0], $0xffff  }
0x380: {  	v36 =	vsub.f32 v59, v13;
	v48 =	vld.idx.msk [tilespmem:v35+s13+$0x0], $0xffff  }
0x381: {  	v38 =	vsub.f32 v56, v30;
	v18 =	vsub.f32 v18, v16;
	v49 =	vld.idx.msk [tilespmem:v46+s13+$0x0], $0xffff  }
0x382: {  	v54 =	vsub.f32 v14, v27;
	(erf) = vrcp.f32 v36;
	v52 =	vsub.f32 v62, v24  }
0x383: {  	(erf) = vrcp.f32 v18;
	v53 =	vsub.f32 v47, v45  }
0x384: {  	v11 =	vsub.f32 v11, v37;
	v14 =	vmul.f32 v38, v54;
	v59 =	vpop (erf);
	(erf) = vrcp.f32 v52  }
0x385: {  	v58 =	vsub.f32 v42, v34;
	v56 =	vld.idx.msk [tilespmem:v57+s14+$0x0], $0xffff;
	v61 =	vpop (erf);
	v55 =	vsub.f32 v63, v39;
	(erf) = vrcp.f32 v53  }
0x386: {  	v60 =	vld.idx.msk [tilespmem:v60+s14+$0x0], $0xffff;
	v14 =	vmul.f32 v14, v61;
	v57 =	vsub.f32 v49, v48  }
0x387: {  	v11 =	vmul.f32 v58, v11;
	(erf) = vrcp.f32 v55  }
0x388: {  	v14 =	vadd.f32 v14, v30;
	v35 =	vld.idx.msk [tilespmem:v35+s14+$0x0], $0xffff;
	(erf) = vrcp.f32 v57  }
0x389: {  	v26 =	vmul.f32 v11, v59;
	v62 =	vld.idx.msk [tilespmem:v46+s14+$0x0], $0xffff;
	_ =	sdelay $0x1  }
0x38a: {  	v40 =	vld.idx.msk [tilespmem:v33+s14+$0x0], $0xffff;
	v32 =	vsub.f32 v32, v45;
	v41 =	vsub.f32 v60, v56;
	v11 =	vpop (erf)  }
0x38b: {  	v34 =	vadd.f32 v26, v34;
	v63 =	vld.idx.msk [tilespmem:v44+s14+$0x0], $0xffff;
	[tilespmem:s24+$0xFFFFFFFE] =	vst v14;
	v14 =	vpop (erf)  }
0x38c: {  	v28 =	vmul.f32 v22, v28;
	v32 =	vmul.f32 v41, v32;
	v26 =	vpop (erf)  }
0x38d: {  	[tilespmem:s26+$0xFFFFFFB6] =	vst v34;
	v22 =	vld [tilespmem:s23+$0x0];
	v31 =	vsub.f32 v31, v48;
	v18 =	vsub.f32 v62, v35;
	v42 =	vpop (erf)  }
0x38e: {  	v19 =	vadd.f32 v28, v19;
	v28 =	vld [tilespmem:s25+$0xFFFFFFC6];
	v32 =	vmul.f32 v32, v42  }
0x38f: {  	v29 =	vsub.f32 v29, v39;
	v18 =	vmul.f32 v18, v31;
	v43 =	vpop (erf)  }
0x390: {  	v27 =	vsub.f32 v63, v40;
	v46 =	vadd.f32 v32, v56;
	v44 =	vpop (erf)  }
0x391: {  	v47 =	vmul.f32 v18, v44  }
0x392: {  	v48 =	vmul.f32 $2.048000000e+03, v22;
	v45 =	vmul.f32 v27, v29;
	[tilespmem:s29+$0xFFFFFFEE] =	vst v46  }
0x393: {  	v51 =	vmul.f32 $2.048000000e+03, v28;
	v34 =	vld [tilespmem:s28+$0xFFFFFFFE];
	v49 =	vadd.f32 v47, v35  }
0x394: {  	[tilespmem:s21+$0xFFFFFFC6] =	vst v19;
	v50 =	vtrunc.f32 v48;
	v19 =	vmul.f32 v45, v43  }
0x395: {  	v31 =	vtrunc.f32 v51;
	v29 =	vcvt.f32.s32 v50;
	v18 =	vld [tilespmem:s22+$0xFFFFFFC8];
	[tilespmem:s26+$0xFFFFFFFE] =	vst v49  }
0x396: {  	v53 =	vcvt.f32.s32 v31;
	v30 =	vadd.f32 v19, v40;
	v19 =	vld [tilespmem:s25+$0x0]  }
0x397: {  	vm10 =	vgt.s32 v29, $0x0  }
0x398: {  	vm11 =	vgt.s32 v53, $0x0;
	v29 =	vnsel vm10, $0x0, v29;
	[tilespmem:s29+$0xFFFFFFB6] =	vst v30;
	v54 =	vmul.f32 $2.048000000e+03, v34  }
0x399: {  	v29 =	vmin.u32 v29, $0x7FF;
	v30 =	vnsel vm11, $0x0, v53;
	v36 =	vld [tilespmem:s28+$0xFFFFFFC6]  }
0x39a: {  	v30 =	vmin.u32 v30, $0x7FF;
	v52 =	vmul.f32 $2.048000000e+03, v18;
	v31 =	vtrunc.f32 v54  }
0x39b: {  	v31 =	vcvt.f32.s32 v31;
	v55 =	vmul.f32 $2.048000000e+03, v19  }
0x39c: {  	v27 =	vtrunc.f32 v52  }
0x39d: {  	v27 =	vcvt.f32.s32 v27;
	vm13 =	vgt.s32 v31, $0x0;
	v32 =	vtrunc.f32 v55  }
0x39e: {  	v57 =	vld.idx.msk [tilespmem:v29+s12+$0x0], $0xffff;
	v56 =	vmul.f32 $2.048000000e+03, v36;
	v31 =	vnsel vm13, $0x0, v31;
	v58 =	vcvt.f32.s32 v32  }
0x39f: {  	v60 =	vld.idx.msk [tilespmem:v30+s12+$0x0], $0xffff;
	vm12 =	vgt.s32 v27, $0x0;
	v31 =	vmin.u32 v31, $0x7FF  }
0x3a0: {  	v59 =	vtrunc.f32 v56;
	v27 =	vnsel vm12, $0x0, v27;
	vm14 =	vgt.s32 v58, $0x0  }
0x3a1: {  	v27 =	vmin.u32 v27, $0x7FF;
	v32 =	vcvt.f32.s32 v59;
	v29 =	vnsel vm14, $0x0, v58  }
0x3a2: {  	v29 =	vmin.u32 v29, $0x7FF  }
0x3a3: {  	v61 =	vadd.s32 $0x1, v57;
	vm15 =	vgt.s32 v32, $0x0  }
0x3a4: {  	v63 =	vadd.s32 $0x1, v60;
	v32 =	vnsel vm15, $0x0, v32;
	v38 =	vld.idx.msk [tilespmem:v31+s12+$0x0], $0xffff  }
0x3a5: {  	v62 =	vld.idx.msk [tilespmem:v17+s13+$0x0], $0xffff;
	v32 =	vmin.u32 v32, $0x7FF  }
0x3a6: {  	v27 =	vld.idx.msk [tilespmem:v27+s12+$0x0], $0xffff  }
0x3a7: {  	v40 =	vld.idx.msk [tilespmem:v29+s12+$0x0], $0xffff  }
0x3a8: {  	v49 =	vld.idx.msk [tilespmem:v61+s13+$0x0], $0xffff  }
0x3a9: {  	v51 =	vld.idx.msk [tilespmem:v63+s13+$0x0], $0xffff;
	v50 =	vadd.s32 $0x1, v38  }
0x3aa: {  	v42 =	vld.idx.msk [tilespmem:v32+s12+$0x0], $0xffff  }
0x3ab: {  	v48 =	vadd.s32 $0x1, v27  }
0x3ac: {  	v52 =	vadd.s32 $0x1, v40  }
0x3ad: {  	vm4 =	vle.f32 v62, v6;
	vm5 =	vle.f32 v49, v22  }
0x3ae: {  	v12 =	vsel vm4, v17, v12;
	v55 =	vsel vm5, v61, v57;
	v56 =	vld.idx.msk [tilespmem:v50+s13+$0x0], $0xffff  }
0x3af: {  	vm6 =	vlt.s32 v55, $0xFF;
	vm7 =	vle.f32 v51, v28;
	v54 =	vadd.s32 $0x1, v42  }
0x3b0: {  	vm0 =	vlt.s32 v12, $0xFF;
	v30 =	vnsel vm6, $0xFF, v55;
	v57 =	vsel vm7, v63, v60;
	v53 =	vld.idx.msk [tilespmem:v48+s13+$0x0], $0xffff  }
0x3b1: {  	v31 =	vadd.s32 $0x1, v30;
	v29 =	vnsel vm0, $0xFF, v12;
	vm8 =	vlt.s32 v57, $0xFF;
	v58 =	vld.idx.msk [tilespmem:v52+s13+$0x0], $0xffff  }
0x3b2: {  	v23 =	vld.idx.msk [tilespmem:v23+s14+$0x0], $0xffff;
	v33 =	vadd.s32 $0x1, v29;
	v39 =	vnsel vm8, $0xFF, v57  }
0x3b3: {  	v41 =	vld.idx.msk [tilespmem:v25+s14+$0x0], $0xffff;
	v46 =	vadd.s32 $0x1, v39;
	vm11 =	vle.f32 v56, v34  }
0x3b4: {  	v60 =	vld.idx.msk [tilespmem:v54+s13+$0x0], $0xffff;
	v62 =	vsel vm11, v50, v38  }
0x3b5: {  	v25 =	vld.idx.msk [tilespmem:v30+s13+$0x0], $0xffff;
	vm9 =	vle.f32 v53, v18;
	vm12 =	vlt.s32 v62, $0xFF  }
0x3b6: {  	v63 =	vld.idx.msk [tilespmem:v31+s13+$0x0], $0xffff;
	v59 =	vsel vm9, v48, v27;
	v48 =	vnsel vm12, $0xFF, v62;
	vm13 =	vle.f32 v58, v19  }
0x3b7: {  	v61 =	vld.idx.msk [tilespmem:v33+s13+$0x0], $0xffff;
	vm10 =	vlt.s32 v59, $0xFF;
	v56 =	vsel vm13, v52, v40;
	v40 =	vadd.s32 $0x1, v48  }
0x3b8: {  	v57 =	vld.idx.msk [tilespmem:v46+s13+$0x0], $0xffff;
	v32 =	vnsel vm10, $0xFF, v59  }
0x3b9: {  	v27 =	vld.idx.msk [tilespmem:v29+s13+$0x0], $0xffff;
	v35 =	vadd.s32 $0x1, v32;
	vm15 =	vle.f32 v60, v36;
	vm14 =	vlt.s32 v56, $0xFF  }
0x3ba: {  	v58 =	vsel vm15, v54, v42;
	v42 =	vld.idx.msk [tilespmem:v39+s13+$0x0], $0xffff;
	v37 =	vnsel vm14, $0xFF, v56  }
0x3bb: {  	vm4 =	vlt.s32 v58, $0xFF;
	v50 =	vld.idx.msk [tilespmem:v48+s13+$0x0], $0xffff;
	v38 =	vadd.s32 $0x1, v37  }
0x3bc: {  	v60 =	vnsel vm4, $0xFF, v58;
	v52 =	vld.idx.msk [tilespmem:v40+s13+$0x0], $0xffff  }
0x3bd: {  	v12 =	vld.idx.msk [tilespmem:v32+s13+$0x0], $0xffff;
	v51 =	vadd.s32 $0x1, v60  }
0x3be: {  	v43 =	vsub.f32 v63, v25;
	v59 =	vld.idx.msk [tilespmem:v35+s13+$0x0], $0xffff  }
0x3bf: {  	v47 =	vsub.f32 v61, v27;
	v17 =	vld.idx.msk [tilespmem:v37+s13+$0x0], $0xffff  }
0x3c0: {  	(erf) = vrcp.f32 v43;
	v61 =	vsub.f32 v57, v42;
	v53 =	vld.idx.msk [tilespmem:v38+s13+$0x0], $0xffff  }
0x3c1: {  	(erf) = vrcp.f32 v47;
	v44 =	vld.idx.msk [tilespmem:v60+s13+$0x0], $0xffff;
	v62 =	vsub.f32 v52, v50  }
0x3c2: {  	(erf) = vrcp.f32 v61;
	v54 =	vld.idx.msk [tilespmem:v51+s13+$0x0], $0xffff  }
0x3c3: {  	v40 =	vld.idx.msk [tilespmem:v40+s14+$0x0], $0xffff;
	(erf) = vrcp.f32 v62  }
0x3c4: {  	v52 =	vld.idx.msk [tilespmem:v48+s14+$0x0], $0xffff  }
0x3c5: {  	v63 =	vld.idx.msk [tilespmem:v46+s14+$0x0], $0xffff;
	v53 =	vsub.f32 v53, v17  }
0x3c6: {  	v39 =	vld.idx.msk [tilespmem:v39+s14+$0x0], $0xffff;
	v45 =	vsub.f32 v59, v12  }
0x3c7: {  	v56 =	vsub.f32 v9, v24;
	v55 =	vsub.f32 v54, v44;
	(erf) = vrcp.f32 v53  }
0x3c8: {  	v57 =	vsub.f32 v41, v23;
	v34 =	vsub.f32 v34, v50;
	(erf) = vrcp.f32 v45  }
0x3c9: {  	v47 =	vpop (erf);
	v59 =	vld.idx.msk [tilespmem:v60+s14+$0x0], $0xffff;
	v60 =	vsub.f32 v40, v52;
	(erf) = vrcp.f32 v55  }
0x3ca: {  	v9 =	vmul.f32 v57, v56;
	v58 =	vld.idx.msk [tilespmem:v51+s14+$0x0], $0xffff;
	v40 =	vpop (erf)  }
0x3cb: {  	v62 =	vsub.f32 v63, v39;
	v63 =	vpop (erf);
	v24 =	vmul.f32 v60, v34  }
0x3cc: {  	v9 =	vmul.f32 v9, v26;
	v34 =	vpop (erf)  }
0x3cd: {  	v61 =	vsub.f32 v28, v42;
	v24 =	vmul.f32 v24, v34  }
0x3ce: {  	v23 =	vadd.f32 v9, v23  }
0x3cf: {  	v43 =	vsub.f32 v36, v44;
	v44 =	vsub.f32 v58, v59;
	v26 =	vmul.f32 v62, v61  }
0x3d0: {  	v9 =	vpop (erf)  }
0x3d1: {  	[tilespmem:s24+$0xFFFFFFC6] =	vst v23;
	v28 =	vmul.f32 v44, v43;
	v26 =	vmul.f32 v26, v63;
	v46 =	vadd.f32 v24, v52;
	v24 =	vpop (erf)  }
0x3d2: {  	v23 =	vld [tilespmem:s23+$0xFFFFFFC8];
	v48 =	vpop (erf)  }
0x3d3: {  	v26 =	vadd.f32 v26, v39;
	[tilespmem:s29+$0xFFFFFFFE] =	vst v46;
	v28 =	vmul.f32 v28, v48  }
0x3d4: {  	v34 =	vld [tilespmem:s28+$0x0]  }
0x3d5: {  	[tilespmem:s26+$0xFFFFFFC6] =	vst v26;
	v49 =	vadd.f32 v28, v59  }
0x3d6: {  	v28 =	vld [tilespmem:s25+$0xFFFFFFC8]  }
0x3d7: {  	v50 =	vmul.f32 $2.048000000e+03, v23;
	[tilespmem:s29+$0xFFFFFFC6] =	vst v49  }
0x3d8: {  	v26 =	vld [tilespmem:s28+$0xFFFFFFC8]  }
0x3d9: {  	v36 =	vtrunc.f32 v50;
	v51 =	vmul.f32 $2.048000000e+03, v34  }
0x3da: {  	v36 =	vcvt.f32.s32 v36  }
0x3db: {  	v39 =	vtrunc.f32 v51;
	v52 =	vmul.f32 $2.048000000e+03, v28  }
0x3dc: {  	vm5 =	vgt.s32 v36, $0x0;
	v39 =	vcvt.f32.s32 v39  }
0x3dd: {  	v36 =	vnsel vm5, $0x0, v36;
	v41 =	vtrunc.f32 v52;
	v53 =	vmul.f32 $2.048000000e+03, v26  }
0x3de: {  	v36 =	vmin.u32 v36, $0x7FF;
	vm6 =	vgt.s32 v39, $0x0;
	v41 =	vcvt.f32.s32 v41  }
0x3df: {  	v39 =	vnsel vm6, $0x0, v39;
	v42 =	vtrunc.f32 v53  }
0x3e0: {  	v39 =	vmin.u32 v39, $0x7FF;
	vm7 =	vgt.s32 v41, $0x0;
	v42 =	vcvt.f32.s32 v42  }
0x3e1: {  	v41 =	vnsel vm7, $0x0, v41  }
0x3e2: {  	v41 =	vmin.u32 v41, $0x7FF;
	vm8 =	vgt.s32 v42, $0x0  }
0x3e3: {  	v36 =	vld.idx.msk [tilespmem:v36+s12+$0x0], $0xffff;
	v42 =	vnsel vm8, $0x0, v42  }
0x3e4: {  	v42 =	vmin.u32 v42, $0x7FF  }
0x3e5: {  	v39 =	vld.idx.msk [tilespmem:v39+s12+$0x0], $0xffff;
	_ =	sdelay $0x1  }
0x3e6: {  	v41 =	vld.idx.msk [tilespmem:v41+s12+$0x0], $0xffff  }
0x3e7: {  	v54 =	vadd.s32 $0x1, v36  }
0x3e8: {  	v42 =	vld.idx.msk [tilespmem:v42+s12+$0x0], $0xffff  }
0x3e9: {  	v10 =	vld.idx.msk [tilespmem:v10+s14+$0x0], $0xffff;
	v55 =	vadd.s32 $0x1, v39  }
0x3ea: {  	v20 =	vld.idx.msk [tilespmem:v20+s14+$0x0], $0xffff  }
0x3eb: {  	v21 =	vld.idx.msk [tilespmem:v21+s14+$0x0], $0xffff;
	v56 =	vadd.s32 $0x1, v41  }
0x3ec: {  	v57 =	vld.idx.msk [tilespmem:v54+s13+$0x0], $0xffff  }
0x3ed: {  	v8 =	vld.idx.msk [tilespmem:v8+s14+$0x0], $0xffff;
	v58 =	vadd.s32 $0x1, v42  }
0x3ee: {  	v59 =	vld.idx.msk [tilespmem:v55+s13+$0x0], $0xffff  }
0x3ef: {  	v30 =	vld.idx.msk [tilespmem:v30+s14+$0x0], $0xffff  }
0x3f0: {  	v60 =	vld.idx.msk [tilespmem:v56+s13+$0x0], $0xffff  }
0x3f1: {  	v31 =	vld.idx.msk [tilespmem:v31+s14+$0x0], $0xffff;
	vm9 =	vle.f32 v57, v23  }
0x3f2: {  	v36 =	vsel vm9, v54, v36;
	v61 =	vld.idx.msk [tilespmem:v58+s13+$0x0], $0xffff  }
0x3f3: {  	v33 =	vld.idx.msk [tilespmem:v33+s14+$0x0], $0xffff;
	vm0 =	vlt.s32 v36, $0xFF;
	vm10 =	vle.f32 v59, v34  }
0x3f4: {  	v29 =	vld.idx.msk [tilespmem:v29+s14+$0x0], $0xffff;
	v36 =	vnsel vm0, $0xFF, v36;
	v39 =	vsel vm10, v55, v39  }
0x3f5: {  	v32 =	vld.idx.msk [tilespmem:v32+s14+$0x0], $0xffff;
	v62 =	vadd.s32 $0x1, v36;
	vm11 =	vlt.s32 v39, $0xFF;
	vm12 =	vle.f32 v60, v28  }
0x3f6: {  	v35 =	vld.idx.msk [tilespmem:v35+s14+$0x0], $0xffff;
	v39 =	vnsel vm11, $0xFF, v39;
	v41 =	vsel vm12, v56, v41  }
0x3f7: {  	v37 =	vld.idx.msk [tilespmem:v37+s14+$0x0], $0xffff;
	v45 =	vadd.s32 $0x1, v39;
	vm13 =	vlt.s32 v41, $0xFF;
	vm14 =	vle.f32 v61, v26  }
0x3f8: {  	v20 =	vsub.f32 v20, v21;
	v38 =	vld.idx.msk [tilespmem:v38+s14+$0x0], $0xffff;
	v41 =	vnsel vm13, $0xFF, v41;
	v42 =	vsel vm14, v58, v42  }
0x3f9: {  	v7 =	vsub.f32 v7, v13;
	v51 =	vld.idx.msk [tilespmem:v36+s13+$0x0], $0xffff;
	v43 =	vadd.s32 $0x1, v41;
	vm15 =	vlt.s32 v42, $0xFF  }
0x3fa: {  	v10 =	vsub.f32 v10, v8;
	v5 =	vsub.f32 v5, v16;
	v46 =	vld.idx.msk [tilespmem:v62+s13+$0x0], $0xffff;
	v42 =	vnsel vm15, $0xFF, v42  }
0x3fb: {  	v7 =	vmul.f32 v20, v7;
	v48 =	vld.idx.msk [tilespmem:v39+s13+$0x0], $0xffff;
	v49 =	vadd.s32 $0x1, v42  }
0x3fc: {  	v5 =	vmul.f32 v10, v5;
	v63 =	vld.idx.msk [tilespmem:v45+s13+$0x0], $0xffff  }
0x3fd: {  	v7 =	vmul.f32 v7, v11;
	v13 =	vld.idx.msk [tilespmem:v41+s13+$0x0], $0xffff  }
0x3fe: {  	v5 =	vmul.f32 v5, v14;
	v52 =	vld.idx.msk [tilespmem:v43+s13+$0x0], $0xffff  }
0x3ff: {  	v7 =	vadd.f32 v7, v21;
	v58 =	vld.idx.msk [tilespmem:v42+s13+$0x0], $0xffff  }
0x400: {  	v5 =	vadd.f32 v5, v8;
	v22 =	vsub.f32 v22, v25;
	v56 =	vld.idx.msk [tilespmem:v49+s13+$0x0], $0xffff  }
0x401: {  	v6 =	vsub.f32 v6, v27;
	v12 =	vsub.f32 v18, v12;
	v20 =	vld.idx.msk [tilespmem:v36+s14+$0x0], $0xffff  }
0x402: {  	v59 =	vsub.f32 v33, v29;
	v60 =	vld.idx.msk [tilespmem:v62+s14+$0x0], $0xffff;
	v62 =	vsub.f32 v63, v48  }
0x403: {  	v17 =	vsub.f32 v19, v17;
	v33 =	vsub.f32 v46, v51;
	v36 =	vld.idx.msk [tilespmem:v45+s14+$0x0], $0xffff  }
0x404: {  	v6 =	vmul.f32 v59, v6;
	v63 =	vld.idx.msk [tilespmem:v39+s14+$0x0], $0xffff;
	(erf) = vrcp.f32 v62;
	v39 =	vsub.f32 v52, v13  }
0x405: {  	v57 =	vsub.f32 v31, v30;
	v44 =	vld.idx.msk [tilespmem:v41+s14+$0x0], $0xffff;
	(erf) = vrcp.f32 v33;
	v16 =	vsub.f32 v56, v58  }
0x406: {  	v54 =	vsub.f32 v23, v51;
	v6 =	vmul.f32 v6, v40;
	v40 =	vld.idx.msk [tilespmem:v43+s14+$0x0], $0xffff;
	(erf) = vrcp.f32 v39  }
0x407: {  	v61 =	vmul.f32 v57, v22;
	v45 =	vsub.f32 v35, v32;
	v46 =	vld.idx.msk [tilespmem:v49+s14+$0x0], $0xffff;
	(erf) = vrcp.f32 v16  }
0x408: {  	v6 =	vadd.f32 v6, v29;
	v53 =	vsub.f32 v60, v20;
	v49 =	vld.idx.msk [tilespmem:v42+s14+$0x0], $0xffff  }
0x409: {  	v11 =	vmul.f32 v61, v47;
	v12 =	vmul.f32 v45, v12;
	v43 =	vsub.f32 v38, v37  }
0x40a: {  	[tilespmem:s19+$0xFFFFFFC8] =	vst v5;
	v5 =	vmul.f32 v53, v54;
	v52 =	vsub.f32 v34, v48;
	v50 =	vsub.f32 v36, v63  }
0x40b: {  	v11 =	vadd.f32 v11, v30;
	v12 =	vmul.f32 v12, v24;
	v47 =	vmul.f32 v43, v17  }
0x40c: {  	[tilespmem:s21+$0x0] =	vst v7;
	v55 =	vsub.f32 v40, v44;
	v13 =	vsub.f32 v28, v13;
	v7 =	vmul.f32 v50, v52  }
0x40d: {  	[tilespmem:s18+$0xFFFFFFC8] =	vst v15;
	v8 =	vmul.f32 v47, v9;
	v57 =	vsub.f32 v46, v49;
	v58 =	vsub.f32 v26, v58;
	v56 =	vpop (erf)  }
0x40e: {  	[tilespmem:s20+$0xFFFFFFC8] =	vst v6;
	v6 =	vadd.f32 v12, v32;
	v9 =	vmul.f32 v55, v13;
	v7 =	vmul.f32 v7, v56;
	v59 =	vpop (erf)  }
0x40f: {  	[tilespmem:s24+$0x0] =	vst v11;
	v8 =	vadd.f32 v8, v37;
	v61 =	vmul.f32 v57, v58;
	v5 =	vmul.f32 v5, v59;
	v60 =	vpop (erf)  }
0x410: {  	[tilespmem:s21+$0xFFFFFFC8] =	vst v6;
	v7 =	vadd.f32 v7, v63;
	v62 =	vmul.f32 v9, v60;
	v63 =	vpop (erf)  }
0x411: {  	[tilespmem:s26+$0x0] =	vst v8;
	v5 =	vadd.f32 v5, v20;
	v6 =	vmul.f32 v61, v63  }
0x412: {  	[tilespmem:s29+$0x0] =	vst v7;
	v7 =	vadd.f32 v62, v44  }
0x413: {  	s17 =	sadd.s32 $0x1, s17;
	[tilespmem:s24+$0xFFFFFFC8] =	vst v5;
	v5 =	vadd.f32 v6, v49  }
0x414: {  	p0 =	sne.s32 s17, s7;
	[tilespmem:s26+$0xFFFFFFC8] =	vst v7  }
.Ltmp2:
0x415: {  	[tilespmem:s29+$0xFFFFFFC8] =	vst v5;
	(pc) =	sbr.rel @p0 .LBB2_1-.Ltmp2, $4  }
0x416: {  	[hbm4b:s6+s4] =	stream.linear.scatter [tilespmem:s15], [sflag:$0x2], $0x1C00, $0x38;
	[tilespmem:$0x4700] =	vst v63  }
0x417: {  	_ =	swait.ge [sflag:s16], $0x1C00  }
0x418: {  	[sflag:s16] =	ssyncset.done $0x0  }
0x419: {  	[sflag:s16] =	ssyncadd.s32 $0xFFFFE400  }
0x41a: {  	_ =	sfence.sel $0x180000  }
0x41b: {  	[bflag:$0x0] =	sbarrier.arrive $0xFFFF  }
0x41c: {  	p0 =	sne.s32 s0, $0x0;
	_ =	strace $0x90000047  }
0x41d: {  	s0 =	sadd.s32 @!p0 $0x100000, s2;
	[bflag:$0x2] =	sbarrier.arrive $0xFFFF  }
0x41e: {  	[sflag:s0] =	ssyncadd.tile.s32 @!p0 $0x1;
	_ =	shalt  }
.Lfunc_end2:
_tile_overlayer_lowered:
.L_overlay_start_2:
0x41f: {  	(tag) =	ssettag $0x2  }
0x420: {  	s0 =	rddreg [dreg:$0x0];
	s2 =	stileid.u32  }
0x421: {  	s1 =	rddreg [dreg:$0x1];
	p0 =	sne.s32 s2, $0x0  }
0x422: {  	s3 =	rddreg [dreg:$0x2];
	[bflag:$0x3] =	sbarrier.arrive $0xFFFF;
	s2 =	simm.s32 @!p0 $0x1C02  }
0x423: {  	[timem:s3], [sflag:s2] =	dma.local @!p0 [hbm:s0], s1  }
0x424: {  	s0 =	simm.s32 @!p0 $0x2  }
0x425: {  	_ =	swait.ge @!p0 [sflag:s0], s1  }
0x426: {  	s1 =	ssub.s32 @!p0 $0x0, s1;
	[sflag:s0] =	ssyncset.done @!p0 $0x0  }
0x427: {  	[sflag:s0] =	ssyncadd.s32 @!p0 s1  }
0x428: {  	[bflag:$0x3] =	sbarrier.arrive $0xFFFF  }
0x429: {  	_ =	shalt  }

</sc_bundles>
